<compile_context>
chip_gen: v7x
topology: tpu7x:2x2x1
jax: 0.10.2.dev20260603
libtpu: 0.0.44.dev20260713+nightly
codegen_flags: <defaults>
</compile_context>

<pallas_src>
import functools

import jax
import jax.numpy as jnp
from jax import lax
from jax.experimental import pallas as pl
from jax.experimental.pallas import tpu as pltpu
from jax.experimental.pallas import tpu_sc as plsc

N_QUADS = 16384
N_QUALS = 49152
N_ENT = 128
N_REL = 32
D = 256

QBLK = 1024
NA = N_QUALS // QBLK
TQ = 256
NT = N_QUADS // TQ
K = 1024
YW = 384


def _prelude(ent_ref, rel_ref, w1_ref, pw_ref, q2_ref,
             a_ref, b_ref, ph_ref, pr_ref, pt_ref, ts_ref):
    ent = ent_ref[...]
    rel = rel_ref[...]
    w1 = w1_ref[...]
    a_ref[...] = jnp.dot(rel, w1[:D], preferred_element_type=jnp.float32)
    b_ref[...] = jnp.dot(ent, w1[D:], preferred_element_type=jnp.float32)
    pw = pw_ref[...]
    ph_ref[...] = jnp.dot(ent, pw[:D], preferred_element_type=jnp.float32)
    pr_ref[...] = jnp.dot(rel, pw[D:2 * D], preferred_element_type=jnp.float32)
    pt_ref[...] = jnp.dot(ent, pw[2 * D:3 * D], preferred_element_type=jnp.float32)
    q2 = q2_ref[...]
    for t in range(NT + 1):
        ts_ref[0, t] = jnp.sum((q2 < t * TQ).astype(jnp.int32))


def _stage_a(qt_ref, qv_ref, a_ref, b_ref, b1_ref, w2_ref, b2_ref,
             aw_ref, ab_ref, av_ref, y_ref):
    t = qt_ref[0, 0, :]
    v = qv_ref[0, 0, :]
    bf = jnp.bfloat16
    oh_t = (t[:, None] == lax.broadcasted_iota(jnp.int32, (QBLK, N_REL), 1)
            ).astype(bf)
    g = jnp.dot(oh_t, a_ref[...].astype(bf), preferred_element_type=jnp.float32)
    oh_v = (v[:, None] == lax.broadcasted_iota(jnp.int32, (QBLK, N_ENT), 1)
            ).astype(bf)
    g = g + jnp.dot(oh_v, b_ref[...].astype(bf), preferred_element_type=jnp.float32)
    h = jnp.maximum(g + b1_ref[...], 0.0)
    p = jnp.dot(h.astype(bf), w2_ref[...].astype(bf),
                preferred_element_type=jnp.float32) + b2_ref[...]
    u = jnp.tanh(jnp.dot(p.astype(bf), aw_ref[...].astype(bf),
                         preferred_element_type=jnp.float32)
                 + ab_ref[...])
    s = jnp.sum(u * av_ref[...], axis=1, keepdims=True)
    e = jnp.exp(s)
    y_ref[:, :D] = (p * e).astype(bf)
    y_ref[:, D:] = jnp.broadcast_to(e.astype(bf), (QBLK, 128))


SC_NC = 2
SC_NS = 16
SC_L = 16
SC_NW = SC_NC * SC_NS
SC_RW = N_QUADS // SC_NW
SC_CH = 128


def _sc_base_body(h_hbm, r_hbm, t_hbm, ph_hbm, pr_hbm, pt_hbm, out_hbm,
                  hi_v, ri_v, ti_v, hrow, rrow, trow, s1, s2, s3):
    wid = lax.axis_index("s") * SC_NC + lax.axis_index("c")
    base = wid * SC_RW

    def body(ci, carry):
        off = base + ci * SC_CH
        pltpu.sync_copy(h_hbm.at[pl.ds(off, SC_CH)], hi_v)
        pltpu.sync_copy(r_hbm.at[pl.ds(off, SC_CH)], ri_v)
        pltpu.sync_copy(t_hbm.at[pl.ds(off, SC_CH)], ti_v)
        c1 = pltpu.async_copy(ph_hbm.at[hi_v], hrow, s1)
        c2 = pltpu.async_copy(pr_hbm.at[ri_v], rrow, s2)
        c3 = pltpu.async_copy(pt_hbm.at[ti_v], trow, s3)
        c1.wait()
        c2.wait()
        c3.wait()

        def rowfn(rr, c):
            for j in range(0, D, SC_L):
                hrow[rr, pl.ds(j, SC_L)] = (hrow[rr, pl.ds(j, SC_L)]
                                            + rrow[rr, pl.ds(j, SC_L)]
                                            + trow[rr, pl.ds(j, SC_L)])
            return c

        lax.fori_loop(0, SC_CH, rowfn, 0)
        pltpu.sync_copy(hrow, out_hbm.at[pl.ds(off, SC_CH)])
        return carry

    lax.fori_loop(0, SC_RW // SC_CH, body, 0)


def _sc_token_base(head_idx, rel_idx, tail_idx, ph, pr, pt):
    run = functools.partial(
        pl.kernel,
        mesh=plsc.VectorSubcoreMesh(core_axis_name="c", subcore_axis_name="s"),
        out_type=jax.ShapeDtypeStruct((N_QUADS, D), jnp.float32),
        scratch_types=[
            pltpu.VMEM((SC_CH,), jnp.int32),
            pltpu.VMEM((SC_CH,), jnp.int32),
            pltpu.VMEM((SC_CH,), jnp.int32),
            pltpu.VMEM((SC_CH, D), jnp.float32),
            pltpu.VMEM((SC_CH, D), jnp.float32),
            pltpu.VMEM((SC_CH, D), jnp.float32),
            pltpu.SemaphoreType.DMA,
            pltpu.SemaphoreType.DMA,
            pltpu.SemaphoreType.DMA,
        ],
    )(_sc_base_body)
    return run(head_idx, rel_idx, tail_idx, ph, pr, pt)


def _stage_b(ts_ref, y_hbm, qq_hbm, tb_ref, pw3_ref, pb_ref, out_ref,
             ybuf, qbuf, semy, semq):
    tile = pl.program_id(0)
    bf = jnp.bfloat16

    def rng(t):
        return (ts_ref[0, t] // 128) * 128, ts_ref[0, t + 1]

    r0, r1 = rng(tile)
    nch = lax.div(r1 - r0 + (K - 1), K)
    base = tile * TQ

    def cps(t0, i, slot):
        s = pl.multiple_of(jnp.minimum(t0 + i * K, N_QUALS - K), 128)
        return (pltpu.make_async_copy(y_hbm.at[pl.ds(s, K), :],
                                      ybuf.at[slot], semy.at[slot]),
                pltpu.make_async_copy(qq_hbm.at[pl.ds(s, K)],
                                      qbuf.at[slot], semq.at[slot]))

    slot0 = lax.rem(tile, 2)

    @pl.when(nch > 0)
    def _():
        for c in cps(r0, 0, slot0):
            c.start()

    def chunk(i, acc):
        start = r0 + i * K
        s = pl.multiple_of(jnp.minimum(start, N_QUALS - K), 128)
        slot = jnp.where(i == 0, slot0, 2 + lax.rem(i, 2))

        @pl.when(i + 1 < nch)
        def _():
            for c in cps(r0, i + 1, 2 + lax.rem(i + 1, 2)):
                c.start()

        for c in cps(r0, i, slot):
            c.wait()
        y = ybuf[slot]
        ids = qbuf[slot][:, None]
        lane = lax.broadcasted_iota(jnp.int32, (K, TQ), 1) + base
        m = ids == lane
        rowi = lax.broadcasted_iota(jnp.int32, (K, TQ), 0) + s
        m = jnp.logical_and(m, rowi >= start)
        mf = m.astype(bf)
        return acc + lax.dot_general(mf, y,
                                     (((0,), (0,)), ((), ())),
                                     preferred_element_type=jnp.float32)

    acc = lax.fori_loop(0, nch, chunk,
                        jnp.zeros((TQ, D + 128), jnp.float32))
    den = acc[:, D:]
    qe = acc[:, :D] / (jnp.concatenate([den, den], axis=1) + 1e-9)
    tok = jnp.dot(qe.astype(bf), pw3_ref[...].astype(bf),
                  preferred_element_type=jnp.float32)
    out_ref[...] = tok + tb_ref[...] + pb_ref[...]


def kernel(head_idx, rel_idx, tail_idx, qual_type_idx, qual_value_idx,
           qual_to_quad, entity_embeddings, relation_embeddings,
           mlp_w1, mlp_b1, mlp_w2, mlp_b2, attn_w, attn_b, attn_v,
           proj_w, proj_b):
    f32 = jnp.float32
    q2r = qual_to_quad.reshape(N_QUALS // 128, 128)
    prelude = pl.pallas_call(
        _prelude,
        out_shape=[
            jax.ShapeDtypeStruct((N_REL, D), f32),
            jax.ShapeDtypeStruct((N_ENT, D), f32),
            jax.ShapeDtypeStruct((N_ENT, D), f32),
            jax.ShapeDtypeStruct((N_REL, D), f32),
            jax.ShapeDtypeStruct((N_ENT, D), f32),
            jax.ShapeDtypeStruct((1, 128), jnp.int32),
        ],
        out_specs=[
            pl.BlockSpec(memory_space=pltpu.VMEM),
            pl.BlockSpec(memory_space=pltpu.VMEM),
            pl.BlockSpec(memory_space=pltpu.VMEM),
            pl.BlockSpec(memory_space=pltpu.VMEM),
            pl.BlockSpec(memory_space=pltpu.VMEM),
            pl.BlockSpec(memory_space=pltpu.SMEM),
        ],
    )
    a_tab, b_tab, ph, pr, pt, ts = prelude(
        entity_embeddings, relation_embeddings, mlp_w1, proj_w, q2r)

    qtr = qual_type_idx.reshape(NA, 1, QBLK)
    qvr = qual_value_idx.reshape(NA, 1, QBLK)
    row = lambda x: x.reshape(1, D)
    y = pl.pallas_call(
        _stage_a,
        grid=(NA,),
        in_specs=[
            pl.BlockSpec((1, 1, QBLK), lambda i: (i, 0, 0)),
            pl.BlockSpec((1, 1, QBLK), lambda i: (i, 0, 0)),
            pl.BlockSpec((N_REL, D), lambda i: (0, 0)),
            pl.BlockSpec((N_ENT, D), lambda i: (0, 0)),
            pl.BlockSpec((1, D), lambda i: (0, 0)),
            pl.BlockSpec((D, D), lambda i: (0, 0)),
            pl.BlockSpec((1, D), lambda i: (0, 0)),
            pl.BlockSpec((D, D), lambda i: (0, 0)),
            pl.BlockSpec((1, D), lambda i: (0, 0)),
            pl.BlockSpec((1, D), lambda i: (0, 0)),
        ],
        out_specs=pl.BlockSpec((QBLK, YW), lambda i: (i, 0)),
        out_shape=jax.ShapeDtypeStruct((N_QUALS, YW), jnp.bfloat16),
    )(qtr, qvr, a_tab, b_tab, row(mlp_b1), mlp_w2, row(mlp_b2),
      attn_w, row(attn_b), row(attn_v))

    tb = _sc_token_base(head_idx, rel_idx, tail_idx, ph, pr, pt)
    tokens = pl.pallas_call(
        _stage_b,
        grid=(NT,),
        in_specs=[
            pl.BlockSpec(memory_space=pltpu.SMEM),
            pl.BlockSpec(memory_space=pl.ANY),
            pl.BlockSpec(memory_space=pl.ANY),
            pl.BlockSpec((TQ, D), lambda i: (i, 0)),
            pl.BlockSpec((D, D), lambda i: (0, 0)),
            pl.BlockSpec((1, D), lambda i: (0, 0)),
        ],
        out_specs=pl.BlockSpec((TQ, D), lambda i: (i, 0)),
        out_shape=jax.ShapeDtypeStruct((N_QUADS, D), f32),
        scratch_shapes=[
            pltpu.VMEM((4, K, YW), jnp.bfloat16),
            pltpu.VMEM((4, K), jnp.int32),
            pltpu.SemaphoreType.DMA((4,)),
            pltpu.SemaphoreType.DMA((4,)),
        ],
    )(ts, y, qual_to_quad, tb, proj_w[3 * D:], row(proj_b))
    return tokens

# --- scband reference (transcript-rebuilt; emitter-appended) ---
"""Pipeline reference for scband-memory-tokenizer-17566416241316 (READ-ONLY COPY).

The authoritative reference and input builder live on the scoring server;
editing this copy changes nothing except your own understanding.
"""

import jax, jax.numpy as jnp
import numpy as np

N_QUADS = 16384
N_QUALS = 49152
N_ENT = 128
N_REL = 32
D = 256


def setup_inputs(seed: int = 0) -> dict:
    key = jax.random.key(seed)
    ks = jax.random.split(key, 16)
    inp = {}
    inp["head_idx"] = jax.random.randint(ks[0], (N_QUADS,), 0, N_ENT, dtype=jnp.int32)
    inp["rel_idx"] = jax.random.randint(ks[1], (N_QUADS,), 0, N_REL, dtype=jnp.int32)
    inp["tail_idx"] = jax.random.randint(ks[2], (N_QUADS,), 0, N_ENT, dtype=jnp.int32)
    inp["qual_type_idx"] = jax.random.randint(ks[3], (N_QUALS,), 0, N_REL, dtype=jnp.int32)
    inp["qual_value_idx"] = jax.random.randint(ks[4], (N_QUALS,), 0, N_ENT, dtype=jnp.int32)
    inp["qual_to_quad"] = jnp.sort(jax.random.randint(ks[5], (N_QUALS,), 0, N_QUADS, dtype=jnp.int32))
    # learned parameters (xavier-normal-ish init, as in _init_parameters)
    inp["entity_embeddings"] = jax.random.normal(ks[6], (N_ENT, D), dtype=jnp.float32) * (2.0 / (N_ENT + D)) ** 0.5
    inp["relation_embeddings"] = jax.random.normal(ks[7], (N_REL, D), dtype=jnp.float32) * (2.0 / (N_REL + D)) ** 0.5
    # qualifier MLP: Linear(2D->D) + ReLU + Linear(D->D)
    inp["mlp_w1"] = jax.random.normal(ks[8], (2 * D, D), dtype=jnp.float32) * (2.0 / (3 * D)) ** 0.5
    inp["mlp_b1"] = jnp.zeros((D,), dtype=jnp.float32)
    inp["mlp_w2"] = jax.random.normal(ks[9], (D, D), dtype=jnp.float32) * (1.0 / D) ** 0.5
    inp["mlp_b2"] = jnp.zeros((D,), dtype=jnp.float32)
    # qualifier attention aggregator: score = tanh(x W + b) . v, masked softmax, weighted sum
    inp["attn_w"] = jax.random.normal(ks[10], (D, D), dtype=jnp.float32) * (1.0 / D) ** 0.5
    inp["attn_b"] = jnp.zeros((D,), dtype=jnp.float32)
    inp["attn_v"] = jax.random.normal(ks[11], (D,), dtype=jnp.float32) * (1.0 / D) ** 0.5
    # token projection: Linear(4D -> D)
    inp["proj_w"] = jax.random.normal(ks[12], (4 * D, D), dtype=jnp.float32) * (2.0 / (5 * D)) ** 0.5
    inp["proj_b"] = jnp.zeros((D,), dtype=jnp.float32)
    return inp


def reference(head_idx, rel_idx, tail_idx, qual_type_idx, qual_value_idx, qual_to_quad,
              entity_embeddings, relation_embeddings, mlp_w1, mlp_b1, mlp_w2, mlp_b2,
              attn_w, attn_b, attn_v, proj_w, proj_b):
    # _batch_process_qualifiers: gather type/value embeddings for all ragged qualifiers
    type_embs = jnp.take(relation_embeddings, qual_type_idx, axis=0)
    value_embs = jnp.take(entity_embeddings, qual_value_idx, axis=0)
    combined = jnp.concatenate([type_embs, value_embs], axis=1)
    h = jax.nn.relu(combined @ mlp_w1 + mlp_b1)
    processed = h @ mlp_w2 + mlp_b2  # [N_QUALS, D]
    # attention aggregation per quadruple (ragged segment softmax)
    scores = jnp.tanh(processed @ attn_w + attn_b) @ attn_v  # [N_QUALS]
    seg_max = jax.ops.segment_max(scores, qual_to_quad, num_segments=N_QUADS)
    seg_max = jnp.where(jnp.isfinite(seg_max), seg_max, 0.0)
    ex = jnp.exp(scores - seg_max[qual_to_quad])
    denom = jax.ops.segment_sum(ex, qual_to_quad, num_segments=N_QUADS)
    w = ex / (denom[qual_to_quad] + 1e-9)
    qualifier_embeddings = jax.ops.segment_sum(processed * w[:, None], qual_to_quad, num_segments=N_QUADS)  # [N_QUADS, D]
    # head/relation/tail embedding gathers
    head_embs = jnp.take(entity_embeddings, head_idx, axis=0)
    rel_embs = jnp.take(relation_embeddings, rel_idx, axis=0)
    tail_embs = jnp.take(entity_embeddings, tail_idx, axis=0)
    token_inputs = jnp.concatenate([head_embs, rel_embs, tail_embs, qualifier_embeddings], axis=1)  # [N_QUADS, 4D]
    tokens = token_inputs @ proj_w + proj_b  # [N_QUADS, D]
    return tokens

if __name__ == "__main__":
    import jax
    _d = setup_inputs()
    print(jax.jit(kernel)(*tuple(_d.values())))

</pallas_src>

<mosaic_0001>
#map = affine_map<(d0, d1) -> (0)>
#map1 = affine_map<(d0, d1) -> (0, 0)>
module attributes {stable_mosaic.version = 14 : i64} {
  func.func @_sc_base_body(%arg0: i32, %arg1: i32, %arg2: memref<16384xi32, #tpu.memory_space<hbm>>, %arg3: memref<16384xi32, #tpu.memory_space<hbm>>, %arg4: memref<16384xi32, #tpu.memory_space<hbm>>, %arg5: memref<128x256xf32, #tpu.memory_space<hbm>>, %arg6: memref<32x256xf32, #tpu.memory_space<hbm>>, %arg7: memref<128x256xf32, #tpu.memory_space<hbm>>, %arg8: memref<16384x256xf32, #tpu.memory_space<hbm>>, %arg9: memref<128xi32, #tpu.memory_space<vmem>>, %arg10: memref<128xi32, #tpu.memory_space<vmem>>, %arg11: memref<128xi32, #tpu.memory_space<vmem>>, %arg12: memref<128x256xf32, #tpu.memory_space<vmem>>, %arg13: memref<128x256xf32, #tpu.memory_space<vmem>>, %arg14: memref<128x256xf32, #tpu.memory_space<vmem>>, %arg15: memref<!tpu.dma_semaphore, #tpu.memory_space<semaphore_mem>>, %arg16: memref<!tpu.dma_semaphore, #tpu.memory_space<semaphore_mem>>, %arg17: memref<!tpu.dma_semaphore, #tpu.memory_space<semaphore_mem>>) attributes {dimension_semantics = [#tpu.dimension_semantics<core_parallel>, #tpu.dimension_semantics<subcore_parallel>], iteration_bounds = array<i64: 2, 16>, scalar_prefetch = 0 : i64, scratch_operands = 9 : i64, tpu.core_type = #tpu.core_type<sc_vector_subcore>, window_params = [{transform_indices = #map}, {transform_indices = #map}, {transform_indices = #map}, {transform_indices = #map1}, {transform_indices = #map1}, {transform_indices = #map1}, {transform_indices = #map1}]} {
    %mul3A = arith.constant 2 : i32
    %mul3A_0 = arith.muli %arg1, %mul3A : i32
    %add3A = arith.addi %mul3A_0, %arg0 : i32
    %mul3A_1 = arith.constant 512 : i32
    %mul3A_2 = arith.muli %add3A, %mul3A_1 : i32
    %scan3A = arith.constant 0 : i32
    %scan3A_3 = arith.constant 0 : i32
    %scan3A_4 = arith.constant 4 : i32
    %scan3A_5 = arith.addi %scan3A_3, %scan3A_4 : i32
    %scan3A_6 = arith.constant 1 : i32
    scf.for %scan3A_8 = %scan3A_3 to %scan3A_5 step %scan3A_6  : i32 {
      %mul3A_9 = arith.constant 128 : i32
      %mul3A_10 = arith.muli %scan3A_8, %mul3A_9 : i32
      %add3A_11 = arith.addi %mul3A_2, %mul3A_10 : i32
      "tpu.region"() ({
        %run_scoped3A = tpu.sem_alloc : memref<!tpu.dma_semaphore, #tpu.memory_space<semaphore_mem>>
        %dma_start3A_34 = tpu.memref_slice %arg2[%add3A_11] : memref<16384xi32, #tpu.memory_space<hbm>> -> memref<128xi32, #tpu.memory_space<hbm>>
        %dma_start3A_35 = tpu.memref_slice %arg2[%add3A_11] : memref<16384xi32, #tpu.memory_space<hbm>> -> memref<128xi32, #tpu.memory_space<hbm>>
        tpu.enqueue_dma source(%dma_start3A_35 : memref<128xi32, #tpu.memory_space<hbm>>) target(%arg9 : memref<128xi32, #tpu.memory_space<vmem>>) target_semaphore(%run_scoped3A : memref<!tpu.dma_semaphore, #tpu.memory_space<semaphore_mem>>)
        %dma_wait3A_36 = tpu.memref_slice %arg2[%add3A_11] : memref<16384xi32, #tpu.memory_space<hbm>> -> memref<128xi32, #tpu.memory_space<hbm>>
        %dma_wait3A_37 = tpu.memref_slice %arg2[%add3A_11] : memref<16384xi32, #tpu.memory_space<hbm>> -> memref<128xi32, #tpu.memory_space<hbm>>
        tpu.wait_dma2 semaphore(%run_scoped3A : memref<!tpu.dma_semaphore, #tpu.memory_space<semaphore_mem>>) src(%dma_wait3A_37 : memref<128xi32, #tpu.memory_space<hbm>>) dst(%arg9 : memref<128xi32, #tpu.memory_space<vmem>>)
        tpu.yield
      }) : () -> ()
      "tpu.region"() ({
        %run_scoped3A = tpu.sem_alloc : memref<!tpu.dma_semaphore, #tpu.memory_space<semaphore_mem>>
        %dma_start3A_34 = tpu.memref_slice %arg3[%add3A_11] : memref<16384xi32, #tpu.memory_space<hbm>> -> memref<128xi32, #tpu.memory_space<hbm>>
        %dma_start3A_35 = tpu.memref_slice %arg3[%add3A_11] : memref<16384xi32, #tpu.memory_space<hbm>> -> memref<128xi32, #tpu.memory_space<hbm>>
        tpu.enqueue_dma source(%dma_start3A_35 : memref<128xi32, #tpu.memory_space<hbm>>) target(%arg10 : memref<128xi32, #tpu.memory_space<vmem>>) target_semaphore(%run_scoped3A : memref<!tpu.dma_semaphore, #tpu.memory_space<semaphore_mem>>)
        %dma_wait3A_36 = tpu.memref_slice %arg3[%add3A_11] : memref<16384xi32, #tpu.memory_space<hbm>> -> memref<128xi32, #tpu.memory_space<hbm>>
        %dma_wait3A_37 = tpu.memref_slice %arg3[%add3A_11] : memref<16384xi32, #tpu.memory_space<hbm>> -> memref<128xi32, #tpu.memory_space<hbm>>
        tpu.wait_dma2 semaphore(%run_scoped3A : memref<!tpu.dma_semaphore, #tpu.memory_space<semaphore_mem>>) src(%dma_wait3A_37 : memref<128xi32, #tpu.memory_space<hbm>>) dst(%arg10 : memref<128xi32, #tpu.memory_space<vmem>>)
        tpu.yield
      }) : () -> ()
      "tpu.region"() ({
        %run_scoped3A = tpu.sem_alloc : memref<!tpu.dma_semaphore, #tpu.memory_space<semaphore_mem>>
        %dma_start3A_34 = tpu.memref_slice %arg4[%add3A_11] : memref<16384xi32, #tpu.memory_space<hbm>> -> memref<128xi32, #tpu.memory_space<hbm>>
        %dma_start3A_35 = tpu.memref_slice %arg4[%add3A_11] : memref<16384xi32, #tpu.memory_space<hbm>> -> memref<128xi32, #tpu.memory_space<hbm>>
        tpu.enqueue_dma source(%dma_start3A_35 : memref<128xi32, #tpu.memory_space<hbm>>) target(%arg11 : memref<128xi32, #tpu.memory_space<vmem>>) target_semaphore(%run_scoped3A : memref<!tpu.dma_semaphore, #tpu.memory_space<semaphore_mem>>)
        %dma_wait3A_36 = tpu.memref_slice %arg4[%add3A_11] : memref<16384xi32, #tpu.memory_space<hbm>> -> memref<128xi32, #tpu.memory_space<hbm>>
        %dma_wait3A_37 = tpu.memref_slice %arg4[%add3A_11] : memref<16384xi32, #tpu.memory_space<hbm>> -> memref<128xi32, #tpu.memory_space<hbm>>
        tpu.wait_dma2 semaphore(%run_scoped3A : memref<!tpu.dma_semaphore, #tpu.memory_space<semaphore_mem>>) src(%dma_wait3A_37 : memref<128xi32, #tpu.memory_space<hbm>>) dst(%arg11 : memref<128xi32, #tpu.memory_space<vmem>>)
        tpu.yield
      }) : () -> ()
      %dma_start3A = arith.constant 0 : i32
      %dma_start3A_12 = arith.constant 0 : i32
      %dma_start3A_13 = tpu.memref_slice %arg5[%dma_start3A, %dma_start3A_12] : memref<128x256xf32, #tpu.memory_space<hbm>> -> memref<128x256xf32, #tpu.memory_space<hbm>>
      tpu.enqueue_indirect_dma source(%dma_start3A_13 : memref<128x256xf32, #tpu.memory_space<hbm>>) target(%arg12 : memref<128x256xf32, #tpu.memory_space<vmem>>) offsets(%arg9 : memref<128xi32, #tpu.memory_space<vmem>>) semaphore(%arg15 : memref<!tpu.dma_semaphore, #tpu.memory_space<semaphore_mem>>)
      %dma_start3A_14 = arith.constant 0 : i32
      %dma_start3A_15 = arith.constant 0 : i32
      %dma_start3A_16 = tpu.memref_slice %arg6[%dma_start3A_14, %dma_start3A_15] : memref<32x256xf32, #tpu.memory_space<hbm>> -> memref<32x256xf32, #tpu.memory_space<hbm>>
      tpu.enqueue_indirect_dma source(%dma_start3A_16 : memref<32x256xf32, #tpu.memory_space<hbm>>) target(%arg13 : memref<128x256xf32, #tpu.memory_space<vmem>>) offsets(%arg10 : memref<128xi32, #tpu.memory_space<vmem>>) semaphore(%arg16 : memref<!tpu.dma_semaphore, #tpu.memory_space<semaphore_mem>>)
      %dma_start3A_17 = arith.constant 0 : i32
      %dma_start3A_18 = arith.constant 0 : i32
      %dma_start3A_19 = tpu.memref_slice %arg7[%dma_start3A_17, %dma_start3A_18] : memref<128x256xf32, #tpu.memory_space<hbm>> -> memref<128x256xf32, #tpu.memory_space<hbm>>
      tpu.enqueue_indirect_dma source(%dma_start3A_19 : memref<128x256xf32, #tpu.memory_space<hbm>>) target(%arg14 : memref<128x256xf32, #tpu.memory_space<vmem>>) offsets(%arg11 : memref<128xi32, #tpu.memory_space<vmem>>) semaphore(%arg17 : memref<!tpu.dma_semaphore, #tpu.memory_space<semaphore_mem>>)
      %dma_wait3A = arith.constant 0 : i32
      %dma_wait3A_20 = arith.constant 0 : i32
      %dma_wait3A_21 = tpu.memref_slice %arg5[%dma_wait3A, %dma_wait3A_20] : memref<128x256xf32, #tpu.memory_space<hbm>> -> memref<128x256xf32, #tpu.memory_space<hbm>>
      tpu.wait_indirect_dma semaphore(%arg15 : memref<!tpu.dma_semaphore, #tpu.memory_space<semaphore_mem>>) src(%dma_wait3A_21 : memref<128x256xf32, #tpu.memory_space<hbm>>) dst(%arg12 : memref<128x256xf32, #tpu.memory_space<vmem>>)
      %dma_wait3A_22 = arith.constant 0 : i32
      %dma_wait3A_23 = arith.constant 0 : i32
      %dma_wait3A_24 = tpu.memref_slice %arg6[%dma_wait3A_22, %dma_wait3A_23] : memref<32x256xf32, #tpu.memory_space<hbm>> -> memref<32x256xf32, #tpu.memory_space<hbm>>
      tpu.wait_indirect_dma semaphore(%arg16 : memref<!tpu.dma_semaphore, #tpu.memory_space<semaphore_mem>>) src(%dma_wait3A_24 : memref<32x256xf32, #tpu.memory_space<hbm>>) dst(%arg13 : memref<128x256xf32, #tpu.memory_space<vmem>>)
      %dma_wait3A_25 = arith.constant 0 : i32
      %dma_wait3A_26 = arith.constant 0 : i32
      %dma_wait3A_27 = tpu.memref_slice %arg7[%dma_wait3A_25, %dma_wait3A_26] : memref<128x256xf32, #tpu.memory_space<hbm>> -> memref<128x256xf32, #tpu.memory_space<hbm>>
      tpu.wait_indirect_dma semaphore(%arg17 : memref<!tpu.dma_semaphore, #tpu.memory_space<semaphore_mem>>) src(%dma_wait3A_27 : memref<128x256xf32, #tpu.memory_space<hbm>>) dst(%arg14 : memref<128x256xf32, #tpu.memory_space<vmem>>)
      %scan3A_28 = arith.constant 0 : i32
      %scan3A_29 = arith.constant 0 : i32
      %scan3A_30 = arith.constant 128 : i32
      %scan3A_31 = arith.addi %scan3A_29, %scan3A_30 : i32
      %scan3A_32 = arith.constant 1 : i32
      scf.for %scan3A_34 = %scan3A_29 to %scan3A_31 step %scan3A_32  : i32 {
        %get3A = arith.index_cast %scan3A_34 : i32 to index
        %get3A_35 = arith.constant 0 : index
        %get3A_36 = tpu.vector_load %arg12[%get3A, %get3A_35] {strides = array<i32>} : memref<128x256xf32, #tpu.memory_space<vmem>>, vector<1x16xf32>,
        %get3A_37 = vector.shape_cast %get3A_36 : vector<1x16xf32> to vector<16xf32>
        %get3A_38 = arith.index_cast %scan3A_34 : i32 to index
        %get3A_39 = arith.constant 0 : index
        %get3A_40 = tpu.vector_load %arg13[%get3A_38, %get3A_39] {strides = array<i32>} : memref<128x256xf32, #tpu.memory_space<vmem>>, vector<1x16xf32>,
        %get3A_41 = vector.shape_cast %get3A_40 : vector<1x16xf32> to vector<16xf32>
        %add3A_42 = arith.addf %get3A_37, %get3A_41 : vector<16xf32>
        %get3A_43 = arith.index_cast %scan3A_34 : i32 to index
        %get3A_44 = arith.constant 0 : index
        %get3A_45 = tpu.vector_load %arg14[%get3A_43, %get3A_44] {strides = array<i32>} : memref<128x256xf32, #tpu.memory_space<vmem>>, vector<1x16xf32>,
        %get3A_46 = vector.shape_cast %get3A_45 : vector<1x16xf32> to vector<16xf32>
        %add3A_47 = arith.addf %add3A_42, %get3A_46 : vector<16xf32>
        %swap3A = arith.index_cast %scan3A_34 : i32 to index
        %swap3A_48 = arith.constant 0 : index
        %swap3A_49 = tpu.vector_load %arg12[%swap3A, %swap3A_48] {strides = array<i32>} : memref<128x256xf32, #tpu.memory_space<vmem>>, vector<1x16xf32>,
        %swap3A_50 = vector.shape_cast %swap3A_49 : vector<1x16xf32> to vector<16xf32>
        %swap3A_51 = vector.shape_cast %add3A_47 : vector<16xf32> to vector<1x16xf32>
        tpu.vector_store %arg12[%swap3A, %swap3A_48], %swap3A_51 {strides = array<i32>} : memref<128x256xf32, #tpu.memory_space<vmem>>, vector<1x16xf32>,
        %get3A_52 = arith.index_cast %scan3A_34 : i32 to index
        %get3A_53 = arith.constant 16 : index
        %get3A_54 = tpu.vector_load %arg12[%get3A_52, %get3A_53] {strides = array<i32>} : memref<128x256xf32, #tpu.memory_space<vmem>>, vector<1x16xf32>,
        %get3A_55 = vector.shape_cast %get3A_54 : vector<1x16xf32> to vector<16xf32>
        %get3A_56 = arith.index_cast %scan3A_34 : i32 to index
        %get3A_57 = arith.constant 16 : index
        %get3A_58 = tpu.vector_load %arg13[%get3A_56, %get3A_57] {strides = array<i32>} : memref<128x256xf32, #tpu.memory_space<vmem>>, vector<1x16xf32>,
        %get3A_59 = vector.shape_cast %get3A_58 : vector<1x16xf32> to vector<16xf32>
        %add3A_60 = arith.addf %get3A_55, %get3A_59 : vector<16xf32>
        %get3A_61 = arith.index_cast %scan3A_34 : i32 to index
        %get3A_62 = arith.constant 16 : index
        %get3A_63 = tpu.vector_load %arg14[%get3A_61, %get3A_62] {strides = array<i32>} : memref<128x256xf32, #tpu.memory_space<vmem>>, vector<1x16xf32>,
        %get3A_64 = vector.shape_cast %get3A_63 : vector<1x16xf32> to vector<16xf32>
        %add3A_65 = arith.addf %add3A_60, %get3A_64 : vector<16xf32>
        %swap3A_66 = arith.index_cast %scan3A_34 : i32 to index
        %swap3A_67 = arith.constant 16 : index
        %swap3A_68 = tpu.vector_load %arg12[%swap3A_66, %swap3A_67] {strides = array<i32>} : memref<128x256xf32, #tpu.memory_space<vmem>>, vector<1x16xf32>,
        %swap3A_69 = vector.shape_cast %swap3A_68 : vector<1x16xf32> to vector<16xf32>
        %swap3A_70 = vector.shape_cast %add3A_65 : vector<16xf32> to vector<1x16xf32>
        tpu.vector_store %arg12[%swap3A_66, %swap3A_67], %swap3A_70 {strides = array<i32>} : memref<128x256xf32, #tpu.memory_space<vmem>>, vector<1x16xf32>,
        %get3A_71 = arith.index_cast %scan3A_34 : i32 to index
        %get3A_72 = arith.constant 32 : index
        %get3A_73 = tpu.vector_load %arg12[%get3A_71, %get3A_72] {strides = array<i32>} : memref<128x256xf32, #tpu.memory_space<vmem>>, vector<1x16xf32>,
        %get3A_74 = vector.shape_cast %get3A_73 : vector<1x16xf32> to vector<16xf32>
        %get3A_75 = arith.index_cast %scan3A_34 : i32 to index
        %get3A_76 = arith.constant 32 : index
        %get3A_77 = tpu.vector_load %arg13[%get3A_75, %get3A_76] {strides = array<i32>} : memref<128x256xf32, #tpu.memory_space<vmem>>, vector<1x16xf32>,
        %get3A_78 = vector.shape_cast %get3A_77 : vector<1x16xf32> to vector<16xf32>
        %add3A_79 = arith.addf %get3A_74, %get3A_78 : vector<16xf32>
        %get3A_80 = arith.index_cast %scan3A_34 : i32 to index
        %get3A_81 = arith.constant 32 : index
        %get3A_82 = tpu.vector_load %arg14[%get3A_80, %get3A_81] {strides = array<i32>} : memref<128x256xf32, #tpu.memory_space<vmem>>, vector<1x16xf32>,
        %get3A_83 = vector.shape_cast %get3A_82 : vector<1x16xf32> to vector<16xf32>
        %add3A_84 = arith.addf %add3A_79, %get3A_83 : vector<16xf32>
        %swap3A_85 = arith.index_cast %scan3A_34 : i32 to index
        %swap3A_86 = arith.constant 32 : index
        %swap3A_87 = tpu.vector_load %arg12[%swap3A_85, %swap3A_86] {strides = array<i32>} : memref<128x256xf32, #tpu.memory_space<vmem>>, vector<1x16xf32>,
        %swap3A_88 = vector.shape_cast %swap3A_87 : vector<1x16xf32> to vector<16xf32>
        %swap3A_89 = vector.shape_cast %add3A_84 : vector<16xf32> to vector<1x16xf32>
        tpu.vector_store %arg12[%swap3A_85, %swap3A_86], %swap3A_89 {strides = array<i32>} : memref<128x256xf32, #tpu.memory_space<vmem>>, vector<1x16xf32>,
        %get3A_90 = arith.index_cast %scan3A_34 : i32 to index
        %get3A_91 = arith.constant 48 : index
        %get3A_92 = tpu.vector_load %arg12[%get3A_90, %get3A_91] {strides = array<i32>} : memref<128x256xf32, #tpu.memory_space<vmem>>, vector<1x16xf32>,
        %get3A_93 = vector.shape_cast %get3A_92 : vector<1x16xf32> to vector<16xf32>
        %get3A_94 = arith.index_cast %scan3A_34 : i32 to index
        %get3A_95 = arith.constant 48 : index
        %get3A_96 = tpu.vector_load %arg13[%get3A_94, %get3A_95] {strides = array<i32>} : memref<128x256xf32, #tpu.memory_space<vmem>>, vector<1x16xf32>,
        %get3A_97 = vector.shape_cast %get3A_96 : vector<1x16xf32> to vector<16xf32>
        %add3A_98 = arith.addf %get3A_93, %get3A_97 : vector<16xf32>
        %get3A_99 = arith.index_cast %scan3A_34 : i32 to index
        %get3A_100 = arith.constant 48 : index
        %get3A_101 = tpu.vector_load %arg14[%get3A_99, %get3A_100] {strides = array<i32>} : memref<128x256xf32, #tpu.memory_space<vmem>>, vector<1x16xf32>,
        %get3A_102 = vector.shape_cast %get3A_101 : vector<1x16xf32> to vector<16xf32>
        %add3A_103 = arith.addf %add3A_98, %get3A_102 : vector<16xf32>
        %swap3A_104 = arith.index_cast %scan3A_34 : i32 to index
        %swap3A_105 = arith.constant 48 : index
        %swap3A_106 = tpu.vector_load %arg12[%swap3A_104, %swap3A_105] {strides = array<i32>} : memref<128x256xf32, #tpu.memory_space<vmem>>, vector<1x16xf32>,
        %swap3A_107 = vector.shape_cast %swap3A_106 : vector<1x16xf32> to vector<16xf32>
        %swap3A_108 = vector.shape_cast %add3A_103 : vector<16xf32> to vector<1x16xf32>
        tpu.vector_store %arg12[%swap3A_104, %swap3A_105], %swap3A_108 {strides = array<i32>} : memref<128x256xf32, #tpu.memory_space<vmem>>, vector<1x16xf32>,
        %get3A_109 = arith.index_cast %scan3A_34 : i32 to index
        %get3A_110 = arith.constant 64 : index
        %get3A_111 = tpu.vector_load %arg12[%get3A_109, %get3A_110] {strides = array<i32>} : memref<128x256xf32, #tpu.memory_space<vmem>>, vector<1x16xf32>,
        %get3A_112 = vector.shape_cast %get3A_111 : vector<1x16xf32> to vector<16xf32>
        %get3A_113 = arith.index_cast %scan3A_34 : i32 to index
        %get3A_114 = arith.constant 64 : index
        %get3A_115 = tpu.vector_load %arg13[%get3A_113, %get3A_114] {strides = array<i32>} : memref<128x256xf32, #tpu.memory_space<vmem>>, vector<1x16xf32>,
        %get3A_116 = vector.shape_cast %get3A_115 : vector<1x16xf32> to vector<16xf32>
        %add3A_117 = arith.addf %get3A_112, %get3A_116 : vector<16xf32>
        %get3A_118 = arith.index_cast %scan3A_34 : i32 to index
        %get3A_119 = arith.constant 64 : index
        %get3A_120 = tpu.vector_load %arg14[%get3A_118, %get3A_119] {strides = array<i32>} : memref<128x256xf32, #tpu.memory_space<vmem>>, vector<1x16xf32>,
        %get3A_121 = vector.shape_cast %get3A_120 : vector<1x16xf32> to vector<16xf32>
        %add3A_122 = arith.addf %add3A_117, %get3A_121 : vector<16xf32>
        %swap3A_123 = arith.index_cast %scan3A_34 : i32 to index
        %swap3A_124 = arith.constant 64 : index
        %swap3A_125 = tpu.vector_load %arg12[%swap3A_123, %swap3A_124] {strides = array<i32>} : memref<128x256xf32, #tpu.memory_space<vmem>>, vector<1x16xf32>,
        %swap3A_126 = vector.shape_cast %swap3A_125 : vector<1x16xf32> to vector<16xf32>
        %swap3A_127 = vector.shape_cast %add3A_122 : vector<16xf32> to vector<1x16xf32>
        tpu.vector_store %arg12[%swap3A_123, %swap3A_124], %swap3A_127 {strides = array<i32>} : memref<128x256xf32, #tpu.memory_space<vmem>>, vector<1x16xf32>,
        %get3A_128 = arith.index_cast %scan3A_34 : i32 to index
        %get3A_129 = arith.constant 80 : index
        %get3A_130 = tpu.vector_load %arg12[%get3A_128, %get3A_129] {strides = array<i32>} : memref<128x256xf32, #tpu.memory_space<vmem>>, vector<1x16xf32>,
        %get3A_131 = vector.shape_cast %get3A_130 : vector<1x16xf32> to vector<16xf32>
        %get3A_132 = arith.index_cast %scan3A_34 : i32 to index
        %get3A_133 = arith.constant 80 : index
        %get3A_134 = tpu.vector_load %arg13[%get3A_132, %get3A_133] {strides = array<i32>} : memref<128x256xf32, #tpu.memory_space<vmem>>, vector<1x16xf32>,
        %get3A_135 = vector.shape_cast %get3A_134 : vector<1x16xf32> to vector<16xf32>
        %add3A_136 = arith.addf %get3A_131, %get3A_135 : vector<16xf32>
        %get3A_137 = arith.index_cast %scan3A_34 : i32 to index
        %get3A_138 = arith.constant 80 : index
        %get3A_139 = tpu.vector_load %arg14[%get3A_137, %get3A_138] {strides = array<i32>} : memref<128x256xf32, #tpu.memory_space<vmem>>, vector<1x16xf32>,
        %get3A_140 = vector.shape_cast %get3A_139 : vector<1x16xf32> to vector<16xf32>
        %add3A_141 = arith.addf %add3A_136, %get3A_140 : vector<16xf32>
        %swap3A_142 = arith.index_cast %scan3A_34 : i32 to index
        %swap3A_143 = arith.constant 80 : index
        %swap3A_144 = tpu.vector_load %arg12[%swap3A_142, %swap3A_143] {strides = array<i32>} : memref<128x256xf32, #tpu.memory_space<vmem>>, vector<1x16xf32>,
        %swap3A_145 = vector.shape_cast %swap3A_144 : vector<1x16xf32> to vector<16xf32>
        %swap3A_146 = vector.shape_cast %add3A_141 : vector<16xf32> to vector<1x16xf32>
        tpu.vector_store %arg12[%swap3A_142, %swap3A_143], %swap3A_146 {strides = array<i32>} : memref<128x256xf32, #tpu.memory_space<vmem>>, vector<1x16xf32>,
        %get3A_147 = arith.index_cast %scan3A_34 : i32 to index
        %get3A_148 = arith.constant 96 : index
        %get3A_149 = tpu.vector_load %arg12[%get3A_147, %get3A_148] {strides = array<i32>} : memref<128x256xf32, #tpu.memory_space<vmem>>, vector<1x16xf32>,
        %get3A_150 = vector.shape_cast %get3A_149 : vector<1x16xf32> to vector<16xf32>
        %get3A_151 = arith.index_cast %scan3A_34 : i32 to index
        %get3A_152 = arith.constant 96 : index
        %get3A_153 = tpu.vector_load %arg13[%get3A_151, %get3A_152] {strides = array<i32>} : memref<128x256xf32, #tpu.memory_space<vmem>>, vector<1x16xf32>,
        %get3A_154 = vector.shape_cast %get3A_153 : vector<1x16xf32> to vector<16xf32>
        %add3A_155 = arith.addf %get3A_150, %get3A_154 : vector<16xf32>
        %get3A_156 = arith.index_cast %scan3A_34 : i32 to index
        %get3A_157 = arith.constant 96 : index
        %get3A_158 = tpu.vector_load %arg14[%get3A_156, %get3A_157] {strides = array<i32>} : memref<128x256xf32, #tpu.memory_space<vmem>>, vector<1x16xf32>,
        %get3A_159 = vector.shape_cast %get3A_158 : vector<1x16xf32> to vector<16xf32>
        %add3A_160 = arith.addf %add3A_155, %get3A_159 : vector<16xf32>
        %swap3A_161 = arith.index_cast %scan3A_34 : i32 to index
        %swap3A_162 = arith.constant 96 : index
        %swap3A_163 = tpu.vector_load %arg12[%swap3A_161, %swap3A_162] {strides = array<i32>} : memref<128x256xf32, #tpu.memory_space<vmem>>, vector<1x16xf32>,
        %swap3A_164 = vector.shape_cast %swap3A_163 : vector<1x16xf32> to vector<16xf32>
        %swap3A_165 = vector.shape_cast %add3A_160 : vector<16xf32> to vector<1x16xf32>
        tpu.vector_store %arg12[%swap3A_161, %swap3A_162], %swap3A_165 {strides = array<i32>} : memref<128x256xf32, #tpu.memory_space<vmem>>, vector<1x16xf32>,
        %get3A_166 = arith.index_cast %scan3A_34 : i32 to index
        %get3A_167 = arith.constant 112 : index
        %get3A_168 = tpu.vector_load %arg12[%get3A_166, %get3A_167] {strides = array<i32>} : memref<128x256xf32, #tpu.memory_space<vmem>>, vector<1x16xf32>,
        %get3A_169 = vector.shape_cast %get3A_168 : vector<1x16xf32> to vector<16xf32>
        %get3A_170 = arith.index_cast %scan3A_34 : i32 to index
        %get3A_171 = arith.constant 112 : index
        %get3A_172 = tpu.vector_load %arg13[%get3A_170, %get3A_171] {strides = array<i32>} : memref<128x256xf32, #tpu.memory_space<vmem>>, vector<1x16xf32>,
        %get3A_173 = vector.shape_cast %get3A_172 : vector<1x16xf32> to vector<16xf32>
        %add3A_174 = arith.addf %get3A_169, %get3A_173 : vector<16xf32>
        %get3A_175 = arith.index_cast %scan3A_34 : i32 to index
        %get3A_176 = arith.constant 112 : index
        %get3A_177 = tpu.vector_load %arg14[%get3A_175, %get3A_176] {strides = array<i32>} : memref<128x256xf32, #tpu.memory_space<vmem>>, vector<1x16xf32>,
        %get3A_178 = vector.shape_cast %get3A_177 : vector<1x16xf32> to vector<16xf32>
        %add3A_179 = arith.addf %add3A_174, %get3A_178 : vector<16xf32>
        %swap3A_180 = arith.index_cast %scan3A_34 : i32 to index
        %swap3A_181 = arith.constant 112 : index
        %swap3A_182 = tpu.vector_load %arg12[%swap3A_180, %swap3A_181] {strides = array<i32>} : memref<128x256xf32, #tpu.memory_space<vmem>>, vector<1x16xf32>,
        %swap3A_183 = vector.shape_cast %swap3A_182 : vector<1x16xf32> to vector<16xf32>
        %swap3A_184 = vector.shape_cast %add3A_179 : vector<16xf32> to vector<1x16xf32>
        tpu.vector_store %arg12[%swap3A_180, %swap3A_181], %swap3A_184 {strides = array<i32>} : memref<128x256xf32, #tpu.memory_space<vmem>>, vector<1x16xf32>,
        %get3A_185 = arith.index_cast %scan3A_34 : i32 to index
        %get3A_186 = arith.constant 128 : index
        %get3A_187 = tpu.vector_load %arg12[%get3A_185, %get3A_186] {strides = array<i32>} : memref<128x256xf32, #tpu.memory_space<vmem>>, vector<1x16xf32>,
        %get3A_188 = vector.shape_cast %get3A_187 : vector<1x16xf32> to vector<16xf32>
        %get3A_189 = arith.index_cast %scan3A_34 : i32 to index
        %get3A_190 = arith.constant 128 : index
        %get3A_191 = tpu.vector_load %arg13[%get3A_189, %get3A_190] {strides = array<i32>} : memref<128x256xf32, #tpu.memory_space<vmem>>, vector<1x16xf32>,
        %get3A_192 = vector.shape_cast %get3A_191 : vector<1x16xf32> to vector<16xf32>
        %add3A_193 = arith.addf %get3A_188, %get3A_192 : vector<16xf32>
        %get3A_194 = arith.index_cast %scan3A_34 : i32 to index
        %get3A_195 = arith.constant 128 : index
        %get3A_196 = tpu.vector_load %arg14[%get3A_194, %get3A_195] {strides = array<i32>} : memref<128x256xf32, #tpu.memory_space<vmem>>, vector<1x16xf32>,
        %get3A_197 = vector.shape_cast %get3A_196 : vector<1x16xf32> to vector<16xf32>
        %add3A_198 = arith.addf %add3A_193, %get3A_197 : vector<16xf32>
        %swap3A_199 = arith.index_cast %scan3A_34 : i32 to index
        %swap3A_200 = arith.constant 128 : index
        %swap3A_201 = tpu.vector_load %arg12[%swap3A_199, %swap3A_200] {strides = array<i32>} : memref<128x256xf32, #tpu.memory_space<vmem>>, vector<1x16xf32>,
        %swap3A_202 = vector.shape_cast %swap3A_201 : vector<1x16xf32> to vector<16xf32>
        %swap3A_203 = vector.shape_cast %add3A_198 : vector<16xf32> to vector<1x16xf32>
        tpu.vector_store %arg12[%swap3A_199, %swap3A_200], %swap3A_203 {strides = array<i32>} : memref<128x256xf32, #tpu.memory_space<vmem>>, vector<1x16xf32>,
        %get3A_204 = arith.index_cast %scan3A_34 : i32 to index
        %get3A_205 = arith.constant 144 : index
        %get3A_206 = tpu.vector_load %arg12[%get3A_204, %get3A_205] {strides = array<i32>} : memref<128x256xf32, #tpu.memory_space<vmem>>, vector<1x16xf32>,
        %get3A_207 = vector.shape_cast %get3A_206 : vector<1x16xf32> to vector<16xf32>
        %get3A_208 = arith.index_cast %scan3A_34 : i32 to index
        %get3A_209 = arith.constant 144 : index
        %get3A_210 = tpu.vector_load %arg13[%get3A_208, %get3A_209] {strides = array<i32>} : memref<128x256xf32, #tpu.memory_space<vmem>>, vector<1x16xf32>,
        %get3A_211 = vector.shape_cast %get3A_210 : vector<1x16xf32> to vector<16xf32>
        %add3A_212 = arith.addf %get3A_207, %get3A_211 : vector<16xf32>
        %get3A_213 = arith.index_cast %scan3A_34 : i32 to index
        %get3A_214 = arith.constant 144 : index
        %get3A_215 = tpu.vector_load %arg14[%get3A_213, %get3A_214] {strides = array<i32>} : memref<128x256xf32, #tpu.memory_space<vmem>>, vector<1x16xf32>,
        %get3A_216 = vector.shape_cast %get3A_215 : vector<1x16xf32> to vector<16xf32>
        %add3A_217 = arith.addf %add3A_212, %get3A_216 : vector<16xf32>
        %swap3A_218 = arith.index_cast %scan3A_34 : i32 to index
        %swap3A_219 = arith.constant 144 : index
        %swap3A_220 = tpu.vector_load %arg12[%swap3A_218, %swap3A_219] {strides = array<i32>} : memref<128x256xf32, #tpu.memory_space<vmem>>, vector<1x16xf32>,
        %swap3A_221 = vector.shape_cast %swap3A_220 : vector<1x16xf32> to vector<16xf32>
        %swap3A_222 = vector.shape_cast %add3A_217 : vector<16xf32> to vector<1x16xf32>
        tpu.vector_store %arg12[%swap3A_218, %swap3A_219], %swap3A_222 {strides = array<i32>} : memref<128x256xf32, #tpu.memory_space<vmem>>, vector<1x16xf32>,
        %get3A_223 = arith.index_cast %scan3A_34 : i32 to index
        %get3A_224 = arith.constant 160 : index
        %get3A_225 = tpu.vector_load %arg12[%get3A_223, %get3A_224] {strides = array<i32>} : memref<128x256xf32, #tpu.memory_space<vmem>>, vector<1x16xf32>,
        %get3A_226 = vector.shape_cast %get3A_225 : vector<1x16xf32> to vector<16xf32>
        %get3A_227 = arith.index_cast %scan3A_34 : i32 to index
        %get3A_228 = arith.constant 160 : index
        %get3A_229 = tpu.vector_load %arg13[%get3A_227, %get3A_228] {strides = array<i32>} : memref<128x256xf32, #tpu.memory_space<vmem>>, vector<1x16xf32>,
        %get3A_230 = vector.shape_cast %get3A_229 : vector<1x16xf32> to vector<16xf32>
        %add3A_231 = arith.addf %get3A_226, %get3A_230 : vector<16xf32>
        %get3A_232 = arith.index_cast %scan3A_34 : i32 to index
        %get3A_233 = arith.constant 160 : index
        %get3A_234 = tpu.vector_load %arg14[%get3A_232, %get3A_233] {strides = array<i32>} : memref<128x256xf32, #tpu.memory_space<vmem>>, vector<1x16xf32>,
        %get3A_235 = vector.shape_cast %get3A_234 : vector<1x16xf32> to vector<16xf32>
        %add3A_236 = arith.addf %add3A_231, %get3A_235 : vector<16xf32>
        %swap3A_237 = arith.index_cast %scan3A_34 : i32 to index
        %swap3A_238 = arith.constant 160 : index
        %swap3A_239 = tpu.vector_load %arg12[%swap3A_237, %swap3A_238] {strides = array<i32>} : memref<128x256xf32, #tpu.memory_space<vmem>>, vector<1x16xf32>,
        %swap3A_240 = vector.shape_cast %swap3A_239 : vector<1x16xf32> to vector<16xf32>
        %swap3A_241 = vector.shape_cast %add3A_236 : vector<16xf32> to vector<1x16xf32>
        tpu.vector_store %arg12[%swap3A_237, %swap3A_238], %swap3A_241 {strides = array<i32>} : memref<128x256xf32, #tpu.memory_space<vmem>>, vector<1x16xf32>,
        %get3A_242 = arith.index_cast %scan3A_34 : i32 to index
        %get3A_243 = arith.constant 176 : index
        %get3A_244 = tpu.vector_load %arg12[%get3A_242, %get3A_243] {strides = array<i32>} : memref<128x256xf32, #tpu.memory_space<vmem>>, vector<1x16xf32>,
        %get3A_245 = vector.shape_cast %get3A_244 : vector<1x16xf32> to vector<16xf32>
        %get3A_246 = arith.index_cast %scan3A_34 : i32 to index
        %get3A_247 = arith.constant 176 : index
        %get3A_248 = tpu.vector_load %arg13[%get3A_246, %get3A_247] {strides = array<i32>} : memref<128x256xf32, #tpu.memory_space<vmem>>, vector<1x16xf32>,
        %get3A_249 = vector.shape_cast %get3A_248 : vector<1x16xf32> to vector<16xf32>
        %add3A_250 = arith.addf %get3A_245, %get3A_249 : vector<16xf32>
        %get3A_251 = arith.index_cast %scan3A_34 : i32 to index
        %get3A_252 = arith.constant 176 : index
        %get3A_253 = tpu.vector_load %arg14[%get3A_251, %get3A_252] {strides = array<i32>} : memref<128x256xf32, #tpu.memory_space<vmem>>, vector<1x16xf32>,
        %get3A_254 = vector.shape_cast %get3A_253 : vector<1x16xf32> to vector<16xf32>
        %add3A_255 = arith.addf %add3A_250, %get3A_254 : vector<16xf32>
        %swap3A_256 = arith.index_cast %scan3A_34 : i32 to index
        %swap3A_257 = arith.constant 176 : index
        %swap3A_258 = tpu.vector_load %arg12[%swap3A_256, %swap3A_257] {strides = array<i32>} : memref<128x256xf32, #tpu.memory_space<vmem>>, vector<1x16xf32>,
        %swap3A_259 = vector.shape_cast %swap3A_258 : vector<1x16xf32> to vector<16xf32>
        %swap3A_260 = vector.shape_cast %add3A_255 : vector<16xf32> to vector<1x16xf32>
        tpu.vector_store %arg12[%swap3A_256, %swap3A_257], %swap3A_260 {strides = array<i32>} : memref<128x256xf32, #tpu.memory_space<vmem>>, vector<1x16xf32>,
        %get3A_261 = arith.index_cast %scan3A_34 : i32 to index
        %get3A_262 = arith.constant 192 : index
        %get3A_263 = tpu.vector_load %arg12[%get3A_261, %get3A_262] {strides = array<i32>} : memref<128x256xf32, #tpu.memory_space<vmem>>, vector<1x16xf32>,
        %get3A_264 = vector.shape_cast %get3A_263 : vector<1x16xf32> to vector<16xf32>
        %get3A_265 = arith.index_cast %scan3A_34 : i32 to index
        %get3A_266 = arith.constant 192 : index
        %get3A_267 = tpu.vector_load %arg13[%get3A_265, %get3A_266] {strides = array<i32>} : memref<128x256xf32, #tpu.memory_space<vmem>>, vector<1x16xf32>,
        %get3A_268 = vector.shape_cast %get3A_267 : vector<1x16xf32> to vector<16xf32>
        %add3A_269 = arith.addf %get3A_264, %get3A_268 : vector<16xf32>
        %get3A_270 = arith.index_cast %scan3A_34 : i32 to index
        %get3A_271 = arith.constant 192 : index
        %get3A_272 = tpu.vector_load %arg14[%get3A_270, %get3A_271] {strides = array<i32>} : memref<128x256xf32, #tpu.memory_space<vmem>>, vector<1x16xf32>,
        %get3A_273 = vector.shape_cast %get3A_272 : vector<1x16xf32> to vector<16xf32>
        %add3A_274 = arith.addf %add3A_269, %get3A_273 : vector<16xf32>
        %swap3A_275 = arith.index_cast %scan3A_34 : i32 to index
        %swap3A_276 = arith.constant 192 : index
        %swap3A_277 = tpu.vector_load %arg12[%swap3A_275, %swap3A_276] {strides = array<i32>} : memref<128x256xf32, #tpu.memory_space<vmem>>, vector<1x16xf32>,
        %swap3A_278 = vector.shape_cast %swap3A_277 : vector<1x16xf32> to vector<16xf32>
        %swap3A_279 = vector.shape_cast %add3A_274 : vector<16xf32> to vector<1x16xf32>
        tpu.vector_store %arg12[%swap3A_275, %swap3A_276], %swap3A_279 {strides = array<i32>} : memref<128x256xf32, #tpu.memory_space<vmem>>, vector<1x16xf32>,
        %get3A_280 = arith.index_cast %scan3A_34 : i32 to index
        %get3A_281 = arith.constant 208 : index
        %get3A_282 = tpu.vector_load %arg12[%get3A_280, %get3A_281] {strides = array<i32>} : memref<128x256xf32, #tpu.memory_space<vmem>>, vector<1x16xf32>,
        %get3A_283 = vector.shape_cast %get3A_282 : vector<1x16xf32> to vector<16xf32>
        %get3A_284 = arith.index_cast %scan3A_34 : i32 to index
        %get3A_285 = arith.constant 208 : index
        %get3A_286 = tpu.vector_load %arg13[%get3A_284, %get3A_285] {strides = array<i32>} : memref<128x256xf32, #tpu.memory_space<vmem>>, vector<1x16xf32>,
        %get3A_287 = vector.shape_cast %get3A_286 : vector<1x16xf32> to vector<16xf32>
        %add3A_288 = arith.addf %get3A_283, %get3A_287 : vector<16xf32>
        %get3A_289 = arith.index_cast %scan3A_34 : i32 to index
        %get3A_290 = arith.constant 208 : index
        %get3A_291 = tpu.vector_load %arg14[%get3A_289, %get3A_290] {strides = array<i32>} : memref<128x256xf32, #tpu.memory_space<vmem>>, vector<1x16xf32>,
        %get3A_292 = vector.shape_cast %get3A_291 : vector<1x16xf32> to vector<16xf32>
        %add3A_293 = arith.addf %add3A_288, %get3A_292 : vector<16xf32>
        %swap3A_294 = arith.index_cast %scan3A_34 : i32 to index
        %swap3A_295 = arith.constant 208 : index
        %swap3A_296 = tpu.vector_load %arg12[%swap3A_294, %swap3A_295] {strides = array<i32>} : memref<128x256xf32, #tpu.memory_space<vmem>>, vector<1x16xf32>,
        %swap3A_297 = vector.shape_cast %swap3A_296 : vector<1x16xf32> to vector<16xf32>
        %swap3A_298 = vector.shape_cast %add3A_293 : vector<16xf32> to vector<1x16xf32>
        tpu.vector_store %arg12[%swap3A_294, %swap3A_295], %swap3A_298 {strides = array<i32>} : memref<128x256xf32, #tpu.memory_space<vmem>>, vector<1x16xf32>,
        %get3A_299 = arith.index_cast %scan3A_34 : i32 to index
        %get3A_300 = arith.constant 224 : index
        %get3A_301 = tpu.vector_load %arg12[%get3A_299, %get3A_300] {strides = array<i32>} : memref<128x256xf32, #tpu.memory_space<vmem>>, vector<1x16xf32>,
        %get3A_302 = vector.shape_cast %get3A_301 : vector<1x16xf32> to vector<16xf32>
        %get3A_303 = arith.index_cast %scan3A_34 : i32 to index
        %get3A_304 = arith.constant 224 : index
        %get3A_305 = tpu.vector_load %arg13[%get3A_303, %get3A_304] {strides = array<i32>} : memref<128x256xf32, #tpu.memory_space<vmem>>, vector<1x16xf32>,
        %get3A_306 = vector.shape_cast %get3A_305 : vector<1x16xf32> to vector<16xf32>
        %add3A_307 = arith.addf %get3A_302, %get3A_306 : vector<16xf32>
        %get3A_308 = arith.index_cast %scan3A_34 : i32 to index
        %get3A_309 = arith.constant 224 : index
        %get3A_310 = tpu.vector_load %arg14[%get3A_308, %get3A_309] {strides = array<i32>} : memref<128x256xf32, #tpu.memory_space<vmem>>, vector<1x16xf32>,
        %get3A_311 = vector.shape_cast %get3A_310 : vector<1x16xf32> to vector<16xf32>
        %add3A_312 = arith.addf %add3A_307, %get3A_311 : vector<16xf32>
        %swap3A_313 = arith.index_cast %scan3A_34 : i32 to index
        %swap3A_314 = arith.constant 224 : index
        %swap3A_315 = tpu.vector_load %arg12[%swap3A_313, %swap3A_314] {strides = array<i32>} : memref<128x256xf32, #tpu.memory_space<vmem>>, vector<1x16xf32>,
        %swap3A_316 = vector.shape_cast %swap3A_315 : vector<1x16xf32> to vector<16xf32>
        %swap3A_317 = vector.shape_cast %add3A_312 : vector<16xf32> to vector<1x16xf32>
        tpu.vector_store %arg12[%swap3A_313, %swap3A_314], %swap3A_317 {strides = array<i32>} : memref<128x256xf32, #tpu.memory_space<vmem>>, vector<1x16xf32>,
        %get3A_318 = arith.index_cast %scan3A_34 : i32 to index
        %get3A_319 = arith.constant 240 : index
        %get3A_320 = tpu.vector_load %arg12[%get3A_318, %get3A_319] {strides = array<i32>} : memref<128x256xf32, #tpu.memory_space<vmem>>, vector<1x16xf32>,
        %get3A_321 = vector.shape_cast %get3A_320 : vector<1x16xf32> to vector<16xf32>
        %get3A_322 = arith.index_cast %scan3A_34 : i32 to index
        %get3A_323 = arith.constant 240 : index
        %get3A_324 = tpu.vector_load %arg13[%get3A_322, %get3A_323] {strides = array<i32>} : memref<128x256xf32, #tpu.memory_space<vmem>>, vector<1x16xf32>,
        %get3A_325 = vector.shape_cast %get3A_324 : vector<1x16xf32> to vector<16xf32>
        %add3A_326 = arith.addf %get3A_321, %get3A_325 : vector<16xf32>
        %get3A_327 = arith.index_cast %scan3A_34 : i32 to index
        %get3A_328 = arith.constant 240 : index
        %get3A_329 = tpu.vector_load %arg14[%get3A_327, %get3A_328] {strides = array<i32>} : memref<128x256xf32, #tpu.memory_space<vmem>>, vector<1x16xf32>,
        %get3A_330 = vector.shape_cast %get3A_329 : vector<1x16xf32> to vector<16xf32>
        %add3A_331 = arith.addf %add3A_326, %get3A_330 : vector<16xf32>
        %swap3A_332 = arith.index_cast %scan3A_34 : i32 to index
        %swap3A_333 = arith.constant 240 : index
        %swap3A_334 = tpu.vector_load %arg12[%swap3A_332, %swap3A_333] {strides = array<i32>} : memref<128x256xf32, #tpu.memory_space<vmem>>, vector<1x16xf32>,
        %swap3A_335 = vector.shape_cast %swap3A_334 : vector<1x16xf32> to vector<16xf32>
        %swap3A_336 = vector.shape_cast %add3A_331 : vector<16xf32> to vector<1x16xf32>
        tpu.vector_store %arg12[%swap3A_332, %swap3A_333], %swap3A_336 {strides = array<i32>} : memref<128x256xf32, #tpu.memory_space<vmem>>, vector<1x16xf32>,
      }
      %scan3A_33 = arith.constant 128 : i32
      "tpu.region"() ({
        %run_scoped3A = tpu.sem_alloc : memref<!tpu.dma_semaphore, #tpu.memory_space<semaphore_mem>>
        %dma_start3A_34 = arith.constant 0 : i32
        %dma_start3A_35 = tpu.memref_slice %arg8[%add3A_11, %dma_start3A_34] : memref<16384x256xf32, #tpu.memory_space<hbm>> -> memref<128x256xf32, #tpu.memory_space<hbm>>
        %dma_start3A_36 = arith.constant 0 : i32
        %dma_start3A_37 = tpu.memref_slice %arg8[%add3A_11, %dma_start3A_36] : memref<16384x256xf32, #tpu.memory_space<hbm>> -> memref<128x256xf32, #tpu.memory_space<hbm>>
        tpu.enqueue_dma source(%arg12 : memref<128x256xf32, #tpu.memory_space<vmem>>) target(%dma_start3A_37 : memref<128x256xf32, #tpu.memory_space<hbm>>) target_semaphore(%run_scoped3A : memref<!tpu.dma_semaphore, #tpu.memory_space<semaphore_mem>>)
        %dma_wait3A_38 = arith.constant 0 : i32
        %dma_wait3A_39 = tpu.memref_slice %arg8[%add3A_11, %dma_wait3A_38] : memref<16384x256xf32, #tpu.memory_space<hbm>> -> memref<128x256xf32, #tpu.memory_space<hbm>>
        %dma_wait3A_40 = arith.constant 0 : i32
        %dma_wait3A_41 = tpu.memref_slice %arg8[%add3A_11, %dma_wait3A_40] : memref<16384x256xf32, #tpu.memory_space<hbm>> -> memref<128x256xf32, #tpu.memory_space<hbm>>
        tpu.wait_dma2 semaphore(%run_scoped3A : memref<!tpu.dma_semaphore, #tpu.memory_space<semaphore_mem>>) src(%arg12 : memref<128x256xf32, #tpu.memory_space<vmem>>) dst(%dma_wait3A_41 : memref<128x256xf32, #tpu.memory_space<hbm>>)
        tpu.yield
      }) : () -> ()
    }
    %scan3A_7 = arith.constant 4 : i32
    return
  }
}

module attributes {stable_mosaic.version = 14 : i64} {
  func.func @_prelude(%arg0: memref<128x256xf32, #tpu.memory_space<vmem>>, %arg1: memref<32x256xf32, #tpu.memory_space<vmem>>, %arg2: memref<512x256xf32, #tpu.memory_space<vmem>>, %arg3: memref<1024x256xf32, #tpu.memory_space<vmem>>, %arg4: memref<384x128xi32, #tpu.memory_space<vmem>>, %arg5: memref<32x256xf32, #tpu.memory_space<vmem>>, %arg6: memref<128x256xf32, #tpu.memory_space<vmem>>, %arg7: memref<128x256xf32, #tpu.memory_space<vmem>>, %arg8: memref<32x256xf32, #tpu.memory_space<vmem>>, %arg9: memref<128x256xf32, #tpu.memory_space<vmem>>, %arg10: memref<1x128xi32, #tpu.memory_space<smem>>) attributes {dimension_semantics = [], scalar_prefetch = 0 : i64, scratch_operands = 0 : i64, tpu.core_type = #tpu.core_type<tc>} {
    %get3A = arith.constant 0 : index
    %get3A_0 = arith.constant 0 : index
    %get3A_1 = vector.load %arg0[%get3A, %get3A_0] : memref<128x256xf32, #tpu.memory_space<vmem>>, vector<128x256xf32>
    %get3A_2 = arith.constant 0 : index
    %get3A_3 = arith.constant 0 : index
    %get3A_4 = vector.load %arg1[%get3A_2, %get3A_3] : memref<32x256xf32, #tpu.memory_space<vmem>>, vector<32x256xf32>
    %get3A_5 = arith.constant 0 : index
    %get3A_6 = arith.constant 0 : index
    %get3A_7 = vector.load %arg2[%get3A_5, %get3A_6] : memref<512x256xf32, #tpu.memory_space<vmem>>, vector<512x256xf32>
    %slice3A = vector.extract_strided_slice %get3A_7 {offsets = [0, 0], sizes = [256, 256], strides = [1, 1]} : vector<512x256xf32> to vector<256x256xf32>
    %dot_general3A = arith.constant dense<0.000000e+00> : vector<32x256xf32>
    %dot_general3A_8 = tpu.matmul %get3A_4, %slice3A, %dot_general3A {dimension_numbers = #tpu.dot_dimension_numbers<[1], [0], [0], [1], [0, 0, 1, 1], [], []>, transpose_lhs_hint = false} : vector<32x256xf32>, vector<256x256xf32>, vector<32x256xf32> -> vector<32x256xf32>
    %swap3A = arith.constant 0 : index
    %swap3A_9 = arith.constant 0 : index
    %swap3A_10 = vector.load %arg5[%swap3A, %swap3A_9] : memref<32x256xf32, #tpu.memory_space<vmem>>, vector<32x256xf32>
    tpu.vector_store %arg5[%swap3A, %swap3A_9], %dot_general3A_8 {strides = array<i32>} : memref<32x256xf32, #tpu.memory_space<vmem>>, vector<32x256xf32>,
    %slice3A_11 = vector.extract_strided_slice %get3A_7 {offsets = [256, 0], sizes = [256, 256], strides = [1, 1]} : vector<512x256xf32> to vector<256x256xf32>
    %dot_general3A_12 = arith.constant dense<0.000000e+00> : vector<128x256xf32>
    %dot_general3A_13 = tpu.matmul %get3A_1, %slice3A_11, %dot_general3A_12 {dimension_numbers = #tpu.dot_dimension_numbers<[1], [0], [0], [1], [0, 0, 1, 1], [], []>, transpose_lhs_hint = false} : vector<128x256xf32>, vector<256x256xf32>, vector<128x256xf32> -> vector<128x256xf32>
    %swap3A_14 = arith.constant 0 : index
    %swap3A_15 = arith.constant 0 : index
    %swap3A_16 = vector.load %arg6[%swap3A_14, %swap3A_15] : memref<128x256xf32, #tpu.memory_space<vmem>>, vector<128x256xf32>
    tpu.vector_store %arg6[%swap3A_14, %swap3A_15], %dot_general3A_13 {strides = array<i32>} : memref<128x256xf32, #tpu.memory_space<vmem>>, vector<128x256xf32>,
    %get3A_17 = arith.constant 0 : index
    %get3A_18 = arith.constant 0 : index
    %get3A_19 = vector.load %arg3[%get3A_17, %get3A_18] : memref<1024x256xf32, #tpu.memory_space<vmem>>, vector<1024x256xf32>
    %slice3A_20 = vector.extract_strided_slice %get3A_19 {offsets = [0, 0], sizes = [256, 256], strides = [1, 1]} : vector<1024x256xf32> to vector<256x256xf32>
    %dot_general3A_21 = arith.constant dense<0.000000e+00> : vector<128x256xf32>
    %dot_general3A_22 = tpu.matmul %get3A_1, %slice3A_20, %dot_general3A_21 {dimension_numbers = #tpu.dot_dimension_numbers<[1], [0], [0], [1], [0, 0, 1, 1], [], []>, transpose_lhs_hint = false} : vector<128x256xf32>, vector<256x256xf32>, vector<128x256xf32> -> vector<128x256xf32>
    %swap3A_23 = arith.constant 0 : index
    %swap3A_24 = arith.constant 0 : index
    %swap3A_25 = vector.load %arg7[%swap3A_23, %swap3A_24] : memref<128x256xf32, #tpu.memory_space<vmem>>, vector<128x256xf32>
    tpu.vector_store %arg7[%swap3A_23, %swap3A_24], %dot_general3A_22 {strides = array<i32>} : memref<128x256xf32, #tpu.memory_space<vmem>>, vector<128x256xf32>,
    %slice3A_26 = vector.extract_strided_slice %get3A_19 {offsets = [256, 0], sizes = [256, 256], strides = [1, 1]} : vector<1024x256xf32> to vector<256x256xf32>
    %dot_general3A_27 = arith.constant dense<0.000000e+00> : vector<32x256xf32>
    %dot_general3A_28 = tpu.matmul %get3A_4, %slice3A_26, %dot_general3A_27 {dimension_numbers = #tpu.dot_dimension_numbers<[1], [0], [0], [1], [0, 0, 1, 1], [], []>, transpose_lhs_hint = false} : vector<32x256xf32>, vector<256x256xf32>, vector<32x256xf32> -> vector<32x256xf32>
    %swap3A_29 = arith.constant 0 : index
    %swap3A_30 = arith.constant 0 : index
    %swap3A_31 = vector.load %arg8[%swap3A_29, %swap3A_30] : memref<32x256xf32, #tpu.memory_space<vmem>>, vector<32x256xf32>
    tpu.vector_store %arg8[%swap3A_29, %swap3A_30], %dot_general3A_28 {strides = array<i32>} : memref<32x256xf32, #tpu.memory_space<vmem>>, vector<32x256xf32>,
    %slice3A_32 = vector.extract_strided_slice %get3A_19 {offsets = [512, 0], sizes = [256, 256], strides = [1, 1]} : vector<1024x256xf32> to vector<256x256xf32>
    %dot_general3A_33 = arith.constant dense<0.000000e+00> : vector<128x256xf32>
    %dot_general3A_34 = tpu.matmul %get3A_1, %slice3A_32, %dot_general3A_33 {dimension_numbers = #tpu.dot_dimension_numbers<[1], [0], [0], [1], [0, 0, 1, 1], [], []>, transpose_lhs_hint = false} : vector<128x256xf32>, vector<256x256xf32>, vector<128x256xf32> -> vector<128x256xf32>
    %swap3A_35 = arith.constant 0 : index
    %swap3A_36 = arith.constant 0 : index
    %swap3A_37 = vector.load %arg9[%swap3A_35, %swap3A_36] : memref<128x256xf32, #tpu.memory_space<vmem>>, vector<128x256xf32>
    tpu.vector_store %arg9[%swap3A_35, %swap3A_36], %dot_general3A_34 {strides = array<i32>} : memref<128x256xf32, #tpu.memory_space<vmem>>, vector<128x256xf32>,
    %get3A_38 = arith.constant 0 : index
    %get3A_39 = arith.constant 0 : index
    %get3A_40 = vector.load %arg4[%get3A_38, %get3A_39] : memref<384x128xi32, #tpu.memory_space<vmem>>, vector<384x128xi32>
    %lt3A = arith.constant 0 : i32
    %lt3A_41 = vector.broadcast %lt3A : i32 to vector<384x128xi32>
    %lt3A_42 = arith.cmpi slt, %get3A_40, %lt3A_41 : vector<384x128xi32>
    %convert_element_type3A = arith.extui %lt3A_42 : vector<384x128xi1> to vector<384x128xi32>
    %reduce_sum3A = vector.shape_cast %convert_element_type3A : vector<384x128xi32> to vector<1x384x128xi32>
    %reduce_sum3A_43 = arith.constant dense<0> : vector<1xi32>
    %reduce_sum3A_44 = vector.multi_reduction <add>, %reduce_sum3A, %reduce_sum3A_43 [1, 2] : vector<1x384x128xi32> to vector<1xi32>
    %reduce_sum3A_45 = vector.shape_cast %reduce_sum3A_44 : vector<1xi32> to vector<1x1x1xi32>
    %reduce_sum3A_46 = vector.extract %reduce_sum3A_45[0, 0, 0] : i32 from vector<1x1x1xi32>
    %swap3A_47 = arith.constant 0 : index
    %swap3A_48 = arith.constant 0 : index
    %swap3A_49 = memref.load %arg10[%swap3A_47, %swap3A_48] : memref<1x128xi32, #tpu.memory_space<smem>>
    memref.store %reduce_sum3A_46, %arg10[%swap3A_47, %swap3A_48] : memref<1x128xi32, #tpu.memory_space<smem>>
    %lt3A_50 = arith.constant 256 : i32
    %lt3A_51 = vector.broadcast %lt3A_50 : i32 to vector<384x128xi32>
    %lt3A_52 = arith.cmpi slt, %get3A_40, %lt3A_51 : vector<384x128xi32>
    %convert_element_type3A_53 = arith.extui %lt3A_52 : vector<384x128xi1> to vector<384x128xi32>
    %reduce_sum3A_54 = vector.shape_cast %convert_element_type3A_53 : vector<384x128xi32> to vector<1x384x128xi32>
    %reduce_sum3A_55 = arith.constant dense<0> : vector<1xi32>
    %reduce_sum3A_56 = vector.multi_reduction <add>, %reduce_sum3A_54, %reduce_sum3A_55 [1, 2] : vector<1x384x128xi32> to vector<1xi32>
    %reduce_sum3A_57 = vector.shape_cast %reduce_sum3A_56 : vector<1xi32> to vector<1x1x1xi32>
    %reduce_sum3A_58 = vector.extract %reduce_sum3A_57[0, 0, 0] : i32 from vector<1x1x1xi32>
    %swap3A_59 = arith.constant 0 : index
    %swap3A_60 = arith.constant 1 : index
    %swap3A_61 = memref.load %arg10[%swap3A_59, %swap3A_60] : memref<1x128xi32, #tpu.memory_space<smem>>
    memref.store %reduce_sum3A_58, %arg10[%swap3A_59, %swap3A_60] : memref<1x128xi32, #tpu.memory_space<smem>>
    %lt3A_62 = arith.constant 512 : i32
    %lt3A_63 = vector.broadcast %lt3A_62 : i32 to vector<384x128xi32>
    %lt3A_64 = arith.cmpi slt, %get3A_40, %lt3A_63 : vector<384x128xi32>
    %convert_element_type3A_65 = arith.extui %lt3A_64 : vector<384x128xi1> to vector<384x128xi32>
    %reduce_sum3A_66 = vector.shape_cast %convert_element_type3A_65 : vector<384x128xi32> to vector<1x384x128xi32>
    %reduce_sum3A_67 = arith.constant dense<0> : vector<1xi32>
    %reduce_sum3A_68 = vector.multi_reduction <add>, %reduce_sum3A_66, %reduce_sum3A_67 [1, 2] : vector<1x384x128xi32> to vector<1xi32>
    %reduce_sum3A_69 = vector.shape_cast %reduce_sum3A_68 : vector<1xi32> to vector<1x1x1xi32>
    %reduce_sum3A_70 = vector.extract %reduce_sum3A_69[0, 0, 0] : i32 from vector<1x1x1xi32>
    %swap3A_71 = arith.constant 0 : index
    %swap3A_72 = arith.constant 2 : index
    %swap3A_73 = memref.load %arg10[%swap3A_71, %swap3A_72] : memref<1x128xi32, #tpu.memory_space<smem>>
    memref.store %reduce_sum3A_70, %arg10[%swap3A_71, %swap3A_72] : memref<1x128xi32, #tpu.memory_space<smem>>
    %lt3A_74 = arith.constant 768 : i32
    %lt3A_75 = vector.broadcast %lt3A_74 : i32 to vector<384x128xi32>
    %lt3A_76 = arith.cmpi slt, %get3A_40, %lt3A_75 : vector<384x128xi32>
    %convert_element_type3A_77 = arith.extui %lt3A_76 : vector<384x128xi1> to vector<384x128xi32>
    %reduce_sum3A_78 = vector.shape_cast %convert_element_type3A_77 : vector<384x128xi32> to vector<1x384x128xi32>
    %reduce_sum3A_79 = arith.constant dense<0> : vector<1xi32>
    %reduce_sum3A_80 = vector.multi_reduction <add>, %reduce_sum3A_78, %reduce_sum3A_79 [1, 2] : vector<1x384x128xi32> to vector<1xi32>
    %reduce_sum3A_81 = vector.shape_cast %reduce_sum3A_80 : vector<1xi32> to vector<1x1x1xi32>
    %reduce_sum3A_82 = vector.extract %reduce_sum3A_81[0, 0, 0] : i32 from vector<1x1x1xi32>
    %swap3A_83 = arith.constant 0 : index
    %swap3A_84 = arith.constant 3 : index
    %swap3A_85 = memref.load %arg10[%swap3A_83, %swap3A_84] : memref<1x128xi32, #tpu.memory_space<smem>>
    memref.store %reduce_sum3A_82, %arg10[%swap3A_83, %swap3A_84] : memref<1x128xi32, #tpu.memory_space<smem>>
    %lt3A_86 = arith.constant 1024 : i32
    %lt3A_87 = vector.broadcast %lt3A_86 : i32 to vector<384x128xi32>
    %lt3A_88 = arith.cmpi slt, %get3A_40, %lt3A_87 : vector<384x128xi32>
    %convert_element_type3A_89 = arith.extui %lt3A_88 : vector<384x128xi1> to vector<384x128xi32>
    %reduce_sum3A_90 = vector.shape_cast %convert_element_type3A_89 : vector<384x128xi32> to vector<1x384x128xi32>
    %reduce_sum3A_91 = arith.constant dense<0> : vector<1xi32>
    %reduce_sum3A_92 = vector.multi_reduction <add>, %reduce_sum3A_90, %reduce_sum3A_91 [1, 2] : vector<1x384x128xi32> to vector<1xi32>
    %reduce_sum3A_93 = vector.shape_cast %reduce_sum3A_92 : vector<1xi32> to vector<1x1x1xi32>
    %reduce_sum3A_94 = vector.extract %reduce_sum3A_93[0, 0, 0] : i32 from vector<1x1x1xi32>
    %swap3A_95 = arith.constant 0 : index
    %swap3A_96 = arith.constant 4 : index
    %swap3A_97 = memref.load %arg10[%swap3A_95, %swap3A_96] : memref<1x128xi32, #tpu.memory_space<smem>>
    memref.store %reduce_sum3A_94, %arg10[%swap3A_95, %swap3A_96] : memref<1x128xi32, #tpu.memory_space<smem>>
    %lt3A_98 = arith.constant 1280 : i32
    %lt3A_99 = vector.broadcast %lt3A_98 : i32 to vector<384x128xi32>
    %lt3A_100 = arith.cmpi slt, %get3A_40, %lt3A_99 : vector<384x128xi32>
    %convert_element_type3A_101 = arith.extui %lt3A_100 : vector<384x128xi1> to vector<384x128xi32>
    %reduce_sum3A_102 = vector.shape_cast %convert_element_type3A_101 : vector<384x128xi32> to vector<1x384x128xi32>
    %reduce_sum3A_103 = arith.constant dense<0> : vector<1xi32>
    %reduce_sum3A_104 = vector.multi_reduction <add>, %reduce_sum3A_102, %reduce_sum3A_103 [1, 2] : vector<1x384x128xi32> to vector<1xi32>
    %reduce_sum3A_105 = vector.shape_cast %reduce_sum3A_104 : vector<1xi32> to vector<1x1x1xi32>
    %reduce_sum3A_106 = vector.extract %reduce_sum3A_105[0, 0, 0] : i32 from vector<1x1x1xi32>
    %swap3A_107 = arith.constant 0 : index
    %swap3A_108 = arith.constant 5 : index
    %swap3A_109 = memref.load %arg10[%swap3A_107, %swap3A_108] : memref<1x128xi32, #tpu.memory_space<smem>>
    memref.store %reduce_sum3A_106, %arg10[%swap3A_107, %swap3A_108] : memref<1x128xi32, #tpu.memory_space<smem>>
    %lt3A_110 = arith.constant 1536 : i32
    %lt3A_111 = vector.broadcast %lt3A_110 : i32 to vector<384x128xi32>
    %lt3A_112 = arith.cmpi slt, %get3A_40, %lt3A_111 : vector<384x128xi32>
    %convert_element_type3A_113 = arith.extui %lt3A_112 : vector<384x128xi1> to vector<384x128xi32>
    %reduce_sum3A_114 = vector.shape_cast %convert_element_type3A_113 : vector<384x128xi32> to vector<1x384x128xi32>
    %reduce_sum3A_115 = arith.constant dense<0> : vector<1xi32>
    %reduce_sum3A_116 = vector.multi_reduction <add>, %reduce_sum3A_114, %reduce_sum3A_115 [1, 2] : vector<1x384x128xi32> to vector<1xi32>
    %reduce_sum3A_117 = vector.shape_cast %reduce_sum3A_116 : vector<1xi32> to vector<1x1x1xi32>
    %reduce_sum3A_118 = vector.extract %reduce_sum3A_117[0, 0, 0] : i32 from vector<1x1x1xi32>
    %swap3A_119 = arith.constant 0 : index
    %swap3A_120 = arith.constant 6 : index
    %swap3A_121 = memref.load %arg10[%swap3A_119, %swap3A_120] : memref<1x128xi32, #tpu.memory_space<smem>>
    memref.store %reduce_sum3A_118, %arg10[%swap3A_119, %swap3A_120] : memref<1x128xi32, #tpu.memory_space<smem>>
    %lt3A_122 = arith.constant 1792 : i32
    %lt3A_123 = vector.broadcast %lt3A_122 : i32 to vector<384x128xi32>
    %lt3A_124 = arith.cmpi slt, %get3A_40, %lt3A_123 : vector<384x128xi32>
    %convert_element_type3A_125 = arith.extui %lt3A_124 : vector<384x128xi1> to vector<384x128xi32>
    %reduce_sum3A_126 = vector.shape_cast %convert_element_type3A_125 : vector<384x128xi32> to vector<1x384x128xi32>
    %reduce_sum3A_127 = arith.constant dense<0> : vector<1xi32>
    %reduce_sum3A_128 = vector.multi_reduction <add>, %reduce_sum3A_126, %reduce_sum3A_127 [1, 2] : vector<1x384x128xi32> to vector<1xi32>
    %reduce_sum3A_129 = vector.shape_cast %reduce_sum3A_128 : vector<1xi32> to vector<1x1x1xi32>
    %reduce_sum3A_130 = vector.extract %reduce_sum3A_129[0, 0, 0] : i32 from vector<1x1x1xi32>
    %swap3A_131 = arith.constant 0 : index
    %swap3A_132 = arith.constant 7 : index
    %swap3A_133 = memref.load %arg10[%swap3A_131, %swap3A_132] : memref<1x128xi32, #tpu.memory_space<smem>>
    memref.store %reduce_sum3A_130, %arg10[%swap3A_131, %swap3A_132] : memref<1x128xi32, #tpu.memory_space<smem>>
    %lt3A_134 = arith.constant 2048 : i32
    %lt3A_135 = vector.broadcast %lt3A_134 : i32 to vector<384x128xi32>
    %lt3A_136 = arith.cmpi slt, %get3A_40, %lt3A_135 : vector<384x128xi32>
    %convert_element_type3A_137 = arith.extui %lt3A_136 : vector<384x128xi1> to vector<384x128xi32>
    %reduce_sum3A_138 = vector.shape_cast %convert_element_type3A_137 : vector<384x128xi32> to vector<1x384x128xi32>
    %reduce_sum3A_139 = arith.constant dense<0> : vector<1xi32>
    %reduce_sum3A_140 = vector.multi_reduction <add>, %reduce_sum3A_138, %reduce_sum3A_139 [1, 2] : vector<1x384x128xi32> to vector<1xi32>
    %reduce_sum3A_141 = vector.shape_cast %reduce_sum3A_140 : vector<1xi32> to vector<1x1x1xi32>
    %reduce_sum3A_142 = vector.extract %reduce_sum3A_141[0, 0, 0] : i32 from vector<1x1x1xi32>
    %swap3A_143 = arith.constant 0 : index
    %swap3A_144 = arith.constant 8 : index
    %swap3A_145 = memref.load %arg10[%swap3A_143, %swap3A_144] : memref<1x128xi32, #tpu.memory_space<smem>>
    memref.store %reduce_sum3A_142, %arg10[%swap3A_143, %swap3A_144] : memref<1x128xi32, #tpu.memory_space<smem>>
    %lt3A_146 = arith.constant 2304 : i32
    %lt3A_147 = vector.broadcast %lt3A_146 : i32 to vector<384x128xi32>
    %lt3A_148 = arith.cmpi slt, %get3A_40, %lt3A_147 : vector<384x128xi32>
    %convert_element_type3A_149 = arith.extui %lt3A_148 : vector<384x128xi1> to vector<384x128xi32>
    %reduce_sum3A_150 = vector.shape_cast %convert_element_type3A_149 : vector<384x128xi32> to vector<1x384x128xi32>
    %reduce_sum3A_151 = arith.constant dense<0> : vector<1xi32>
    %reduce_sum3A_152 = vector.multi_reduction <add>, %reduce_sum3A_150, %reduce_sum3A_151 [1, 2] : vector<1x384x128xi32> to vector<1xi32>
    %reduce_sum3A_153 = vector.shape_cast %reduce_sum3A_152 : vector<1xi32> to vector<1x1x1xi32>
    %reduce_sum3A_154 = vector.extract %reduce_sum3A_153[0, 0, 0] : i32 from vector<1x1x1xi32>
    %swap3A_155 = arith.constant 0 : index
    %swap3A_156 = arith.constant 9 : index
    %swap3A_157 = memref.load %arg10[%swap3A_155, %swap3A_156] : memref<1x128xi32, #tpu.memory_space<smem>>
    memref.store %reduce_sum3A_154, %arg10[%swap3A_155, %swap3A_156] : memref<1x128xi32, #tpu.memory_space<smem>>
    %lt3A_158 = arith.constant 2560 : i32
    %lt3A_159 = vector.broadcast %lt3A_158 : i32 to vector<384x128xi32>
    %lt3A_160 = arith.cmpi slt, %get3A_40, %lt3A_159 : vector<384x128xi32>
    %convert_element_type3A_161 = arith.extui %lt3A_160 : vector<384x128xi1> to vector<384x128xi32>
    %reduce_sum3A_162 = vector.shape_cast %convert_element_type3A_161 : vector<384x128xi32> to vector<1x384x128xi32>
    %reduce_sum3A_163 = arith.constant dense<0> : vector<1xi32>
    %reduce_sum3A_164 = vector.multi_reduction <add>, %reduce_sum3A_162, %reduce_sum3A_163 [1, 2] : vector<1x384x128xi32> to vector<1xi32>
    %reduce_sum3A_165 = vector.shape_cast %reduce_sum3A_164 : vector<1xi32> to vector<1x1x1xi32>
    %reduce_sum3A_166 = vector.extract %reduce_sum3A_165[0, 0, 0] : i32 from vector<1x1x1xi32>
    %swap3A_167 = arith.constant 0 : index
    %swap3A_168 = arith.constant 10 : index
    %swap3A_169 = memref.load %arg10[%swap3A_167, %swap3A_168] : memref<1x128xi32, #tpu.memory_space<smem>>
    memref.store %reduce_sum3A_166, %arg10[%swap3A_167, %swap3A_168] : memref<1x128xi32, #tpu.memory_space<smem>>
    %lt3A_170 = arith.constant 2816 : i32
    %lt3A_171 = vector.broadcast %lt3A_170 : i32 to vector<384x128xi32>
    %lt3A_172 = arith.cmpi slt, %get3A_40, %lt3A_171 : vector<384x128xi32>
    %convert_element_type3A_173 = arith.extui %lt3A_172 : vector<384x128xi1> to vector<384x128xi32>
    %reduce_sum3A_174 = vector.shape_cast %convert_element_type3A_173 : vector<384x128xi32> to vector<1x384x128xi32>
    %reduce_sum3A_175 = arith.constant dense<0> : vector<1xi32>
    %reduce_sum3A_176 = vector.multi_reduction <add>, %reduce_sum3A_174, %reduce_sum3A_175 [1, 2] : vector<1x384x128xi32> to vector<1xi32>
    %reduce_sum3A_177 = vector.shape_cast %reduce_sum3A_176 : vector<1xi32> to vector<1x1x1xi32>
    %reduce_sum3A_178 = vector.extract %reduce_sum3A_177[0, 0, 0] : i32 from vector<1x1x1xi32>
    %swap3A_179 = arith.constant 0 : index
    %swap3A_180 = arith.constant 11 : index
    %swap3A_181 = memref.load %arg10[%swap3A_179, %swap3A_180] : memref<1x128xi32, #tpu.memory_space<smem>>
    memref.store %reduce_sum3A_178, %arg10[%swap3A_179, %swap3A_180] : memref<1x128xi32, #tpu.memory_space<smem>>
    %lt3A_182 = arith.constant 3072 : i32
    %lt3A_183 = vector.broadcast %lt3A_182 : i32 to vector<384x128xi32>
    %lt3A_184 = arith.cmpi slt, %get3A_40, %lt3A_183 : vector<384x128xi32>
    %convert_element_type3A_185 = arith.extui %lt3A_184 : vector<384x128xi1> to vector<384x128xi32>
    %reduce_sum3A_186 = vector.shape_cast %convert_element_type3A_185 : vector<384x128xi32> to vector<1x384x128xi32>
    %reduce_sum3A_187 = arith.constant dense<0> : vector<1xi32>
    %reduce_sum3A_188 = vector.multi_reduction <add>, %reduce_sum3A_186, %reduce_sum3A_187 [1, 2] : vector<1x384x128xi32> to vector<1xi32>
    %reduce_sum3A_189 = vector.shape_cast %reduce_sum3A_188 : vector<1xi32> to vector<1x1x1xi32>
    %reduce_sum3A_190 = vector.extract %reduce_sum3A_189[0, 0, 0] : i32 from vector<1x1x1xi32>
    %swap3A_191 = arith.constant 0 : index
    %swap3A_192 = arith.constant 12 : index
    %swap3A_193 = memref.load %arg10[%swap3A_191, %swap3A_192] : memref<1x128xi32, #tpu.memory_space<smem>>
    memref.store %reduce_sum3A_190, %arg10[%swap3A_191, %swap3A_192] : memref<1x128xi32, #tpu.memory_space<smem>>
    %lt3A_194 = arith.constant 3328 : i32
    %lt3A_195 = vector.broadcast %lt3A_194 : i32 to vector<384x128xi32>
    %lt3A_196 = arith.cmpi slt, %get3A_40, %lt3A_195 : vector<384x128xi32>
    %convert_element_type3A_197 = arith.extui %lt3A_196 : vector<384x128xi1> to vector<384x128xi32>
    %reduce_sum3A_198 = vector.shape_cast %convert_element_type3A_197 : vector<384x128xi32> to vector<1x384x128xi32>
    %reduce_sum3A_199 = arith.constant dense<0> : vector<1xi32>
    %reduce_sum3A_200 = vector.multi_reduction <add>, %reduce_sum3A_198, %reduce_sum3A_199 [1, 2] : vector<1x384x128xi32> to vector<1xi32>
    %reduce_sum3A_201 = vector.shape_cast %reduce_sum3A_200 : vector<1xi32> to vector<1x1x1xi32>
    %reduce_sum3A_202 = vector.extract %reduce_sum3A_201[0, 0, 0] : i32 from vector<1x1x1xi32>
    %swap3A_203 = arith.constant 0 : index
    %swap3A_204 = arith.constant 13 : index
    %swap3A_205 = memref.load %arg10[%swap3A_203, %swap3A_204] : memref<1x128xi32, #tpu.memory_space<smem>>
    memref.store %reduce_sum3A_202, %arg10[%swap3A_203, %swap3A_204] : memref<1x128xi32, #tpu.memory_space<smem>>
    %lt3A_206 = arith.constant 3584 : i32
    %lt3A_207 = vector.broadcast %lt3A_206 : i32 to vector<384x128xi32>
    %lt3A_208 = arith.cmpi slt, %get3A_40, %lt3A_207 : vector<384x128xi32>
    %convert_element_type3A_209 = arith.extui %lt3A_208 : vector<384x128xi1> to vector<384x128xi32>
    %reduce_sum3A_210 = vector.shape_cast %convert_element_type3A_209 : vector<384x128xi32> to vector<1x384x128xi32>
    %reduce_sum3A_211 = arith.constant dense<0> : vector<1xi32>
    %reduce_sum3A_212 = vector.multi_reduction <add>, %reduce_sum3A_210, %reduce_sum3A_211 [1, 2] : vector<1x384x128xi32> to vector<1xi32>
    %reduce_sum3A_213 = vector.shape_cast %reduce_sum3A_212 : vector<1xi32> to vector<1x1x1xi32>
    %reduce_sum3A_214 = vector.extract %reduce_sum3A_213[0, 0, 0] : i32 from vector<1x1x1xi32>
    %swap3A_215 = arith.constant 0 : index
    %swap3A_216 = arith.constant 14 : index
    %swap3A_217 = memref.load %arg10[%swap3A_215, %swap3A_216] : memref<1x128xi32, #tpu.memory_space<smem>>
    memref.store %reduce_sum3A_214, %arg10[%swap3A_215, %swap3A_216] : memref<1x128xi32, #tpu.memory_space<smem>>
    %lt3A_218 = arith.constant 3840 : i32
    %lt3A_219 = vector.broadcast %lt3A_218 : i32 to vector<384x128xi32>
    %lt3A_220 = arith.cmpi slt, %get3A_40, %lt3A_219 : vector<384x128xi32>
    %convert_element_type3A_221 = arith.extui %lt3A_220 : vector<384x128xi1> to vector<384x128xi32>
    %reduce_sum3A_222 = vector.shape_cast %convert_element_type3A_221 : vector<384x128xi32> to vector<1x384x128xi32>
    %reduce_sum3A_223 = arith.constant dense<0> : vector<1xi32>
    %reduce_sum3A_224 = vector.multi_reduction <add>, %reduce_sum3A_222, %reduce_sum3A_223 [1, 2] : vector<1x384x128xi32> to vector<1xi32>
    %reduce_sum3A_225 = vector.shape_cast %reduce_sum3A_224 : vector<1xi32> to vector<1x1x1xi32>
    %reduce_sum3A_226 = vector.extract %reduce_sum3A_225[0, 0, 0] : i32 from vector<1x1x1xi32>
    %swap3A_227 = arith.constant 0 : index
    %swap3A_228 = arith.constant 15 : index
    %swap3A_229 = memref.load %arg10[%swap3A_227, %swap3A_228] : memref<1x128xi32, #tpu.memory_space<smem>>
    memref.store %reduce_sum3A_226, %arg10[%swap3A_227, %swap3A_228] : memref<1x128xi32, #tpu.memory_space<smem>>
    %lt3A_230 = arith.constant 4096 : i32
    %lt3A_231 = vector.broadcast %lt3A_230 : i32 to vector<384x128xi32>
    %lt3A_232 = arith.cmpi slt, %get3A_40, %lt3A_231 : vector<384x128xi32>
    %convert_element_type3A_233 = arith.extui %lt3A_232 : vector<384x128xi1> to vector<384x128xi32>
    %reduce_sum3A_234 = vector.shape_cast %convert_element_type3A_233 : vector<384x128xi32> to vector<1x384x128xi32>
    %reduce_sum3A_235 = arith.constant dense<0> : vector<1xi32>
    %reduce_sum3A_236 = vector.multi_reduction <add>, %reduce_sum3A_234, %reduce_sum3A_235 [1, 2] : vector<1x384x128xi32> to vector<1xi32>
    %reduce_sum3A_237 = vector.shape_cast %reduce_sum3A_236 : vector<1xi32> to vector<1x1x1xi32>
    %reduce_sum3A_238 = vector.extract %reduce_sum3A_237[0, 0, 0] : i32 from vector<1x1x1xi32>
    %swap3A_239 = arith.constant 0 : index
    %swap3A_240 = arith.constant 16 : index
    %swap3A_241 = memref.load %arg10[%swap3A_239, %swap3A_240] : memref<1x128xi32, #tpu.memory_space<smem>>
    memref.store %reduce_sum3A_238, %arg10[%swap3A_239, %swap3A_240] : memref<1x128xi32, #tpu.memory_space<smem>>
    %lt3A_242 = arith.constant 4352 : i32
    %lt3A_243 = vector.broadcast %lt3A_242 : i32 to vector<384x128xi32>
    %lt3A_244 = arith.cmpi slt, %get3A_40, %lt3A_243 : vector<384x128xi32>
    %convert_element_type3A_245 = arith.extui %lt3A_244 : vector<384x128xi1> to vector<384x128xi32>
    %reduce_sum3A_246 = vector.shape_cast %convert_element_type3A_245 : vector<384x128xi32> to vector<1x384x128xi32>
    %reduce_sum3A_247 = arith.constant dense<0> : vector<1xi32>
    %reduce_sum3A_248 = vector.multi_reduction <add>, %reduce_sum3A_246, %reduce_sum3A_247 [1, 2] : vector<1x384x128xi32> to vector<1xi32>
    %reduce_sum3A_249 = vector.shape_cast %reduce_sum3A_248 : vector<1xi32> to vector<1x1x1xi32>
    %reduce_sum3A_250 = vector.extract %reduce_sum3A_249[0, 0, 0] : i32 from vector<1x1x1xi32>
    %swap3A_251 = arith.constant 0 : index
    %swap3A_252 = arith.constant 17 : index
    %swap3A_253 = memref.load %arg10[%swap3A_251, %swap3A_252] : memref<1x128xi32, #tpu.memory_space<smem>>
    memref.store %reduce_sum3A_250, %arg10[%swap3A_251, %swap3A_252] : memref<1x128xi32, #tpu.memory_space<smem>>
    %lt3A_254 = arith.constant 4608 : i32
    %lt3A_255 = vector.broadcast %lt3A_254 : i32 to vector<384x128xi32>
    %lt3A_256 = arith.cmpi slt, %get3A_40, %lt3A_255 : vector<384x128xi32>
    %convert_element_type3A_257 = arith.extui %lt3A_256 : vector<384x128xi1> to vector<384x128xi32>
    %reduce_sum3A_258 = vector.shape_cast %convert_element_type3A_257 : vector<384x128xi32> to vector<1x384x128xi32>
    %reduce_sum3A_259 = arith.constant dense<0> : vector<1xi32>
    %reduce_sum3A_260 = vector.multi_reduction <add>, %reduce_sum3A_258, %reduce_sum3A_259 [1, 2] : vector<1x384x128xi32> to vector<1xi32>
    %reduce_sum3A_261 = vector.shape_cast %reduce_sum3A_260 : vector<1xi32> to vector<1x1x1xi32>
    %reduce_sum3A_262 = vector.extract %reduce_sum3A_261[0, 0, 0] : i32 from vector<1x1x1xi32>
    %swap3A_263 = arith.constant 0 : index
    %swap3A_264 = arith.constant 18 : index
    %swap3A_265 = memref.load %arg10[%swap3A_263, %swap3A_264] : memref<1x128xi32, #tpu.memory_space<smem>>
    memref.store %reduce_sum3A_262, %arg10[%swap3A_263, %swap3A_264] : memref<1x128xi32, #tpu.memory_space<smem>>
    %lt3A_266 = arith.constant 4864 : i32
    %lt3A_267 = vector.broadcast %lt3A_266 : i32 to vector<384x128xi32>
    %lt3A_268 = arith.cmpi slt, %get3A_40, %lt3A_267 : vector<384x128xi32>
    %convert_element_type3A_269 = arith.extui %lt3A_268 : vector<384x128xi1> to vector<384x128xi32>
    %reduce_sum3A_270 = vector.shape_cast %convert_element_type3A_269 : vector<384x128xi32> to vector<1x384x128xi32>
    %reduce_sum3A_271 = arith.constant dense<0> : vector<1xi32>
    %reduce_sum3A_272 = vector.multi_reduction <add>, %reduce_sum3A_270, %reduce_sum3A_271 [1, 2] : vector<1x384x128xi32> to vector<1xi32>
    %reduce_sum3A_273 = vector.shape_cast %reduce_sum3A_272 : vector<1xi32> to vector<1x1x1xi32>
    %reduce_sum3A_274 = vector.extract %reduce_sum3A_273[0, 0, 0] : i32 from vector<1x1x1xi32>
    %swap3A_275 = arith.constant 0 : index
    %swap3A_276 = arith.constant 19 : index
    %swap3A_277 = memref.load %arg10[%swap3A_275, %swap3A_276] : memref<1x128xi32, #tpu.memory_space<smem>>
    memref.store %reduce_sum3A_274, %arg10[%swap3A_275, %swap3A_276] : memref<1x128xi32, #tpu.memory_space<smem>>
    %lt3A_278 = arith.constant 5120 : i32
    %lt3A_279 = vector.broadcast %lt3A_278 : i32 to vector<384x128xi32>
    %lt3A_280 = arith.cmpi slt, %get3A_40, %lt3A_279 : vector<384x128xi32>
    %convert_element_type3A_281 = arith.extui %lt3A_280 : vector<384x128xi1> to vector<384x128xi32>
    %reduce_sum3A_282 = vector.shape_cast %convert_element_type3A_281 : vector<384x128xi32> to vector<1x384x128xi32>
    %reduce_sum3A_283 = arith.constant dense<0> : vector<1xi32>
    %reduce_sum3A_284 = vector.multi_reduction <add>, %reduce_sum3A_282, %reduce_sum3A_283 [1, 2] : vector<1x384x128xi32> to vector<1xi32>
    %reduce_sum3A_285 = vector.shape_cast %reduce_sum3A_284 : vector<1xi32> to vector<1x1x1xi32>
    %reduce_sum3A_286 = vector.extract %reduce_sum3A_285[0, 0, 0] : i32 from vector<1x1x1xi32>
    %swap3A_287 = arith.constant 0 : index
    %swap3A_288 = arith.constant 20 : index
    %swap3A_289 = memref.load %arg10[%swap3A_287, %swap3A_288] : memref<1x128xi32, #tpu.memory_space<smem>>
    memref.store %reduce_sum3A_286, %arg10[%swap3A_287, %swap3A_288] : memref<1x128xi32, #tpu.memory_space<smem>>
    %lt3A_290 = arith.constant 5376 : i32
    %lt3A_291 = vector.broadcast %lt3A_290 : i32 to vector<384x128xi32>
    %lt3A_292 = arith.cmpi slt, %get3A_40, %lt3A_291 : vector<384x128xi32>
    %convert_element_type3A_293 = arith.extui %lt3A_292 : vector<384x128xi1> to vector<384x128xi32>
    %reduce_sum3A_294 = vector.shape_cast %convert_element_type3A_293 : vector<384x128xi32> to vector<1x384x128xi32>
    %reduce_sum3A_295 = arith.constant dense<0> : vector<1xi32>
    %reduce_sum3A_296 = vector.multi_reduction <add>, %reduce_sum3A_294, %reduce_sum3A_295 [1, 2] : vector<1x384x128xi32> to vector<1xi32>
    %reduce_sum3A_297 = vector.shape_cast %reduce_sum3A_296 : vector<1xi32> to vector<1x1x1xi32>
    %reduce_sum3A_298 = vector.extract %reduce_sum3A_297[0, 0, 0] : i32 from vector<1x1x1xi32>
    %swap3A_299 = arith.constant 0 : index
    %swap3A_300 = arith.constant 21 : index
    %swap3A_301 = memref.load %arg10[%swap3A_299, %swap3A_300] : memref<1x128xi32, #tpu.memory_space<smem>>
    memref.store %reduce_sum3A_298, %arg10[%swap3A_299, %swap3A_300] : memref<1x128xi32, #tpu.memory_space<smem>>
    %lt3A_302 = arith.constant 5632 : i32
    %lt3A_303 = vector.broadcast %lt3A_302 : i32 to vector<384x128xi32>
    %lt3A_304 = arith.cmpi slt, %get3A_40, %lt3A_303 : vector<384x128xi32>
    %convert_element_type3A_305 = arith.extui %lt3A_304 : vector<384x128xi1> to vector<384x128xi32>
    %reduce_sum3A_306 = vector.shape_cast %convert_element_type3A_305 : vector<384x128xi32> to vector<1x384x128xi32>
    %reduce_sum3A_307 = arith.constant dense<0> : vector<1xi32>
    %reduce_sum3A_308 = vector.multi_reduction <add>, %reduce_sum3A_306, %reduce_sum3A_307 [1, 2] : vector<1x384x128xi32> to vector<1xi32>
    %reduce_sum3A_309 = vector.shape_cast %reduce_sum3A_308 : vector<1xi32> to vector<1x1x1xi32>
    %reduce_sum3A_310 = vector.extract %reduce_sum3A_309[0, 0, 0] : i32 from vector<1x1x1xi32>
    %swap3A_311 = arith.constant 0 : index
    %swap3A_312 = arith.constant 22 : index
    %swap3A_313 = memref.load %arg10[%swap3A_311, %swap3A_312] : memref<1x128xi32, #tpu.memory_space<smem>>
    memref.store %reduce_sum3A_310, %arg10[%swap3A_311, %swap3A_312] : memref<1x128xi32, #tpu.memory_space<smem>>
    %lt3A_314 = arith.constant 5888 : i32
    %lt3A_315 = vector.broadcast %lt3A_314 : i32 to vector<384x128xi32>
    %lt3A_316 = arith.cmpi slt, %get3A_40, %lt3A_315 : vector<384x128xi32>
    %convert_element_type3A_317 = arith.extui %lt3A_316 : vector<384x128xi1> to vector<384x128xi32>
    %reduce_sum3A_318 = vector.shape_cast %convert_element_type3A_317 : vector<384x128xi32> to vector<1x384x128xi32>
    %reduce_sum3A_319 = arith.constant dense<0> : vector<1xi32>
    %reduce_sum3A_320 = vector.multi_reduction <add>, %reduce_sum3A_318, %reduce_sum3A_319 [1, 2] : vector<1x384x128xi32> to vector<1xi32>
    %reduce_sum3A_321 = vector.shape_cast %reduce_sum3A_320 : vector<1xi32> to vector<1x1x1xi32>
    %reduce_sum3A_322 = vector.extract %reduce_sum3A_321[0, 0, 0] : i32 from vector<1x1x1xi32>
    %swap3A_323 = arith.constant 0 : index
    %swap3A_324 = arith.constant 23 : index
    %swap3A_325 = memref.load %arg10[%swap3A_323, %swap3A_324] : memref<1x128xi32, #tpu.memory_space<smem>>
    memref.store %reduce_sum3A_322, %arg10[%swap3A_323, %swap3A_324] : memref<1x128xi32, #tpu.memory_space<smem>>
    %lt3A_326 = arith.constant 6144 : i32
    %lt3A_327 = vector.broadcast %lt3A_326 : i32 to vector<384x128xi32>
    %lt3A_328 = arith.cmpi slt, %get3A_40, %lt3A_327 : vector<384x128xi32>
    %convert_element_type3A_329 = arith.extui %lt3A_328 : vector<384x128xi1> to vector<384x128xi32>
    %reduce_sum3A_330 = vector.shape_cast %convert_element_type3A_329 : vector<384x128xi32> to vector<1x384x128xi32>
    %reduce_sum3A_331 = arith.constant dense<0> : vector<1xi32>
    %reduce_sum3A_332 = vector.multi_reduction <add>, %reduce_sum3A_330, %reduce_sum3A_331 [1, 2] : vector<1x384x128xi32> to vector<1xi32>
    %reduce_sum3A_333 = vector.shape_cast %reduce_sum3A_332 : vector<1xi32> to vector<1x1x1xi32>
    %reduce_sum3A_334 = vector.extract %reduce_sum3A_333[0, 0, 0] : i32 from vector<1x1x1xi32>
    %swap3A_335 = arith.constant 0 : index
    %swap3A_336 = arith.constant 24 : index
    %swap3A_337 = memref.load %arg10[%swap3A_335, %swap3A_336] : memref<1x128xi32, #tpu.memory_space<smem>>
    memref.store %reduce_sum3A_334, %arg10[%swap3A_335, %swap3A_336] : memref<1x128xi32, #tpu.memory_space<smem>>
    %lt3A_338 = arith.constant 6400 : i32
    %lt3A_339 = vector.broadcast %lt3A_338 : i32 to vector<384x128xi32>
    %lt3A_340 = arith.cmpi slt, %get3A_40, %lt3A_339 : vector<384x128xi32>
    %convert_element_type3A_341 = arith.extui %lt3A_340 : vector<384x128xi1> to vector<384x128xi32>
    %reduce_sum3A_342 = vector.shape_cast %convert_element_type3A_341 : vector<384x128xi32> to vector<1x384x128xi32>
    %reduce_sum3A_343 = arith.constant dense<0> : vector<1xi32>
    %reduce_sum3A_344 = vector.multi_reduction <add>, %reduce_sum3A_342, %reduce_sum3A_343 [1, 2] : vector<1x384x128xi32> to vector<1xi32>
    %reduce_sum3A_345 = vector.shape_cast %reduce_sum3A_344 : vector<1xi32> to vector<1x1x1xi32>
    %reduce_sum3A_346 = vector.extract %reduce_sum3A_345[0, 0, 0] : i32 from vector<1x1x1xi32>
    %swap3A_347 = arith.constant 0 : index
    %swap3A_348 = arith.constant 25 : index
    %swap3A_349 = memref.load %arg10[%swap3A_347, %swap3A_348] : memref<1x128xi32, #tpu.memory_space<smem>>
    memref.store %reduce_sum3A_346, %arg10[%swap3A_347, %swap3A_348] : memref<1x128xi32, #tpu.memory_space<smem>>
    %lt3A_350 = arith.constant 6656 : i32
    %lt3A_351 = vector.broadcast %lt3A_350 : i32 to vector<384x128xi32>
    %lt3A_352 = arith.cmpi slt, %get3A_40, %lt3A_351 : vector<384x128xi32>
    %convert_element_type3A_353 = arith.extui %lt3A_352 : vector<384x128xi1> to vector<384x128xi32>
    %reduce_sum3A_354 = vector.shape_cast %convert_element_type3A_353 : vector<384x128xi32> to vector<1x384x128xi32>
    %reduce_sum3A_355 = arith.constant dense<0> : vector<1xi32>
    %reduce_sum3A_356 = vector.multi_reduction <add>, %reduce_sum3A_354, %reduce_sum3A_355 [1, 2] : vector<1x384x128xi32> to vector<1xi32>
    %reduce_sum3A_357 = vector.shape_cast %reduce_sum3A_356 : vector<1xi32> to vector<1x1x1xi32>
    %reduce_sum3A_358 = vector.extract %reduce_sum3A_357[0, 0, 0] : i32 from vector<1x1x1xi32>
    %swap3A_359 = arith.constant 0 : index
    %swap3A_360 = arith.constant 26 : index
    %swap3A_361 = memref.load %arg10[%swap3A_359, %swap3A_360] : memref<1x128xi32, #tpu.memory_space<smem>>
    memref.store %reduce_sum3A_358, %arg10[%swap3A_359, %swap3A_360] : memref<1x128xi32, #tpu.memory_space<smem>>
    %lt3A_362 = arith.constant 6912 : i32
    %lt3A_363 = vector.broadcast %lt3A_362 : i32 to vector<384x128xi32>
    %lt3A_364 = arith.cmpi slt, %get3A_40, %lt3A_363 : vector<384x128xi32>
    %convert_element_type3A_365 = arith.extui %lt3A_364 : vector<384x128xi1> to vector<384x128xi32>
    %reduce_sum3A_366 = vector.shape_cast %convert_element_type3A_365 : vector<384x128xi32> to vector<1x384x128xi32>
    %reduce_sum3A_367 = arith.constant dense<0> : vector<1xi32>
    %reduce_sum3A_368 = vector.multi_reduction <add>, %reduce_sum3A_366, %reduce_sum3A_367 [1, 2] : vector<1x384x128xi32> to vector<1xi32>
    %reduce_sum3A_369 = vector.shape_cast %reduce_sum3A_368 : vector<1xi32> to vector<1x1x1xi32>
    %reduce_sum3A_370 = vector.extract %reduce_sum3A_369[0, 0, 0] : i32 from vector<1x1x1xi32>
    %swap3A_371 = arith.constant 0 : index
    %swap3A_372 = arith.constant 27 : index
    %swap3A_373 = memref.load %arg10[%swap3A_371, %swap3A_372] : memref<1x128xi32, #tpu.memory_space<smem>>
    memref.store %reduce_sum3A_370, %arg10[%swap3A_371, %swap3A_372] : memref<1x128xi32, #tpu.memory_space<smem>>
    %lt3A_374 = arith.constant 7168 : i32
    %lt3A_375 = vector.broadcast %lt3A_374 : i32 to vector<384x128xi32>
    %lt3A_376 = arith.cmpi slt, %get3A_40, %lt3A_375 : vector<384x128xi32>
    %convert_element_type3A_377 = arith.extui %lt3A_376 : vector<384x128xi1> to vector<384x128xi32>
    %reduce_sum3A_378 = vector.shape_cast %convert_element_type3A_377 : vector<384x128xi32> to vector<1x384x128xi32>
    %reduce_sum3A_379 = arith.constant dense<0> : vector<1xi32>
    %reduce_sum3A_380 = vector.multi_reduction <add>, %reduce_sum3A_378, %reduce_sum3A_379 [1, 2] : vector<1x384x128xi32> to vector<1xi32>
    %reduce_sum3A_381 = vector.shape_cast %reduce_sum3A_380 : vector<1xi32> to vector<1x1x1xi32>
    %reduce_sum3A_382 = vector.extract %reduce_sum3A_381[0, 0, 0] : i32 from vector<1x1x1xi32>
    %swap3A_383 = arith.constant 0 : index
    %swap3A_384 = arith.constant 28 : index
    %swap3A_385 = memref.load %arg10[%swap3A_383, %swap3A_384] : memref<1x128xi32, #tpu.memory_space<smem>>
    memref.store %reduce_sum3A_382, %arg10[%swap3A_383, %swap3A_384] : memref<1x128xi32, #tpu.memory_space<smem>>
    %lt3A_386 = arith.constant 7424 : i32
    %lt3A_387 = vector.broadcast %lt3A_386 : i32 to vector<384x128xi32>
    %lt3A_388 = arith.cmpi slt, %get3A_40, %lt3A_387 : vector<384x128xi32>
    %convert_element_type3A_389 = arith.extui %lt3A_388 : vector<384x128xi1> to vector<384x128xi32>
    %reduce_sum3A_390 = vector.shape_cast %convert_element_type3A_389 : vector<384x128xi32> to vector<1x384x128xi32>
    %reduce_sum3A_391 = arith.constant dense<0> : vector<1xi32>
    %reduce_sum3A_392 = vector.multi_reduction <add>, %reduce_sum3A_390, %reduce_sum3A_391 [1, 2] : vector<1x384x128xi32> to vector<1xi32>
    %reduce_sum3A_393 = vector.shape_cast %reduce_sum3A_392 : vector<1xi32> to vector<1x1x1xi32>
    %reduce_sum3A_394 = vector.extract %reduce_sum3A_393[0, 0, 0] : i32 from vector<1x1x1xi32>
    %swap3A_395 = arith.constant 0 : index
    %swap3A_396 = arith.constant 29 : index
    %swap3A_397 = memref.load %arg10[%swap3A_395, %swap3A_396] : memref<1x128xi32, #tpu.memory_space<smem>>
    memref.store %reduce_sum3A_394, %arg10[%swap3A_395, %swap3A_396] : memref<1x128xi32, #tpu.memory_space<smem>>
    %lt3A_398 = arith.constant 7680 : i32
    %lt3A_399 = vector.broadcast %lt3A_398 : i32 to vector<384x128xi32>
    %lt3A_400 = arith.cmpi slt, %get3A_40, %lt3A_399 : vector<384x128xi32>
    %convert_element_type3A_401 = arith.extui %lt3A_400 : vector<384x128xi1> to vector<384x128xi32>
    %reduce_sum3A_402 = vector.shape_cast %convert_element_type3A_401 : vector<384x128xi32> to vector<1x384x128xi32>
    %reduce_sum3A_403 = arith.constant dense<0> : vector<1xi32>
    %reduce_sum3A_404 = vector.multi_reduction <add>, %reduce_sum3A_402, %reduce_sum3A_403 [1, 2] : vector<1x384x128xi32> to vector<1xi32>
    %reduce_sum3A_405 = vector.shape_cast %reduce_sum3A_404 : vector<1xi32> to vector<1x1x1xi32>
    %reduce_sum3A_406 = vector.extract %reduce_sum3A_405[0, 0, 0] : i32 from vector<1x1x1xi32>
    %swap3A_407 = arith.constant 0 : index
    %swap3A_408 = arith.constant 30 : index
    %swap3A_409 = memref.load %arg10[%swap3A_407, %swap3A_408] : memref<1x128xi32, #tpu.memory_space<smem>>
    memref.store %reduce_sum3A_406, %arg10[%swap3A_407, %swap3A_408] : memref<1x128xi32, #tpu.memory_space<smem>>
    %lt3A_410 = arith.constant 7936 : i32
    %lt3A_411 = vector.broadcast %lt3A_410 : i32 to vector<384x128xi32>
    %lt3A_412 = arith.cmpi slt, %get3A_40, %lt3A_411 : vector<384x128xi32>
    %convert_element_type3A_413 = arith.extui %lt3A_412 : vector<384x128xi1> to vector<384x128xi32>
    %reduce_sum3A_414 = vector.shape_cast %convert_element_type3A_413 : vector<384x128xi32> to vector<1x384x128xi32>
    %reduce_sum3A_415 = arith.constant dense<0> : vector<1xi32>
    %reduce_sum3A_416 = vector.multi_reduction <add>, %reduce_sum3A_414, %reduce_sum3A_415 [1, 2] : vector<1x384x128xi32> to vector<1xi32>
    %reduce_sum3A_417 = vector.shape_cast %reduce_sum3A_416 : vector<1xi32> to vector<1x1x1xi32>
    %reduce_sum3A_418 = vector.extract %reduce_sum3A_417[0, 0, 0] : i32 from vector<1x1x1xi32>
    %swap3A_419 = arith.constant 0 : index
    %swap3A_420 = arith.constant 31 : index
    %swap3A_421 = memref.load %arg10[%swap3A_419, %swap3A_420] : memref<1x128xi32, #tpu.memory_space<smem>>
    memref.store %reduce_sum3A_418, %arg10[%swap3A_419, %swap3A_420] : memref<1x128xi32, #tpu.memory_space<smem>>
    %lt3A_422 = arith.constant 8192 : i32
    %lt3A_423 = vector.broadcast %lt3A_422 : i32 to vector<384x128xi32>
    %lt3A_424 = arith.cmpi slt, %get3A_40, %lt3A_423 : vector<384x128xi32>
    %convert_element_type3A_425 = arith.extui %lt3A_424 : vector<384x128xi1> to vector<384x128xi32>
    %reduce_sum3A_426 = vector.shape_cast %convert_element_type3A_425 : vector<384x128xi32> to vector<1x384x128xi32>
    %reduce_sum3A_427 = arith.constant dense<0> : vector<1xi32>
    %reduce_sum3A_428 = vector.multi_reduction <add>, %reduce_sum3A_426, %reduce_sum3A_427 [1, 2] : vector<1x384x128xi32> to vector<1xi32>
    %reduce_sum3A_429 = vector.shape_cast %reduce_sum3A_428 : vector<1xi32> to vector<1x1x1xi32>
    %reduce_sum3A_430 = vector.extract %reduce_sum3A_429[0, 0, 0] : i32 from vector<1x1x1xi32>
    %swap3A_431 = arith.constant 0 : index
    %swap3A_432 = arith.constant 32 : index
    %swap3A_433 = memref.load %arg10[%swap3A_431, %swap3A_432] : memref<1x128xi32, #tpu.memory_space<smem>>
    memref.store %reduce_sum3A_430, %arg10[%swap3A_431, %swap3A_432] : memref<1x128xi32, #tpu.memory_space<smem>>
    %lt3A_434 = arith.constant 8448 : i32
    %lt3A_435 = vector.broadcast %lt3A_434 : i32 to vector<384x128xi32>
    %lt3A_436 = arith.cmpi slt, %get3A_40, %lt3A_435 : vector<384x128xi32>
    %convert_element_type3A_437 = arith.extui %lt3A_436 : vector<384x128xi1> to vector<384x128xi32>
    %reduce_sum3A_438 = vector.shape_cast %convert_element_type3A_437 : vector<384x128xi32> to vector<1x384x128xi32>
    %reduce_sum3A_439 = arith.constant dense<0> : vector<1xi32>
    %reduce_sum3A_440 = vector.multi_reduction <add>, %reduce_sum3A_438, %reduce_sum3A_439 [1, 2] : vector<1x384x128xi32> to vector<1xi32>
    %reduce_sum3A_441 = vector.shape_cast %reduce_sum3A_440 : vector<1xi32> to vector<1x1x1xi32>
    %reduce_sum3A_442 = vector.extract %reduce_sum3A_441[0, 0, 0] : i32 from vector<1x1x1xi32>
    %swap3A_443 = arith.constant 0 : index
    %swap3A_444 = arith.constant 33 : index
    %swap3A_445 = memref.load %arg10[%swap3A_443, %swap3A_444] : memref<1x128xi32, #tpu.memory_space<smem>>
    memref.store %reduce_sum3A_442, %arg10[%swap3A_443, %swap3A_444] : memref<1x128xi32, #tpu.memory_space<smem>>
    %lt3A_446 = arith.constant 8704 : i32
    %lt3A_447 = vector.broadcast %lt3A_446 : i32 to vector<384x128xi32>
    %lt3A_448 = arith.cmpi slt, %get3A_40, %lt3A_447 : vector<384x128xi32>
    %convert_element_type3A_449 = arith.extui %lt3A_448 : vector<384x128xi1> to vector<384x128xi32>
    %reduce_sum3A_450 = vector.shape_cast %convert_element_type3A_449 : vector<384x128xi32> to vector<1x384x128xi32>
    %reduce_sum3A_451 = arith.constant dense<0> : vector<1xi32>
    %reduce_sum3A_452 = vector.multi_reduction <add>, %reduce_sum3A_450, %reduce_sum3A_451 [1, 2] : vector<1x384x128xi32> to vector<1xi32>
    %reduce_sum3A_453 = vector.shape_cast %reduce_sum3A_452 : vector<1xi32> to vector<1x1x1xi32>
    %reduce_sum3A_454 = vector.extract %reduce_sum3A_453[0, 0, 0] : i32 from vector<1x1x1xi32>
    %swap3A_455 = arith.constant 0 : index
    %swap3A_456 = arith.constant 34 : index
    %swap3A_457 = memref.load %arg10[%swap3A_455, %swap3A_456] : memref<1x128xi32, #tpu.memory_space<smem>>
    memref.store %reduce_sum3A_454, %arg10[%swap3A_455, %swap3A_456] : memref<1x128xi32, #tpu.memory_space<smem>>
    %lt3A_458 = arith.constant 8960 : i32
    %lt3A_459 = vector.broadcast %lt3A_458 : i32 to vector<384x128xi32>
    %lt3A_460 = arith.cmpi slt, %get3A_40, %lt3A_459 : vector<384x128xi32>
    %convert_element_type3A_461 = arith.extui %lt3A_460 : vector<384x128xi1> to vector<384x128xi32>
    %reduce_sum3A_462 = vector.shape_cast %convert_element_type3A_461 : vector<384x128xi32> to vector<1x384x128xi32>
    %reduce_sum3A_463 = arith.constant dense<0> : vector<1xi32>
    %reduce_sum3A_464 = vector.multi_reduction <add>, %reduce_sum3A_462, %reduce_sum3A_463 [1, 2] : vector<1x384x128xi32> to vector<1xi32>
    %reduce_sum3A_465 = vector.shape_cast %reduce_sum3A_464 : vector<1xi32> to vector<1x1x1xi32>
    %reduce_sum3A_466 = vector.extract %reduce_sum3A_465[0, 0, 0] : i32 from vector<1x1x1xi32>
    %swap3A_467 = arith.constant 0 : index
    %swap3A_468 = arith.constant 35 : index
    %swap3A_469 = memref.load %arg10[%swap3A_467, %swap3A_468] : memref<1x128xi32, #tpu.memory_space<smem>>
    memref.store %reduce_sum3A_466, %arg10[%swap3A_467, %swap3A_468] : memref<1x128xi32, #tpu.memory_space<smem>>
    %lt3A_470 = arith.constant 9216 : i32
    %lt3A_471 = vector.broadcast %lt3A_470 : i32 to vector<384x128xi32>
    %lt3A_472 = arith.cmpi slt, %get3A_40, %lt3A_471 : vector<384x128xi32>
    %convert_element_type3A_473 = arith.extui %lt3A_472 : vector<384x128xi1> to vector<384x128xi32>
    %reduce_sum3A_474 = vector.shape_cast %convert_element_type3A_473 : vector<384x128xi32> to vector<1x384x128xi32>
    %reduce_sum3A_475 = arith.constant dense<0> : vector<1xi32>
    %reduce_sum3A_476 = vector.multi_reduction <add>, %reduce_sum3A_474, %reduce_sum3A_475 [1, 2] : vector<1x384x128xi32> to vector<1xi32>
    %reduce_sum3A_477 = vector.shape_cast %reduce_sum3A_476 : vector<1xi32> to vector<1x1x1xi32>
    %reduce_sum3A_478 = vector.extract %reduce_sum3A_477[0, 0, 0] : i32 from vector<1x1x1xi32>
    %swap3A_479 = arith.constant 0 : index
    %swap3A_480 = arith.constant 36 : index
    %swap3A_481 = memref.load %arg10[%swap3A_479, %swap3A_480] : memref<1x128xi32, #tpu.memory_space<smem>>
    memref.store %reduce_sum3A_478, %arg10[%swap3A_479, %swap3A_480] : memref<1x128xi32, #tpu.memory_space<smem>>
    %lt3A_482 = arith.constant 9472 : i32
    %lt3A_483 = vector.broadcast %lt3A_482 : i32 to vector<384x128xi32>
    %lt3A_484 = arith.cmpi slt, %get3A_40, %lt3A_483 : vector<384x128xi32>
    %convert_element_type3A_485 = arith.extui %lt3A_484 : vector<384x128xi1> to vector<384x128xi32>
    %reduce_sum3A_486 = vector.shape_cast %convert_element_type3A_485 : vector<384x128xi32> to vector<1x384x128xi32>
    %reduce_sum3A_487 = arith.constant dense<0> : vector<1xi32>
    %reduce_sum3A_488 = vector.multi_reduction <add>, %reduce_sum3A_486, %reduce_sum3A_487 [1, 2] : vector<1x384x128xi32> to vector<1xi32>
    %reduce_sum3A_489 = vector.shape_cast %reduce_sum3A_488 : vector<1xi32> to vector<1x1x1xi32>
    %reduce_sum3A_490 = vector.extract %reduce_sum3A_489[0, 0, 0] : i32 from vector<1x1x1xi32>
    %swap3A_491 = arith.constant 0 : index
    %swap3A_492 = arith.constant 37 : index
    %swap3A_493 = memref.load %arg10[%swap3A_491, %swap3A_492] : memref<1x128xi32, #tpu.memory_space<smem>>
    memref.store %reduce_sum3A_490, %arg10[%swap3A_491, %swap3A_492] : memref<1x128xi32, #tpu.memory_space<smem>>
    %lt3A_494 = arith.constant 9728 : i32
    %lt3A_495 = vector.broadcast %lt3A_494 : i32 to vector<384x128xi32>
    %lt3A_496 = arith.cmpi slt, %get3A_40, %lt3A_495 : vector<384x128xi32>
    %convert_element_type3A_497 = arith.extui %lt3A_496 : vector<384x128xi1> to vector<384x128xi32>
    %reduce_sum3A_498 = vector.shape_cast %convert_element_type3A_497 : vector<384x128xi32> to vector<1x384x128xi32>
    %reduce_sum3A_499 = arith.constant dense<0> : vector<1xi32>
    %reduce_sum3A_500 = vector.multi_reduction <add>, %reduce_sum3A_498, %reduce_sum3A_499 [1, 2] : vector<1x384x128xi32> to vector<1xi32>
    %reduce_sum3A_501 = vector.shape_cast %reduce_sum3A_500 : vector<1xi32> to vector<1x1x1xi32>
    %reduce_sum3A_502 = vector.extract %reduce_sum3A_501[0, 0, 0] : i32 from vector<1x1x1xi32>
    %swap3A_503 = arith.constant 0 : index
    %swap3A_504 = arith.constant 38 : index
    %swap3A_505 = memref.load %arg10[%swap3A_503, %swap3A_504] : memref<1x128xi32, #tpu.memory_space<smem>>
    memref.store %reduce_sum3A_502, %arg10[%swap3A_503, %swap3A_504] : memref<1x128xi32, #tpu.memory_space<smem>>
    %lt3A_506 = arith.constant 9984 : i32
    %lt3A_507 = vector.broadcast %lt3A_506 : i32 to vector<384x128xi32>
    %lt3A_508 = arith.cmpi slt, %get3A_40, %lt3A_507 : vector<384x128xi32>
    %convert_element_type3A_509 = arith.extui %lt3A_508 : vector<384x128xi1> to vector<384x128xi32>
    %reduce_sum3A_510 = vector.shape_cast %convert_element_type3A_509 : vector<384x128xi32> to vector<1x384x128xi32>
    %reduce_sum3A_511 = arith.constant dense<0> : vector<1xi32>
    %reduce_sum3A_512 = vector.multi_reduction <add>, %reduce_sum3A_510, %reduce_sum3A_511 [1, 2] : vector<1x384x128xi32> to vector<1xi32>
    %reduce_sum3A_513 = vector.shape_cast %reduce_sum3A_512 : vector<1xi32> to vector<1x1x1xi32>
    %reduce_sum3A_514 = vector.extract %reduce_sum3A_513[0, 0, 0] : i32 from vector<1x1x1xi32>
    %swap3A_515 = arith.constant 0 : index
    %swap3A_516 = arith.constant 39 : index
    %swap3A_517 = memref.load %arg10[%swap3A_515, %swap3A_516] : memref<1x128xi32, #tpu.memory_space<smem>>
    memref.store %reduce_sum3A_514, %arg10[%swap3A_515, %swap3A_516] : memref<1x128xi32, #tpu.memory_space<smem>>
    %lt3A_518 = arith.constant 10240 : i32
    %lt3A_519 = vector.broadcast %lt3A_518 : i32 to vector<384x128xi32>
    %lt3A_520 = arith.cmpi slt, %get3A_40, %lt3A_519 : vector<384x128xi32>
    %convert_element_type3A_521 = arith.extui %lt3A_520 : vector<384x128xi1> to vector<384x128xi32>
    %reduce_sum3A_522 = vector.shape_cast %convert_element_type3A_521 : vector<384x128xi32> to vector<1x384x128xi32>
    %reduce_sum3A_523 = arith.constant dense<0> : vector<1xi32>
    %reduce_sum3A_524 = vector.multi_reduction <add>, %reduce_sum3A_522, %reduce_sum3A_523 [1, 2] : vector<1x384x128xi32> to vector<1xi32>
    %reduce_sum3A_525 = vector.shape_cast %reduce_sum3A_524 : vector<1xi32> to vector<1x1x1xi32>
    %reduce_sum3A_526 = vector.extract %reduce_sum3A_525[0, 0, 0] : i32 from vector<1x1x1xi32>
    %swap3A_527 = arith.constant 0 : index
    %swap3A_528 = arith.constant 40 : index
    %swap3A_529 = memref.load %arg10[%swap3A_527, %swap3A_528] : memref<1x128xi32, #tpu.memory_space<smem>>
    memref.store %reduce_sum3A_526, %arg10[%swap3A_527, %swap3A_528] : memref<1x128xi32, #tpu.memory_space<smem>>
    %lt3A_530 = arith.constant 10496 : i32
    %lt3A_531 = vector.broadcast %lt3A_530 : i32 to vector<384x128xi32>
    %lt3A_532 = arith.cmpi slt, %get3A_40, %lt3A_531 : vector<384x128xi32>
    %convert_element_type3A_533 = arith.extui %lt3A_532 : vector<384x128xi1> to vector<384x128xi32>
    %reduce_sum3A_534 = vector.shape_cast %convert_element_type3A_533 : vector<384x128xi32> to vector<1x384x128xi32>
    %reduce_sum3A_535 = arith.constant dense<0> : vector<1xi32>
    %reduce_sum3A_536 = vector.multi_reduction <add>, %reduce_sum3A_534, %reduce_sum3A_535 [1, 2] : vector<1x384x128xi32> to vector<1xi32>
    %reduce_sum3A_537 = vector.shape_cast %reduce_sum3A_536 : vector<1xi32> to vector<1x1x1xi32>
    %reduce_sum3A_538 = vector.extract %reduce_sum3A_537[0, 0, 0] : i32 from vector<1x1x1xi32>
    %swap3A_539 = arith.constant 0 : index
    %swap3A_540 = arith.constant 41 : index
    %swap3A_541 = memref.load %arg10[%swap3A_539, %swap3A_540] : memref<1x128xi32, #tpu.memory_space<smem>>
    memref.store %reduce_sum3A_538, %arg10[%swap3A_539, %swap3A_540] : memref<1x128xi32, #tpu.memory_space<smem>>
    %lt3A_542 = arith.constant 10752 : i32
    %lt3A_543 = vector.broadcast %lt3A_542 : i32 to vector<384x128xi32>
    %lt3A_544 = arith.cmpi slt, %get3A_40, %lt3A_543 : vector<384x128xi32>
    %convert_element_type3A_545 = arith.extui %lt3A_544 : vector<384x128xi1> to vector<384x128xi32>
    %reduce_sum3A_546 = vector.shape_cast %convert_element_type3A_545 : vector<384x128xi32> to vector<1x384x128xi32>
    %reduce_sum3A_547 = arith.constant dense<0> : vector<1xi32>
    %reduce_sum3A_548 = vector.multi_reduction <add>, %reduce_sum3A_546, %reduce_sum3A_547 [1, 2] : vector<1x384x128xi32> to vector<1xi32>
    %reduce_sum3A_549 = vector.shape_cast %reduce_sum3A_548 : vector<1xi32> to vector<1x1x1xi32>
    %reduce_sum3A_550 = vector.extract %reduce_sum3A_549[0, 0, 0] : i32 from vector<1x1x1xi32>
    %swap3A_551 = arith.constant 0 : index
    %swap3A_552 = arith.constant 42 : index
    %swap3A_553 = memref.load %arg10[%swap3A_551, %swap3A_552] : memref<1x128xi32, #tpu.memory_space<smem>>
    memref.store %reduce_sum3A_550, %arg10[%swap3A_551, %swap3A_552] : memref<1x128xi32, #tpu.memory_space<smem>>
    %lt3A_554 = arith.constant 11008 : i32
    %lt3A_555 = vector.broadcast %lt3A_554 : i32 to vector<384x128xi32>
    %lt3A_556 = arith.cmpi slt, %get3A_40, %lt3A_555 : vector<384x128xi32>
    %convert_element_type3A_557 = arith.extui %lt3A_556 : vector<384x128xi1> to vector<384x128xi32>
    %reduce_sum3A_558 = vector.shape_cast %convert_element_type3A_557 : vector<384x128xi32> to vector<1x384x128xi32>
    %reduce_sum3A_559 = arith.constant dense<0> : vector<1xi32>
    %reduce_sum3A_560 = vector.multi_reduction <add>, %reduce_sum3A_558, %reduce_sum3A_559 [1, 2] : vector<1x384x128xi32> to vector<1xi32>
    %reduce_sum3A_561 = vector.shape_cast %reduce_sum3A_560 : vector<1xi32> to vector<1x1x1xi32>
    %reduce_sum3A_562 = vector.extract %reduce_sum3A_561[0, 0, 0] : i32 from vector<1x1x1xi32>
    %swap3A_563 = arith.constant 0 : index
    %swap3A_564 = arith.constant 43 : index
    %swap3A_565 = memref.load %arg10[%swap3A_563, %swap3A_564] : memref<1x128xi32, #tpu.memory_space<smem>>
    memref.store %reduce_sum3A_562, %arg10[%swap3A_563, %swap3A_564] : memref<1x128xi32, #tpu.memory_space<smem>>
    %lt3A_566 = arith.constant 11264 : i32
    %lt3A_567 = vector.broadcast %lt3A_566 : i32 to vector<384x128xi32>
    %lt3A_568 = arith.cmpi slt, %get3A_40, %lt3A_567 : vector<384x128xi32>
    %convert_element_type3A_569 = arith.extui %lt3A_568 : vector<384x128xi1> to vector<384x128xi32>
    %reduce_sum3A_570 = vector.shape_cast %convert_element_type3A_569 : vector<384x128xi32> to vector<1x384x128xi32>
    %reduce_sum3A_571 = arith.constant dense<0> : vector<1xi32>
    %reduce_sum3A_572 = vector.multi_reduction <add>, %reduce_sum3A_570, %reduce_sum3A_571 [1, 2] : vector<1x384x128xi32> to vector<1xi32>
    %reduce_sum3A_573 = vector.shape_cast %reduce_sum3A_572 : vector<1xi32> to vector<1x1x1xi32>
    %reduce_sum3A_574 = vector.extract %reduce_sum3A_573[0, 0, 0] : i32 from vector<1x1x1xi32>
    %swap3A_575 = arith.constant 0 : index
    %swap3A_576 = arith.constant 44 : index
    %swap3A_577 = memref.load %arg10[%swap3A_575, %swap3A_576] : memref<1x128xi32, #tpu.memory_space<smem>>
    memref.store %reduce_sum3A_574, %arg10[%swap3A_575, %swap3A_576] : memref<1x128xi32, #tpu.memory_space<smem>>
    %lt3A_578 = arith.constant 11520 : i32
    %lt3A_579 = vector.broadcast %lt3A_578 : i32 to vector<384x128xi32>
    %lt3A_580 = arith.cmpi slt, %get3A_40, %lt3A_579 : vector<384x128xi32>
    %convert_element_type3A_581 = arith.extui %lt3A_580 : vector<384x128xi1> to vector<384x128xi32>
    %reduce_sum3A_582 = vector.shape_cast %convert_element_type3A_581 : vector<384x128xi32> to vector<1x384x128xi32>
    %reduce_sum3A_583 = arith.constant dense<0> : vector<1xi32>
    %reduce_sum3A_584 = vector.multi_reduction <add>, %reduce_sum3A_582, %reduce_sum3A_583 [1, 2] : vector<1x384x128xi32> to vector<1xi32>
    %reduce_sum3A_585 = vector.shape_cast %reduce_sum3A_584 : vector<1xi32> to vector<1x1x1xi32>
    %reduce_sum3A_586 = vector.extract %reduce_sum3A_585[0, 0, 0] : i32 from vector<1x1x1xi32>
    %swap3A_587 = arith.constant 0 : index
    %swap3A_588 = arith.constant 45 : index
    %swap3A_589 = memref.load %arg10[%swap3A_587, %swap3A_588] : memref<1x128xi32, #tpu.memory_space<smem>>
    memref.store %reduce_sum3A_586, %arg10[%swap3A_587, %swap3A_588] : memref<1x128xi32, #tpu.memory_space<smem>>
    %lt3A_590 = arith.constant 11776 : i32
    %lt3A_591 = vector.broadcast %lt3A_590 : i32 to vector<384x128xi32>
    %lt3A_592 = arith.cmpi slt, %get3A_40, %lt3A_591 : vector<384x128xi32>
    %convert_element_type3A_593 = arith.extui %lt3A_592 : vector<384x128xi1> to vector<384x128xi32>
    %reduce_sum3A_594 = vector.shape_cast %convert_element_type3A_593 : vector<384x128xi32> to vector<1x384x128xi32>
    %reduce_sum3A_595 = arith.constant dense<0> : vector<1xi32>
    %reduce_sum3A_596 = vector.multi_reduction <add>, %reduce_sum3A_594, %reduce_sum3A_595 [1, 2] : vector<1x384x128xi32> to vector<1xi32>
    %reduce_sum3A_597 = vector.shape_cast %reduce_sum3A_596 : vector<1xi32> to vector<1x1x1xi32>
    %reduce_sum3A_598 = vector.extract %reduce_sum3A_597[0, 0, 0] : i32 from vector<1x1x1xi32>
    %swap3A_599 = arith.constant 0 : index
    %swap3A_600 = arith.constant 46 : index
    %swap3A_601 = memref.load %arg10[%swap3A_599, %swap3A_600] : memref<1x128xi32, #tpu.memory_space<smem>>
    memref.store %reduce_sum3A_598, %arg10[%swap3A_599, %swap3A_600] : memref<1x128xi32, #tpu.memory_space<smem>>
    %lt3A_602 = arith.constant 12032 : i32
    %lt3A_603 = vector.broadcast %lt3A_602 : i32 to vector<384x128xi32>
    %lt3A_604 = arith.cmpi slt, %get3A_40, %lt3A_603 : vector<384x128xi32>
    %convert_element_type3A_605 = arith.extui %lt3A_604 : vector<384x128xi1> to vector<384x128xi32>
    %reduce_sum3A_606 = vector.shape_cast %convert_element_type3A_605 : vector<384x128xi32> to vector<1x384x128xi32>
    %reduce_sum3A_607 = arith.constant dense<0> : vector<1xi32>
    %reduce_sum3A_608 = vector.multi_reduction <add>, %reduce_sum3A_606, %reduce_sum3A_607 [1, 2] : vector<1x384x128xi32> to vector<1xi32>
    %reduce_sum3A_609 = vector.shape_cast %reduce_sum3A_608 : vector<1xi32> to vector<1x1x1xi32>
    %reduce_sum3A_610 = vector.extract %reduce_sum3A_609[0, 0, 0] : i32 from vector<1x1x1xi32>
    %swap3A_611 = arith.constant 0 : index
    %swap3A_612 = arith.constant 47 : index
    %swap3A_613 = memref.load %arg10[%swap3A_611, %swap3A_612] : memref<1x128xi32, #tpu.memory_space<smem>>
    memref.store %reduce_sum3A_610, %arg10[%swap3A_611, %swap3A_612] : memref<1x128xi32, #tpu.memory_space<smem>>
    %lt3A_614 = arith.constant 12288 : i32
    %lt3A_615 = vector.broadcast %lt3A_614 : i32 to vector<384x128xi32>
    %lt3A_616 = arith.cmpi slt, %get3A_40, %lt3A_615 : vector<384x128xi32>
    %convert_element_type3A_617 = arith.extui %lt3A_616 : vector<384x128xi1> to vector<384x128xi32>
    %reduce_sum3A_618 = vector.shape_cast %convert_element_type3A_617 : vector<384x128xi32> to vector<1x384x128xi32>
    %reduce_sum3A_619 = arith.constant dense<0> : vector<1xi32>
    %reduce_sum3A_620 = vector.multi_reduction <add>, %reduce_sum3A_618, %reduce_sum3A_619 [1, 2] : vector<1x384x128xi32> to vector<1xi32>
    %reduce_sum3A_621 = vector.shape_cast %reduce_sum3A_620 : vector<1xi32> to vector<1x1x1xi32>
    %reduce_sum3A_622 = vector.extract %reduce_sum3A_621[0, 0, 0] : i32 from vector<1x1x1xi32>
    %swap3A_623 = arith.constant 0 : index
    %swap3A_624 = arith.constant 48 : index
    %swap3A_625 = memref.load %arg10[%swap3A_623, %swap3A_624] : memref<1x128xi32, #tpu.memory_space<smem>>
    memref.store %reduce_sum3A_622, %arg10[%swap3A_623, %swap3A_624] : memref<1x128xi32, #tpu.memory_space<smem>>
    %lt3A_626 = arith.constant 12544 : i32
    %lt3A_627 = vector.broadcast %lt3A_626 : i32 to vector<384x128xi32>
    %lt3A_628 = arith.cmpi slt, %get3A_40, %lt3A_627 : vector<384x128xi32>
    %convert_element_type3A_629 = arith.extui %lt3A_628 : vector<384x128xi1> to vector<384x128xi32>
    %reduce_sum3A_630 = vector.shape_cast %convert_element_type3A_629 : vector<384x128xi32> to vector<1x384x128xi32>
    %reduce_sum3A_631 = arith.constant dense<0> : vector<1xi32>
    %reduce_sum3A_632 = vector.multi_reduction <add>, %reduce_sum3A_630, %reduce_sum3A_631 [1, 2] : vector<1x384x128xi32> to vector<1xi32>
    %reduce_sum3A_633 = vector.shape_cast %reduce_sum3A_632 : vector<1xi32> to vector<1x1x1xi32>
    %reduce_sum3A_634 = vector.extract %reduce_sum3A_633[0, 0, 0] : i32 from vector<1x1x1xi32>
    %swap3A_635 = arith.constant 0 : index
    %swap3A_636 = arith.constant 49 : index
    %swap3A_637 = memref.load %arg10[%swap3A_635, %swap3A_636] : memref<1x128xi32, #tpu.memory_space<smem>>
    memref.store %reduce_sum3A_634, %arg10[%swap3A_635, %swap3A_636] : memref<1x128xi32, #tpu.memory_space<smem>>
    %lt3A_638 = arith.constant 12800 : i32
    %lt3A_639 = vector.broadcast %lt3A_638 : i32 to vector<384x128xi32>
    %lt3A_640 = arith.cmpi slt, %get3A_40, %lt3A_639 : vector<384x128xi32>
    %convert_element_type3A_641 = arith.extui %lt3A_640 : vector<384x128xi1> to vector<384x128xi32>
    %reduce_sum3A_642 = vector.shape_cast %convert_element_type3A_641 : vector<384x128xi32> to vector<1x384x128xi32>
    %reduce_sum3A_643 = arith.constant dense<0> : vector<1xi32>
    %reduce_sum3A_644 = vector.multi_reduction <add>, %reduce_sum3A_642, %reduce_sum3A_643 [1, 2] : vector<1x384x128xi32> to vector<1xi32>
    %reduce_sum3A_645 = vector.shape_cast %reduce_sum3A_644 : vector<1xi32> to vector<1x1x1xi32>
    %reduce_sum3A_646 = vector.extract %reduce_sum3A_645[0, 0, 0] : i32 from vector<1x1x1xi32>
    %swap3A_647 = arith.constant 0 : index
    %swap3A_648 = arith.constant 50 : index
    %swap3A_649 = memref.load %arg10[%swap3A_647, %swap3A_648] : memref<1x128xi32, #tpu.memory_space<smem>>
    memref.store %reduce_sum3A_646, %arg10[%swap3A_647, %swap3A_648] : memref<1x128xi32, #tpu.memory_space<smem>>
    %lt3A_650 = arith.constant 13056 : i32
    %lt3A_651 = vector.broadcast %lt3A_650 : i32 to vector<384x128xi32>
    %lt3A_652 = arith.cmpi slt, %get3A_40, %lt3A_651 : vector<384x128xi32>
    %convert_element_type3A_653 = arith.extui %lt3A_652 : vector<384x128xi1> to vector<384x128xi32>
    %reduce_sum3A_654 = vector.shape_cast %convert_element_type3A_653 : vector<384x128xi32> to vector<1x384x128xi32>
    %reduce_sum3A_655 = arith.constant dense<0> : vector<1xi32>
    %reduce_sum3A_656 = vector.multi_reduction <add>, %reduce_sum3A_654, %reduce_sum3A_655 [1, 2] : vector<1x384x128xi32> to vector<1xi32>
    %reduce_sum3A_657 = vector.shape_cast %reduce_sum3A_656 : vector<1xi32> to vector<1x1x1xi32>
    %reduce_sum3A_658 = vector.extract %reduce_sum3A_657[0, 0, 0] : i32 from vector<1x1x1xi32>
    %swap3A_659 = arith.constant 0 : index
    %swap3A_660 = arith.constant 51 : index
    %swap3A_661 = memref.load %arg10[%swap3A_659, %swap3A_660] : memref<1x128xi32, #tpu.memory_space<smem>>
    memref.store %reduce_sum3A_658, %arg10[%swap3A_659, %swap3A_660] : memref<1x128xi32, #tpu.memory_space<smem>>
    %lt3A_662 = arith.constant 13312 : i32
    %lt3A_663 = vector.broadcast %lt3A_662 : i32 to vector<384x128xi32>
    %lt3A_664 = arith.cmpi slt, %get3A_40, %lt3A_663 : vector<384x128xi32>
    %convert_element_type3A_665 = arith.extui %lt3A_664 : vector<384x128xi1> to vector<384x128xi32>
    %reduce_sum3A_666 = vector.shape_cast %convert_element_type3A_665 : vector<384x128xi32> to vector<1x384x128xi32>
    %reduce_sum3A_667 = arith.constant dense<0> : vector<1xi32>
    %reduce_sum3A_668 = vector.multi_reduction <add>, %reduce_sum3A_666, %reduce_sum3A_667 [1, 2] : vector<1x384x128xi32> to vector<1xi32>
    %reduce_sum3A_669 = vector.shape_cast %reduce_sum3A_668 : vector<1xi32> to vector<1x1x1xi32>
    %reduce_sum3A_670 = vector.extract %reduce_sum3A_669[0, 0, 0] : i32 from vector<1x1x1xi32>
    %swap3A_671 = arith.constant 0 : index
    %swap3A_672 = arith.constant 52 : index
    %swap3A_673 = memref.load %arg10[%swap3A_671, %swap3A_672] : memref<1x128xi32, #tpu.memory_space<smem>>
    memref.store %reduce_sum3A_670, %arg10[%swap3A_671, %swap3A_672] : memref<1x128xi32, #tpu.memory_space<smem>>
    %lt3A_674 = arith.constant 13568 : i32
    %lt3A_675 = vector.broadcast %lt3A_674 : i32 to vector<384x128xi32>
    %lt3A_676 = arith.cmpi slt, %get3A_40, %lt3A_675 : vector<384x128xi32>
    %convert_element_type3A_677 = arith.extui %lt3A_676 : vector<384x128xi1> to vector<384x128xi32>
    %reduce_sum3A_678 = vector.shape_cast %convert_element_type3A_677 : vector<384x128xi32> to vector<1x384x128xi32>
    %reduce_sum3A_679 = arith.constant dense<0> : vector<1xi32>
    %reduce_sum3A_680 = vector.multi_reduction <add>, %reduce_sum3A_678, %reduce_sum3A_679 [1, 2] : vector<1x384x128xi32> to vector<1xi32>
    %reduce_sum3A_681 = vector.shape_cast %reduce_sum3A_680 : vector<1xi32> to vector<1x1x1xi32>
    %reduce_sum3A_682 = vector.extract %reduce_sum3A_681[0, 0, 0] : i32 from vector<1x1x1xi32>
    %swap3A_683 = arith.constant 0 : index
    %swap3A_684 = arith.constant 53 : index
    %swap3A_685 = memref.load %arg10[%swap3A_683, %swap3A_684] : memref<1x128xi32, #tpu.memory_space<smem>>
    memref.store %reduce_sum3A_682, %arg10[%swap3A_683, %swap3A_684] : memref<1x128xi32, #tpu.memory_space<smem>>
    %lt3A_686 = arith.constant 13824 : i32
    %lt3A_687 = vector.broadcast %lt3A_686 : i32 to vector<384x128xi32>
    %lt3A_688 = arith.cmpi slt, %get3A_40, %lt3A_687 : vector<384x128xi32>
    %convert_element_type3A_689 = arith.extui %lt3A_688 : vector<384x128xi1> to vector<384x128xi32>
    %reduce_sum3A_690 = vector.shape_cast %convert_element_type3A_689 : vector<384x128xi32> to vector<1x384x128xi32>
    %reduce_sum3A_691 = arith.constant dense<0> : vector<1xi32>
    %reduce_sum3A_692 = vector.multi_reduction <add>, %reduce_sum3A_690, %reduce_sum3A_691 [1, 2] : vector<1x384x128xi32> to vector<1xi32>
    %reduce_sum3A_693 = vector.shape_cast %reduce_sum3A_692 : vector<1xi32> to vector<1x1x1xi32>
    %reduce_sum3A_694 = vector.extract %reduce_sum3A_693[0, 0, 0] : i32 from vector<1x1x1xi32>
    %swap3A_695 = arith.constant 0 : index
    %swap3A_696 = arith.constant 54 : index
    %swap3A_697 = memref.load %arg10[%swap3A_695, %swap3A_696] : memref<1x128xi32, #tpu.memory_space<smem>>
    memref.store %reduce_sum3A_694, %arg10[%swap3A_695, %swap3A_696] : memref<1x128xi32, #tpu.memory_space<smem>>
    %lt3A_698 = arith.constant 14080 : i32
    %lt3A_699 = vector.broadcast %lt3A_698 : i32 to vector<384x128xi32>
    %lt3A_700 = arith.cmpi slt, %get3A_40, %lt3A_699 : vector<384x128xi32>
    %convert_element_type3A_701 = arith.extui %lt3A_700 : vector<384x128xi1> to vector<384x128xi32>
    %reduce_sum3A_702 = vector.shape_cast %convert_element_type3A_701 : vector<384x128xi32> to vector<1x384x128xi32>
    %reduce_sum3A_703 = arith.constant dense<0> : vector<1xi32>
    %reduce_sum3A_704 = vector.multi_reduction <add>, %reduce_sum3A_702, %reduce_sum3A_703 [1, 2] : vector<1x384x128xi32> to vector<1xi32>
    %reduce_sum3A_705 = vector.shape_cast %reduce_sum3A_704 : vector<1xi32> to vector<1x1x1xi32>
    %reduce_sum3A_706 = vector.extract %reduce_sum3A_705[0, 0, 0] : i32 from vector<1x1x1xi32>
    %swap3A_707 = arith.constant 0 : index
    %swap3A_708 = arith.constant 55 : index
    %swap3A_709 = memref.load %arg10[%swap3A_707, %swap3A_708] : memref<1x128xi32, #tpu.memory_space<smem>>
    memref.store %reduce_sum3A_706, %arg10[%swap3A_707, %swap3A_708] : memref<1x128xi32, #tpu.memory_space<smem>>
    %lt3A_710 = arith.constant 14336 : i32
    %lt3A_711 = vector.broadcast %lt3A_710 : i32 to vector<384x128xi32>
    %lt3A_712 = arith.cmpi slt, %get3A_40, %lt3A_711 : vector<384x128xi32>
    %convert_element_type3A_713 = arith.extui %lt3A_712 : vector<384x128xi1> to vector<384x128xi32>
    %reduce_sum3A_714 = vector.shape_cast %convert_element_type3A_713 : vector<384x128xi32> to vector<1x384x128xi32>
    %reduce_sum3A_715 = arith.constant dense<0> : vector<1xi32>
    %reduce_sum3A_716 = vector.multi_reduction <add>, %reduce_sum3A_714, %reduce_sum3A_715 [1, 2] : vector<1x384x128xi32> to vector<1xi32>
    %reduce_sum3A_717 = vector.shape_cast %reduce_sum3A_716 : vector<1xi32> to vector<1x1x1xi32>
    %reduce_sum3A_718 = vector.extract %reduce_sum3A_717[0, 0, 0] : i32 from vector<1x1x1xi32>
    %swap3A_719 = arith.constant 0 : index
    %swap3A_720 = arith.constant 56 : index
    %swap3A_721 = memref.load %arg10[%swap3A_719, %swap3A_720] : memref<1x128xi32, #tpu.memory_space<smem>>
    memref.store %reduce_sum3A_718, %arg10[%swap3A_719, %swap3A_720] : memref<1x128xi32, #tpu.memory_space<smem>>
    %lt3A_722 = arith.constant 14592 : i32
    %lt3A_723 = vector.broadcast %lt3A_722 : i32 to vector<384x128xi32>
    %lt3A_724 = arith.cmpi slt, %get3A_40, %lt3A_723 : vector<384x128xi32>
    %convert_element_type3A_725 = arith.extui %lt3A_724 : vector<384x128xi1> to vector<384x128xi32>
    %reduce_sum3A_726 = vector.shape_cast %convert_element_type3A_725 : vector<384x128xi32> to vector<1x384x128xi32>
    %reduce_sum3A_727 = arith.constant dense<0> : vector<1xi32>
    %reduce_sum3A_728 = vector.multi_reduction <add>, %reduce_sum3A_726, %reduce_sum3A_727 [1, 2] : vector<1x384x128xi32> to vector<1xi32>
    %reduce_sum3A_729 = vector.shape_cast %reduce_sum3A_728 : vector<1xi32> to vector<1x1x1xi32>
    %reduce_sum3A_730 = vector.extract %reduce_sum3A_729[0, 0, 0] : i32 from vector<1x1x1xi32>
    %swap3A_731 = arith.constant 0 : index
    %swap3A_732 = arith.constant 57 : index
    %swap3A_733 = memref.load %arg10[%swap3A_731, %swap3A_732] : memref<1x128xi32, #tpu.memory_space<smem>>
    memref.store %reduce_sum3A_730, %arg10[%swap3A_731, %swap3A_732] : memref<1x128xi32, #tpu.memory_space<smem>>
    %lt3A_734 = arith.constant 14848 : i32
    %lt3A_735 = vector.broadcast %lt3A_734 : i32 to vector<384x128xi32>
    %lt3A_736 = arith.cmpi slt, %get3A_40, %lt3A_735 : vector<384x128xi32>
    %convert_element_type3A_737 = arith.extui %lt3A_736 : vector<384x128xi1> to vector<384x128xi32>
    %reduce_sum3A_738 = vector.shape_cast %convert_element_type3A_737 : vector<384x128xi32> to vector<1x384x128xi32>
    %reduce_sum3A_739 = arith.constant dense<0> : vector<1xi32>
    %reduce_sum3A_740 = vector.multi_reduction <add>, %reduce_sum3A_738, %reduce_sum3A_739 [1, 2] : vector<1x384x128xi32> to vector<1xi32>
    %reduce_sum3A_741 = vector.shape_cast %reduce_sum3A_740 : vector<1xi32> to vector<1x1x1xi32>
    %reduce_sum3A_742 = vector.extract %reduce_sum3A_741[0, 0, 0] : i32 from vector<1x1x1xi32>
    %swap3A_743 = arith.constant 0 : index
    %swap3A_744 = arith.constant 58 : index
    %swap3A_745 = memref.load %arg10[%swap3A_743, %swap3A_744] : memref<1x128xi32, #tpu.memory_space<smem>>
    memref.store %reduce_sum3A_742, %arg10[%swap3A_743, %swap3A_744] : memref<1x128xi32, #tpu.memory_space<smem>>
    %lt3A_746 = arith.constant 15104 : i32
    %lt3A_747 = vector.broadcast %lt3A_746 : i32 to vector<384x128xi32>
    %lt3A_748 = arith.cmpi slt, %get3A_40, %lt3A_747 : vector<384x128xi32>
    %convert_element_type3A_749 = arith.extui %lt3A_748 : vector<384x128xi1> to vector<384x128xi32>
    %reduce_sum3A_750 = vector.shape_cast %convert_element_type3A_749 : vector<384x128xi32> to vector<1x384x128xi32>
    %reduce_sum3A_751 = arith.constant dense<0> : vector<1xi32>
    %reduce_sum3A_752 = vector.multi_reduction <add>, %reduce_sum3A_750, %reduce_sum3A_751 [1, 2] : vector<1x384x128xi32> to vector<1xi32>
    %reduce_sum3A_753 = vector.shape_cast %reduce_sum3A_752 : vector<1xi32> to vector<1x1x1xi32>
    %reduce_sum3A_754 = vector.extract %reduce_sum3A_753[0, 0, 0] : i32 from vector<1x1x1xi32>
    %swap3A_755 = arith.constant 0 : index
    %swap3A_756 = arith.constant 59 : index
    %swap3A_757 = memref.load %arg10[%swap3A_755, %swap3A_756] : memref<1x128xi32, #tpu.memory_space<smem>>
    memref.store %reduce_sum3A_754, %arg10[%swap3A_755, %swap3A_756] : memref<1x128xi32, #tpu.memory_space<smem>>
    %lt3A_758 = arith.constant 15360 : i32
    %lt3A_759 = vector.broadcast %lt3A_758 : i32 to vector<384x128xi32>
    %lt3A_760 = arith.cmpi slt, %get3A_40, %lt3A_759 : vector<384x128xi32>
    %convert_element_type3A_761 = arith.extui %lt3A_760 : vector<384x128xi1> to vector<384x128xi32>
    %reduce_sum3A_762 = vector.shape_cast %convert_element_type3A_761 : vector<384x128xi32> to vector<1x384x128xi32>
    %reduce_sum3A_763 = arith.constant dense<0> : vector<1xi32>
    %reduce_sum3A_764 = vector.multi_reduction <add>, %reduce_sum3A_762, %reduce_sum3A_763 [1, 2] : vector<1x384x128xi32> to vector<1xi32>
    %reduce_sum3A_765 = vector.shape_cast %reduce_sum3A_764 : vector<1xi32> to vector<1x1x1xi32>
    %reduce_sum3A_766 = vector.extract %reduce_sum3A_765[0, 0, 0] : i32 from vector<1x1x1xi32>
    %swap3A_767 = arith.constant 0 : index
    %swap3A_768 = arith.constant 60 : index
    %swap3A_769 = memref.load %arg10[%swap3A_767, %swap3A_768] : memref<1x128xi32, #tpu.memory_space<smem>>
    memref.store %reduce_sum3A_766, %arg10[%swap3A_767, %swap3A_768] : memref<1x128xi32, #tpu.memory_space<smem>>
    %lt3A_770 = arith.constant 15616 : i32
    %lt3A_771 = vector.broadcast %lt3A_770 : i32 to vector<384x128xi32>
    %lt3A_772 = arith.cmpi slt, %get3A_40, %lt3A_771 : vector<384x128xi32>
    %convert_element_type3A_773 = arith.extui %lt3A_772 : vector<384x128xi1> to vector<384x128xi32>
    %reduce_sum3A_774 = vector.shape_cast %convert_element_type3A_773 : vector<384x128xi32> to vector<1x384x128xi32>
    %reduce_sum3A_775 = arith.constant dense<0> : vector<1xi32>
    %reduce_sum3A_776 = vector.multi_reduction <add>, %reduce_sum3A_774, %reduce_sum3A_775 [1, 2] : vector<1x384x128xi32> to vector<1xi32>
    %reduce_sum3A_777 = vector.shape_cast %reduce_sum3A_776 : vector<1xi32> to vector<1x1x1xi32>
    %reduce_sum3A_778 = vector.extract %reduce_sum3A_777[0, 0, 0] : i32 from vector<1x1x1xi32>
    %swap3A_779 = arith.constant 0 : index
    %swap3A_780 = arith.constant 61 : index
    %swap3A_781 = memref.load %arg10[%swap3A_779, %swap3A_780] : memref<1x128xi32, #tpu.memory_space<smem>>
    memref.store %reduce_sum3A_778, %arg10[%swap3A_779, %swap3A_780] : memref<1x128xi32, #tpu.memory_space<smem>>
    %lt3A_782 = arith.constant 15872 : i32
    %lt3A_783 = vector.broadcast %lt3A_782 : i32 to vector<384x128xi32>
    %lt3A_784 = arith.cmpi slt, %get3A_40, %lt3A_783 : vector<384x128xi32>
    %convert_element_type3A_785 = arith.extui %lt3A_784 : vector<384x128xi1> to vector<384x128xi32>
    %reduce_sum3A_786 = vector.shape_cast %convert_element_type3A_785 : vector<384x128xi32> to vector<1x384x128xi32>
    %reduce_sum3A_787 = arith.constant dense<0> : vector<1xi32>
    %reduce_sum3A_788 = vector.multi_reduction <add>, %reduce_sum3A_786, %reduce_sum3A_787 [1, 2] : vector<1x384x128xi32> to vector<1xi32>
    %reduce_sum3A_789 = vector.shape_cast %reduce_sum3A_788 : vector<1xi32> to vector<1x1x1xi32>
    %reduce_sum3A_790 = vector.extract %reduce_sum3A_789[0, 0, 0] : i32 from vector<1x1x1xi32>
    %swap3A_791 = arith.constant 0 : index
    %swap3A_792 = arith.constant 62 : index
    %swap3A_793 = memref.load %arg10[%swap3A_791, %swap3A_792] : memref<1x128xi32, #tpu.memory_space<smem>>
    memref.store %reduce_sum3A_790, %arg10[%swap3A_791, %swap3A_792] : memref<1x128xi32, #tpu.memory_space<smem>>
    %lt3A_794 = arith.constant 16128 : i32
    %lt3A_795 = vector.broadcast %lt3A_794 : i32 to vector<384x128xi32>
    %lt3A_796 = arith.cmpi slt, %get3A_40, %lt3A_795 : vector<384x128xi32>
    %convert_element_type3A_797 = arith.extui %lt3A_796 : vector<384x128xi1> to vector<384x128xi32>
    %reduce_sum3A_798 = vector.shape_cast %convert_element_type3A_797 : vector<384x128xi32> to vector<1x384x128xi32>
    %reduce_sum3A_799 = arith.constant dense<0> : vector<1xi32>
    %reduce_sum3A_800 = vector.multi_reduction <add>, %reduce_sum3A_798, %reduce_sum3A_799 [1, 2] : vector<1x384x128xi32> to vector<1xi32>
    %reduce_sum3A_801 = vector.shape_cast %reduce_sum3A_800 : vector<1xi32> to vector<1x1x1xi32>
    %reduce_sum3A_802 = vector.extract %reduce_sum3A_801[0, 0, 0] : i32 from vector<1x1x1xi32>
    %swap3A_803 = arith.constant 0 : index
    %swap3A_804 = arith.constant 63 : index
    %swap3A_805 = memref.load %arg10[%swap3A_803, %swap3A_804] : memref<1x128xi32, #tpu.memory_space<smem>>
    memref.store %reduce_sum3A_802, %arg10[%swap3A_803, %swap3A_804] : memref<1x128xi32, #tpu.memory_space<smem>>
    %lt3A_806 = arith.constant 16384 : i32
    %lt3A_807 = vector.broadcast %lt3A_806 : i32 to vector<384x128xi32>
    %lt3A_808 = arith.cmpi slt, %get3A_40, %lt3A_807 : vector<384x128xi32>
    %convert_element_type3A_809 = arith.extui %lt3A_808 : vector<384x128xi1> to vector<384x128xi32>
    %reduce_sum3A_810 = vector.shape_cast %convert_element_type3A_809 : vector<384x128xi32> to vector<1x384x128xi32>
    %reduce_sum3A_811 = arith.constant dense<0> : vector<1xi32>
    %reduce_sum3A_812 = vector.multi_reduction <add>, %reduce_sum3A_810, %reduce_sum3A_811 [1, 2] : vector<1x384x128xi32> to vector<1xi32>
    %reduce_sum3A_813 = vector.shape_cast %reduce_sum3A_812 : vector<1xi32> to vector<1x1x1xi32>
    %reduce_sum3A_814 = vector.extract %reduce_sum3A_813[0, 0, 0] : i32 from vector<1x1x1xi32>
    %swap3A_815 = arith.constant 0 : index
    %swap3A_816 = arith.constant 64 : index
    %swap3A_817 = memref.load %arg10[%swap3A_815, %swap3A_816] : memref<1x128xi32, #tpu.memory_space<smem>>
    memref.store %reduce_sum3A_814, %arg10[%swap3A_815, %swap3A_816] : memref<1x128xi32, #tpu.memory_space<smem>>
    return
  }
}

module attributes {stable_mosaic.version = 14 : i64} {
  func.func @_stage_a(%arg0: i32, %arg1: memref<1x1x1024xi32, #tpu.memory_space<vmem>>, %arg2: memref<1x1x1024xi32, #tpu.memory_space<vmem>>, %arg3: memref<32x256xf32, #tpu.memory_space<vmem>>, %arg4: memref<128x256xf32, #tpu.memory_space<vmem>>, %arg5: memref<1x256xf32, #tpu.memory_space<vmem>>, %arg6: memref<256x256xf32, #tpu.memory_space<vmem>>, %arg7: memref<1x256xf32, #tpu.memory_space<vmem>>, %arg8: memref<256x256xf32, #tpu.memory_space<vmem>>, %arg9: memref<1x256xf32, #tpu.memory_space<vmem>>, %arg10: memref<1x256xf32, #tpu.memory_space<vmem>>, %arg11: memref<1024x384xbf16, #tpu.memory_space<vmem>>) attributes {dimension_semantics = [#tpu.dimension_semantics<arbitrary>], iteration_bounds = array<i64: 48>, scalar_prefetch = 0 : i64, scratch_operands = 0 : i64, tpu.core_type = #tpu.core_type<tc>, window_params = [{transform_indices = @transform_0, window_bounds = array<i64: 1, 1, 1024>}, {transform_indices = @transform_1, window_bounds = array<i64: 1, 1, 1024>}, {pipeline_mode = #tpu.pipeline_mode<synchronous>, transform_indices = @transform_2, window_bounds = array<i64: 32, 256>}, {pipeline_mode = #tpu.pipeline_mode<synchronous>, transform_indices = @transform_3, window_bounds = array<i64: 128, 256>}, {pipeline_mode = #tpu.pipeline_mode<synchronous>, transform_indices = @transform_4, window_bounds = array<i64: 1, 256>}, {pipeline_mode = #tpu.pipeline_mode<synchronous>, transform_indices = @transform_5, window_bounds = array<i64: 256, 256>}, {pipeline_mode = #tpu.pipeline_mode<synchronous>, transform_indices = @transform_6, window_bounds = array<i64: 1, 256>}, {pipeline_mode = #tpu.pipeline_mode<synchronous>, transform_indices = @transform_7, window_bounds = array<i64: 256, 256>}, {pipeline_mode = #tpu.pipeline_mode<synchronous>, transform_indices = @transform_8, window_bounds = array<i64: 1, 256>}, {pipeline_mode = #tpu.pipeline_mode<synchronous>, transform_indices = @transform_9, window_bounds = array<i64: 1, 256>}, {transform_indices = @transform_10, window_bounds = array<i64: 1024, 384>}]} {
    %get3A = arith.constant 0 : index
    %get3A_0 = arith.constant 0 : index
    %get3A_1 = arith.constant 0 : index
    %get3A_2 = vector.load %arg1[%get3A, %get3A_0, %get3A_1] : memref<1x1x1024xi32, #tpu.memory_space<vmem>>, vector<1x1x1024xi32>
    %get3A_3 = vector.shape_cast %get3A_2 : vector<1x1x1024xi32> to vector<1024xi32>
    %get3A_4 = arith.constant 0 : index
    %get3A_5 = arith.constant 0 : index
    %get3A_6 = arith.constant 0 : index
    %get3A_7 = vector.load %arg2[%get3A_4, %get3A_5, %get3A_6] : memref<1x1x1024xi32, #tpu.memory_space<vmem>>, vector<1x1x1024xi32>
    %get3A_8 = vector.shape_cast %get3A_7 : vector<1x1x1024xi32> to vector<1024xi32>
    %broadcast_in_dim3A = vector.shape_cast %get3A_3 : vector<1024xi32> to vector<1024x1xi32>
    %iota3A = tpu.iota {dimensions = array<i32: 1>} : vector<1024x32xi32>
    %eq3A = vector.broadcast %broadcast_in_dim3A : vector<1024x1xi32> to vector<1024x32xi32>
    %eq3A_9 = arith.cmpi eq, %eq3A, %iota3A : vector<1024x32xi32>
    %convert_element_type3A = arith.extui %eq3A_9 : vector<1024x32xi1> to vector<1024x32xi32>
    %convert_element_type3A_10 = arith.sitofp %convert_element_type3A : vector<1024x32xi32> to vector<1024x32xf32>
    %convert_element_type3A_11 = arith.truncf %convert_element_type3A_10 : vector<1024x32xf32> to vector<1024x32xbf16>
    %get3A_12 = arith.constant 0 : index
    %get3A_13 = arith.constant 0 : index
    %get3A_14 = vector.load %arg3[%get3A_12, %get3A_13] : memref<32x256xf32, #tpu.memory_space<vmem>>, vector<32x256xf32>
    %convert_element_type3A_15 = arith.truncf %get3A_14 : vector<32x256xf32> to vector<32x256xbf16>
    %dot_general3A = arith.constant dense<0.000000e+00> : vector<1024x256xf32>
    %dot_general3A_16 = tpu.matmul %convert_element_type3A_11, %convert_element_type3A_15, %dot_general3A {dimension_numbers = #tpu.dot_dimension_numbers<[1], [0], [0], [1], [0, 0, 1, 1], [], []>, transpose_lhs_hint = false} : vector<1024x32xbf16>, vector<32x256xbf16>, vector<1024x256xf32> -> vector<1024x256xf32>
    %broadcast_in_dim3A_17 = vector.shape_cast %get3A_8 : vector<1024xi32> to vector<1024x1xi32>
    %iota3A_18 = tpu.iota {dimensions = array<i32: 1>} : vector<1024x128xi32>
    %eq3A_19 = vector.broadcast %broadcast_in_dim3A_17 : vector<1024x1xi32> to vector<1024x128xi32>
    %eq3A_20 = arith.cmpi eq, %eq3A_19, %iota3A_18 : vector<1024x128xi32>
    %convert_element_type3A_21 = arith.extui %eq3A_20 : vector<1024x128xi1> to vector<1024x128xi32>
    %convert_element_type3A_22 = arith.sitofp %convert_element_type3A_21 : vector<1024x128xi32> to vector<1024x128xf32>
    %convert_element_type3A_23 = arith.truncf %convert_element_type3A_22 : vector<1024x128xf32> to vector<1024x128xbf16>
    %get3A_24 = arith.constant 0 : index
    %get3A_25 = arith.constant 0 : index
    %get3A_26 = vector.load %arg4[%get3A_24, %get3A_25] : memref<128x256xf32, #tpu.memory_space<vmem>>, vector<128x256xf32>
    %convert_element_type3A_27 = arith.truncf %get3A_26 : vector<128x256xf32> to vector<128x256xbf16>
    %dot_general3A_28 = arith.constant dense<0.000000e+00> : vector<1024x256xf32>
    %dot_general3A_29 = tpu.matmul %convert_element_type3A_23, %convert_element_type3A_27, %dot_general3A_28 {dimension_numbers = #tpu.dot_dimension_numbers<[1], [0], [0], [1], [0, 0, 1, 1], [], []>, transpose_lhs_hint = false} : vector<1024x128xbf16>, vector<128x256xbf16>, vector<1024x256xf32> -> vector<1024x256xf32>
    %add3A = arith.addf %dot_general3A_16, %dot_general3A_29 : vector<1024x256xf32>
    %get3A_30 = arith.constant 0 : index
    %get3A_31 = arith.constant 0 : index
    %get3A_32 = vector.load %arg5[%get3A_30, %get3A_31] : memref<1x256xf32, #tpu.memory_space<vmem>>, vector<1x256xf32>
    %add3A_33 = vector.broadcast %get3A_32 : vector<1x256xf32> to vector<1024x256xf32>
    %add3A_34 = arith.addf %add3A, %add3A_33 : vector<1024x256xf32>
    %max3A = arith.constant 0.000000e+00 : f32
    %max3A_35 = vector.broadcast %max3A : f32 to vector<1024x256xf32>
    %max3A_36 = arith.maximumf %add3A_34, %max3A_35 : vector<1024x256xf32>
    %convert_element_type3A_37 = arith.truncf %max3A_36 : vector<1024x256xf32> to vector<1024x256xbf16>
    %get3A_38 = arith.constant 0 : index
    %get3A_39 = arith.constant 0 : index
    %get3A_40 = vector.load %arg6[%get3A_38, %get3A_39] : memref<256x256xf32, #tpu.memory_space<vmem>>, vector<256x256xf32>
    %convert_element_type3A_41 = arith.truncf %get3A_40 : vector<256x256xf32> to vector<256x256xbf16>
    %dot_general3A_42 = arith.constant dense<0.000000e+00> : vector<1024x256xf32>
    %dot_general3A_43 = tpu.matmul %convert_element_type3A_37, %convert_element_type3A_41, %dot_general3A_42 {dimension_numbers = #tpu.dot_dimension_numbers<[1], [0], [0], [1], [0, 0, 1, 1], [], []>, transpose_lhs_hint = false} : vector<1024x256xbf16>, vector<256x256xbf16>, vector<1024x256xf32> -> vector<1024x256xf32>
    %get3A_44 = arith.constant 0 : index
    %get3A_45 = arith.constant 0 : index
    %get3A_46 = vector.load %arg7[%get3A_44, %get3A_45] : memref<1x256xf32, #tpu.memory_space<vmem>>, vector<1x256xf32>
    %add3A_47 = vector.broadcast %get3A_46 : vector<1x256xf32> to vector<1024x256xf32>
    %add3A_48 = arith.addf %dot_general3A_43, %add3A_47 : vector<1024x256xf32>
    %convert_element_type3A_49 = arith.truncf %add3A_48 : vector<1024x256xf32> to vector<1024x256xbf16>
    %get3A_50 = arith.constant 0 : index
    %get3A_51 = arith.constant 0 : index
    %get3A_52 = vector.load %arg8[%get3A_50, %get3A_51] : memref<256x256xf32, #tpu.memory_space<vmem>>, vector<256x256xf32>
    %convert_element_type3A_53 = arith.truncf %get3A_52 : vector<256x256xf32> to vector<256x256xbf16>
    %dot_general3A_54 = arith.constant dense<0.000000e+00> : vector<1024x256xf32>
    %dot_general3A_55 = tpu.matmul %convert_element_type3A_49, %convert_element_type3A_53, %dot_general3A_54 {dimension_numbers = #tpu.dot_dimension_numbers<[1], [0], [0], [1], [0, 0, 1, 1], [], []>, transpose_lhs_hint = false} : vector<1024x256xbf16>, vector<256x256xbf16>, vector<1024x256xf32> -> vector<1024x256xf32>
    %get3A_56 = arith.constant 0 : index
    %get3A_57 = arith.constant 0 : index
    %get3A_58 = vector.load %arg9[%get3A_56, %get3A_57] : memref<1x256xf32, #tpu.memory_space<vmem>>, vector<1x256xf32>
    %add3A_59 = vector.broadcast %get3A_58 : vector<1x256xf32> to vector<1024x256xf32>
    %add3A_60 = arith.addf %dot_general3A_55, %add3A_59 : vector<1024x256xf32>
    %tanh3A = math.tanh %add3A_60 : vector<1024x256xf32>
    %get3A_61 = arith.constant 0 : index
    %get3A_62 = arith.constant 0 : index
    %get3A_63 = vector.load %arg10[%get3A_61, %get3A_62] : memref<1x256xf32, #tpu.memory_space<vmem>>, vector<1x256xf32>
    %mul3A = vector.broadcast %get3A_63 : vector<1x256xf32> to vector<1024x256xf32>
    %mul3A_64 = arith.mulf %tanh3A, %mul3A : vector<1024x256xf32>
    %reduce_sum3A = arith.constant dense<0.000000e+00> : vector<1024xf32>
    %reduce_sum3A_65 = vector.multi_reduction <add>, %mul3A_64, %reduce_sum3A [1] : vector<1024x256xf32> to vector<1024xf32>
    %broadcast_in_dim3A_66 = vector.shape_cast %reduce_sum3A_65 : vector<1024xf32> to vector<1024x1xf32>
    %exp3A = math.exp %broadcast_in_dim3A_66 : vector<1024x1xf32>
    %mul3A_67 = vector.broadcast %exp3A : vector<1024x1xf32> to vector<1024x256xf32>
    %mul3A_68 = arith.mulf %add3A_48, %mul3A_67 : vector<1024x256xf32>
    %convert_element_type3A_69 = arith.truncf %mul3A_68 : vector<1024x256xf32> to vector<1024x256xbf16>
    %swap3A = arith.constant 0 : index
    %swap3A_70 = arith.constant 0 : index
    %swap3A_71 = vector.load %arg11[%swap3A, %swap3A_70] : memref<1024x384xbf16, #tpu.memory_space<vmem>>, vector<1024x256xbf16>
    tpu.vector_store %arg11[%swap3A, %swap3A_70], %convert_element_type3A_69 {strides = array<i32>} : memref<1024x384xbf16, #tpu.memory_space<vmem>>, vector<1024x256xbf16>,
    %convert_element_type3A_72 = arith.truncf %exp3A : vector<1024x1xf32> to vector<1024x1xbf16>
    %broadcast_in_dim3A_73 = vector.shape_cast %convert_element_type3A_72 : vector<1024x1xbf16> to vector<1024x1xbf16>
    %broadcast_in_dim3A_74 = vector.broadcast %broadcast_in_dim3A_73 : vector<1024x1xbf16> to vector<1024x128xbf16>
    %swap3A_75 = arith.constant 0 : index
    %swap3A_76 = arith.constant 256 : index
    %swap3A_77 = vector.load %arg11[%swap3A_75, %swap3A_76] : memref<1024x384xbf16, #tpu.memory_space<vmem>>, vector<1024x128xbf16>
    tpu.vector_store %arg11[%swap3A_75, %swap3A_76], %broadcast_in_dim3A_74 {strides = array<i32>} : memref<1024x384xbf16, #tpu.memory_space<vmem>>, vector<1024x128xbf16>,
    return
  }
  func.func @transform_0(%arg0: i32) -> (i32, i32, i32) {
    %c0_i32 = arith.constant 0 : i32
    %c0_i32_0 = arith.constant 0 : i32
    %c0_i32_1 = arith.constant 0 : i32
    return %arg0, %c0_i32, %c0_i32_0 : i32, i32, i32
  }
  func.func @transform_1(%arg0: i32) -> (i32, i32, i32) {
    %c0_i32 = arith.constant 0 : i32
    %c0_i32_0 = arith.constant 0 : i32
    %c0_i32_1 = arith.constant 0 : i32
    return %arg0, %c0_i32, %c0_i32_0 : i32, i32, i32
  }
  func.func @transform_2(%arg0: i32) -> (i32, i32) {
    %c0_i32 = arith.constant 0 : i32
    %c0_i32_0 = arith.constant 0 : i32
    %c0_i32_1 = arith.constant 0 : i32
    return %c0_i32, %c0_i32_0 : i32, i32
  }
  func.func @transform_3(%arg0: i32) -> (i32, i32) {
    %c0_i32 = arith.constant 0 : i32
    %c0_i32_0 = arith.constant 0 : i32
    %c0_i32_1 = arith.constant 0 : i32
    return %c0_i32, %c0_i32_0 : i32, i32
  }
  func.func @transform_4(%arg0: i32) -> (i32, i32) {
    %c0_i32 = arith.constant 0 : i32
    %c0_i32_0 = arith.constant 0 : i32
    %c0_i32_1 = arith.constant 0 : i32
    return %c0_i32, %c0_i32_0 : i32, i32
  }
  func.func @transform_5(%arg0: i32) -> (i32, i32) {
    %c0_i32 = arith.constant 0 : i32
    %c0_i32_0 = arith.constant 0 : i32
    %c0_i32_1 = arith.constant 0 : i32
    return %c0_i32, %c0_i32_0 : i32, i32
  }
  func.func @transform_6(%arg0: i32) -> (i32, i32) {
    %c0_i32 = arith.constant 0 : i32
    %c0_i32_0 = arith.constant 0 : i32
    %c0_i32_1 = arith.constant 0 : i32
    return %c0_i32, %c0_i32_0 : i32, i32
  }
  func.func @transform_7(%arg0: i32) -> (i32, i32) {
    %c0_i32 = arith.constant 0 : i32
    %c0_i32_0 = arith.constant 0 : i32
    %c0_i32_1 = arith.constant 0 : i32
    return %c0_i32, %c0_i32_0 : i32, i32
  }
  func.func @transform_8(%arg0: i32) -> (i32, i32) {
    %c0_i32 = arith.constant 0 : i32
    %c0_i32_0 = arith.constant 0 : i32
    %c0_i32_1 = arith.constant 0 : i32
    return %c0_i32, %c0_i32_0 : i32, i32
  }
  func.func @transform_9(%arg0: i32) -> (i32, i32) {
    %c0_i32 = arith.constant 0 : i32
    %c0_i32_0 = arith.constant 0 : i32
    %c0_i32_1 = arith.constant 0 : i32
    return %c0_i32, %c0_i32_0 : i32, i32
  }
  func.func @transform_10(%arg0: i32) -> (i32, i32) {
    %c0_i32 = arith.constant 0 : i32
    %c0_i32_0 = arith.constant 0 : i32
    return %arg0, %c0_i32 : i32, i32
  }
}

module attributes {stable_mosaic.version = 14 : i64} {
  func.func @_stage_b(%arg0: i32, %arg1: memref<1x128xi32, #tpu.memory_space<smem>>, %arg2: memref<49152x384xbf16, #tpu.memory_space<any>>, %arg3: memref<49152xi32, #tpu.memory_space<any>>, %arg4: memref<256x256xf32, #tpu.memory_space<vmem>>, %arg5: memref<256x256xf32, #tpu.memory_space<vmem>>, %arg6: memref<1x256xf32, #tpu.memory_space<vmem>>, %arg7: memref<256x256xf32, #tpu.memory_space<vmem>>, %arg8: memref<4x1024x384xbf16, #tpu.memory_space<vmem>>, %arg9: memref<4x1024xi32, #tpu.memory_space<vmem>>, %arg10: memref<4x!tpu.dma_semaphore, #tpu.memory_space<semaphore_mem>>, %arg11: memref<4x!tpu.dma_semaphore, #tpu.memory_space<semaphore_mem>>) attributes {dimension_semantics = [#tpu.dimension_semantics<arbitrary>], iteration_bounds = array<i64: 64>, scalar_prefetch = 0 : i64, scratch_operands = 4 : i64, tpu.core_type = #tpu.core_type<tc>, window_params = [{transform_indices = @transform_0, window_bounds = array<i64: 1, 128>}, {}, {}, {transform_indices = @transform_3, window_bounds = array<i64: 256, 256>}, {pipeline_mode = #tpu.pipeline_mode<synchronous>, transform_indices = @transform_4, window_bounds = array<i64: 256, 256>}, {pipeline_mode = #tpu.pipeline_mode<synchronous>, transform_indices = @transform_5, window_bounds = array<i64: 1, 256>}, {transform_indices = @transform_6, window_bounds = array<i64: 256, 256>}]} {
    %get3A = arith.constant 0 : index
    %get3A_0 = arith.index_cast %arg0 : i32 to index
    %get3A_1 = memref.load %arg1[%get3A, %get3A_0] : memref<1x128xi32, #tpu.memory_space<smem>>
    %jit3A = arith.constant 128 : i32
    %div3A = arith.divsi %get3A_1, %jit3A : i32
    %sign3A = arith.constant 0 : i32
    %sign3A_2 = arith.cmpi sgt, %get3A_1, %sign3A : i32
    %sign3A_3 = arith.extui %sign3A_2 : i1 to i32
    %sign3A_4 = arith.constant 0 : i32
    %sign3A_5 = arith.cmpi slt, %get3A_1, %sign3A_4 : i32
    %sign3A_6 = arith.extui %sign3A_5 : i1 to i32
    %sign3A_7 = arith.subi %sign3A_3, %sign3A_6 : i32
    %sign3A_8 = arith.constant 0 : i32
    %sign3A_9 = arith.cmpi sgt, %jit3A, %sign3A_8 : i32
    %sign3A_10 = arith.extui %sign3A_9 : i1 to i32
    %sign3A_11 = arith.constant 0 : i32
    %sign3A_12 = arith.cmpi slt, %jit3A, %sign3A_11 : i32
    %sign3A_13 = arith.extui %sign3A_12 : i1 to i32
    %sign3A_14 = arith.subi %sign3A_10, %sign3A_13 : i32
    %ne3A = arith.cmpi ne, %sign3A_7, %sign3A_14 : i32
    %rem3A = arith.remsi %get3A_1, %jit3A : i32
    %ne3A_15 = arith.constant 0 : i32
    %ne3A_16 = arith.cmpi ne, %rem3A, %ne3A_15 : i32
    %and3A = arith.andi %ne3A, %ne3A_16 : i1
    %sub3A = arith.constant 1 : i32
    %sub3A_17 = arith.subi %div3A, %sub3A : i32
    %select_n3A = arith.select %and3A, %sub3A_17, %div3A : i32
    %mul3A = arith.constant 128 : i32
    %mul3A_18 = arith.muli %select_n3A, %mul3A : i32
    %add3A = arith.constant 1 : i32
    %add3A_19 = arith.addi %arg0, %add3A : i32
    %get3A_20 = arith.constant 0 : index
    %get3A_21 = arith.index_cast %add3A_19 : i32 to index
    %get3A_22 = memref.load %arg1[%get3A_20, %get3A_21] : memref<1x128xi32, #tpu.memory_space<smem>>
    %sub3A_23 = arith.subi %get3A_22, %mul3A_18 : i32
    %add3A_24 = arith.constant 1023 : i32
    %add3A_25 = arith.addi %sub3A_23, %add3A_24 : i32
    %div3A_26 = arith.constant 1024 : i32
    %div3A_27 = arith.divsi %add3A_25, %div3A_26 : i32
    %mul3A_28 = arith.constant 256 : i32
    %mul3A_29 = arith.muli %arg0, %mul3A_28 : i32
    %rem3A_30 = arith.constant 2 : i32
    %rem3A_31 = arith.remsi %arg0, %rem3A_30 : i32
    %gt3A = arith.constant 0 : i32
    %gt3A_32 = arith.cmpi sgt, %div3A_27, %gt3A : i32
    %convert_element_type3A = arith.extui %gt3A_32 : i1 to i32
    %cond3A = arith.constant 0 : i32
    %cond3A_33 = arith.cmpi ne, %convert_element_type3A, %cond3A : i32
    scf.if %cond3A_33 {
      %add3A_67 = arith.constant 0 : i32
      %add3A_68 = arith.addi %mul3A_18, %add3A_67 : i32
      %min3A = arith.constant 48128 : i32
      %min3A_69 = arith.minsi %add3A_68, %min3A : i32
      %multiple_of3A = tpu.assume_multiple %min3A_69, 128 : i32
      %dma_start3A = tpu.memref_slice %arg10[%rem3A_31] : memref<4x!tpu.dma_semaphore, #tpu.memory_space<semaphore_mem>> -> memref<1x!tpu.dma_semaphore, #tpu.memory_space<semaphore_mem>>
      %dma_start3A_70 = tpu.memref_squeeze %dma_start3A : memref<1x!tpu.dma_semaphore, #tpu.memory_space<semaphore_mem>> -> memref<!tpu.dma_semaphore, #tpu.memory_space<semaphore_mem>>
      %dma_start3A_71 = arith.constant 0 : i32
      %dma_start3A_72 = arith.constant 0 : i32
      %dma_start3A_73 = tpu.memref_slice %arg8[%rem3A_31, %dma_start3A_71, %dma_start3A_72] : memref<4x1024x384xbf16, #tpu.memory_space<vmem>> -> memref<1x1024x384xbf16, #tpu.memory_space<vmem>>
      %dma_start3A_74 = tpu.memref_squeeze %dma_start3A_73 : memref<1x1024x384xbf16, #tpu.memory_space<vmem>> -> memref<1024x384xbf16, #tpu.memory_space<vmem>>
      %dma_start3A_75 = arith.constant 0 : i32
      %dma_start3A_76 = tpu.memref_slice %arg2[%multiple_of3A, %dma_start3A_75] : memref<49152x384xbf16, #tpu.memory_space<any>> -> memref<1024x384xbf16, #tpu.memory_space<any>>
      tpu.enqueue_dma source(%dma_start3A_76 : memref<1024x384xbf16, #tpu.memory_space<any>>) target(%dma_start3A_74 : memref<1024x384xbf16, #tpu.memory_space<vmem>>) target_semaphore(%dma_start3A_70 : memref<!tpu.dma_semaphore, #tpu.memory_space<semaphore_mem>>)
      %dma_start3A_77 = tpu.memref_slice %arg11[%rem3A_31] : memref<4x!tpu.dma_semaphore, #tpu.memory_space<semaphore_mem>> -> memref<1x!tpu.dma_semaphore, #tpu.memory_space<semaphore_mem>>
      %dma_start3A_78 = tpu.memref_squeeze %dma_start3A_77 : memref<1x!tpu.dma_semaphore, #tpu.memory_space<semaphore_mem>> -> memref<!tpu.dma_semaphore, #tpu.memory_space<semaphore_mem>>
      %dma_start3A_79 = arith.constant 0 : i32
      %dma_start3A_80 = tpu.memref_slice %arg9[%rem3A_31, %dma_start3A_79] : memref<4x1024xi32, #tpu.memory_space<vmem>> -> memref<1x1024xi32, #tpu.memory_space<vmem>>
      %dma_start3A_81 = tpu.memref_squeeze %dma_start3A_80 : memref<1x1024xi32, #tpu.memory_space<vmem>> -> memref<1024xi32, #tpu.memory_space<vmem>>
      %dma_start3A_82 = tpu.memref_slice %arg3[%multiple_of3A] : memref<49152xi32, #tpu.memory_space<any>> -> memref<1024xi32, #tpu.memory_space<any>>
      tpu.enqueue_dma source(%dma_start3A_82 : memref<1024xi32, #tpu.memory_space<any>>) target(%dma_start3A_81 : memref<1024xi32, #tpu.memory_space<vmem>>) target_semaphore(%dma_start3A_78 : memref<!tpu.dma_semaphore, #tpu.memory_space<semaphore_mem>>)
    } else {
    }
    %broadcast_in_dim3A = arith.constant 0.000000e+00 : f32
    %broadcast_in_dim3A_34 = vector.broadcast %broadcast_in_dim3A : f32 to vector<256x384xf32>
    %while3A = arith.constant 0 : i32
    %while3A_35 = arith.subi %div3A_27, %while3A : i32
    %while3A_36 = arith.addi %while3A, %while3A_35 : i32
    %while3A_37 = arith.constant 1 : i32
    %while3A_38 = arith.divsi %while3A_35, %while3A_37 : i32
    %while3A_39 = arith.muli %while3A_38, %while3A_37 : i32
    %while3A_40 = arith.addi %while3A, %while3A_39 : i32
    %while3A_41 = arith.constant 1 : i32
    %while3A_42 = scf.for %while3A_67 = %while3A to %while3A_40 step %while3A_41 iter_args(%while3A_68 = %broadcast_in_dim3A_34) -> (vector<256x384xf32>)  : i32 {
      %mul3A_69 = arith.constant 1024 : i32
      %mul3A_70 = arith.muli %while3A_67, %mul3A_69 : i32
      %add3A_71 = arith.addi %mul3A_18, %mul3A_70 : i32
      %min3A = arith.constant 48128 : i32
      %min3A_72 = arith.minsi %add3A_71, %min3A : i32
      %multiple_of3A = tpu.assume_multiple %min3A_72, 128 : i32
      %eq3A = arith.constant 0 : i32
      %eq3A_73 = arith.cmpi eq, %while3A_67, %eq3A : i32
      %rem3A_74 = arith.constant 2 : i32
      %rem3A_75 = arith.remsi %while3A_67, %rem3A_74 : i32
      %add3A_76 = arith.constant 2 : i32
      %add3A_77 = arith.addi %add3A_76, %rem3A_75 : i32
      %select_n3A_78 = arith.select %eq3A_73, %rem3A_31, %add3A_77 : i32
      %add3A_79 = arith.constant 1 : i32
      %add3A_80 = arith.addi %while3A_67, %add3A_79 : i32
      %lt3A = arith.cmpi slt, %add3A_80, %div3A_27 : i32
      %convert_element_type3A_81 = arith.extui %lt3A : i1 to i32
      %cond3A_82 = arith.constant 0 : i32
      %cond3A_83 = arith.cmpi ne, %convert_element_type3A_81, %cond3A_82 : i32
      scf.if %cond3A_83 {
        %add3A_128 = arith.constant 1 : i32
        %add3A_129 = arith.addi %while3A_67, %add3A_128 : i32
        %add3A_130 = arith.constant 1 : i32
        %add3A_131 = arith.addi %while3A_67, %add3A_130 : i32
        %rem3A_132 = arith.constant 2 : i32
        %rem3A_133 = arith.remsi %add3A_131, %rem3A_132 : i32
        %add3A_134 = arith.constant 2 : i32
        %add3A_135 = arith.addi %add3A_134, %rem3A_133 : i32
        %mul3A_136 = arith.constant 1024 : i32
        %mul3A_137 = arith.muli %add3A_129, %mul3A_136 : i32
        %add3A_138 = arith.addi %mul3A_18, %mul3A_137 : i32
        %min3A_139 = arith.constant 48128 : i32
        %min3A_140 = arith.minsi %add3A_138, %min3A_139 : i32
        %multiple_of3A_141 = tpu.assume_multiple %min3A_140, 128 : i32
        %dma_start3A = tpu.memref_slice %arg10[%add3A_135] : memref<4x!tpu.dma_semaphore, #tpu.memory_space<semaphore_mem>> -> memref<1x!tpu.dma_semaphore, #tpu.memory_space<semaphore_mem>>
        %dma_start3A_142 = tpu.memref_squeeze %dma_start3A : memref<1x!tpu.dma_semaphore, #tpu.memory_space<semaphore_mem>> -> memref<!tpu.dma_semaphore, #tpu.memory_space<semaphore_mem>>
        %dma_start3A_143 = arith.constant 0 : i32
        %dma_start3A_144 = arith.constant 0 : i32
        %dma_start3A_145 = tpu.memref_slice %arg8[%add3A_135, %dma_start3A_143, %dma_start3A_144] : memref<4x1024x384xbf16, #tpu.memory_space<vmem>> -> memref<1x1024x384xbf16, #tpu.memory_space<vmem>>
        %dma_start3A_146 = tpu.memref_squeeze %dma_start3A_145 : memref<1x1024x384xbf16, #tpu.memory_space<vmem>> -> memref<1024x384xbf16, #tpu.memory_space<vmem>>
        %dma_start3A_147 = arith.constant 0 : i32
        %dma_start3A_148 = tpu.memref_slice %arg2[%multiple_of3A_141, %dma_start3A_147] : memref<49152x384xbf16, #tpu.memory_space<any>> -> memref<1024x384xbf16, #tpu.memory_space<any>>
        tpu.enqueue_dma source(%dma_start3A_148 : memref<1024x384xbf16, #tpu.memory_space<any>>) target(%dma_start3A_146 : memref<1024x384xbf16, #tpu.memory_space<vmem>>) target_semaphore(%dma_start3A_142 : memref<!tpu.dma_semaphore, #tpu.memory_space<semaphore_mem>>)
        %dma_start3A_149 = tpu.memref_slice %arg11[%add3A_135] : memref<4x!tpu.dma_semaphore, #tpu.memory_space<semaphore_mem>> -> memref<1x!tpu.dma_semaphore, #tpu.memory_space<semaphore_mem>>
        %dma_start3A_150 = tpu.memref_squeeze %dma_start3A_149 : memref<1x!tpu.dma_semaphore, #tpu.memory_space<semaphore_mem>> -> memref<!tpu.dma_semaphore, #tpu.memory_space<semaphore_mem>>
        %dma_start3A_151 = arith.constant 0 : i32
        %dma_start3A_152 = tpu.memref_slice %arg9[%add3A_135, %dma_start3A_151] : memref<4x1024xi32, #tpu.memory_space<vmem>> -> memref<1x1024xi32, #tpu.memory_space<vmem>>
        %dma_start3A_153 = tpu.memref_squeeze %dma_start3A_152 : memref<1x1024xi32, #tpu.memory_space<vmem>> -> memref<1024xi32, #tpu.memory_space<vmem>>
        %dma_start3A_154 = tpu.memref_slice %arg3[%multiple_of3A_141] : memref<49152xi32, #tpu.memory_space<any>> -> memref<1024xi32, #tpu.memory_space<any>>
        tpu.enqueue_dma source(%dma_start3A_154 : memref<1024xi32, #tpu.memory_space<any>>) target(%dma_start3A_153 : memref<1024xi32, #tpu.memory_space<vmem>>) target_semaphore(%dma_start3A_150 : memref<!tpu.dma_semaphore, #tpu.memory_space<semaphore_mem>>)
      } else {
      }
      %mul3A_84 = arith.constant 1024 : i32
      %mul3A_85 = arith.muli %while3A_67, %mul3A_84 : i32
      %add3A_86 = arith.addi %mul3A_18, %mul3A_85 : i32
      %min3A_87 = arith.constant 48128 : i32
      %min3A_88 = arith.minsi %add3A_86, %min3A_87 : i32
      %multiple_of3A_89 = tpu.assume_multiple %min3A_88, 128 : i32
      %dma_wait3A = tpu.memref_slice %arg10[%select_n3A_78] : memref<4x!tpu.dma_semaphore, #tpu.memory_space<semaphore_mem>> -> memref<1x!tpu.dma_semaphore, #tpu.memory_space<semaphore_mem>>
      %dma_wait3A_90 = tpu.memref_squeeze %dma_wait3A : memref<1x!tpu.dma_semaphore, #tpu.memory_space<semaphore_mem>> -> memref<!tpu.dma_semaphore, #tpu.memory_space<semaphore_mem>>
      %dma_wait3A_91 = arith.constant 0 : i32
      %dma_wait3A_92 = arith.constant 0 : i32
      %dma_wait3A_93 = tpu.memref_slice %arg8[%select_n3A_78, %dma_wait3A_91, %dma_wait3A_92] : memref<4x1024x384xbf16, #tpu.memory_space<vmem>> -> memref<1x1024x384xbf16, #tpu.memory_space<vmem>>
      %dma_wait3A_94 = tpu.memref_squeeze %dma_wait3A_93 : memref<1x1024x384xbf16, #tpu.memory_space<vmem>> -> memref<1024x384xbf16, #tpu.memory_space<vmem>>
      %dma_wait3A_95 = arith.constant 0 : i32
      %dma_wait3A_96 = tpu.memref_slice %arg2[%multiple_of3A_89, %dma_wait3A_95] : memref<49152x384xbf16, #tpu.memory_space<any>> -> memref<1024x384xbf16, #tpu.memory_space<any>>
      tpu.wait_dma2 semaphore(%dma_wait3A_90 : memref<!tpu.dma_semaphore, #tpu.memory_space<semaphore_mem>>) src(%dma_wait3A_96 : memref<1024x384xbf16, #tpu.memory_space<any>>) dst(%dma_wait3A_94 : memref<1024x384xbf16, #tpu.memory_space<vmem>>)
      %dma_wait3A_97 = tpu.memref_slice %arg11[%select_n3A_78] : memref<4x!tpu.dma_semaphore, #tpu.memory_space<semaphore_mem>> -> memref<1x!tpu.dma_semaphore, #tpu.memory_space<semaphore_mem>>
      %dma_wait3A_98 = tpu.memref_squeeze %dma_wait3A_97 : memref<1x!tpu.dma_semaphore, #tpu.memory_space<semaphore_mem>> -> memref<!tpu.dma_semaphore, #tpu.memory_space<semaphore_mem>>
      %dma_wait3A_99 = arith.constant 0 : i32
      %dma_wait3A_100 = tpu.memref_slice %arg9[%select_n3A_78, %dma_wait3A_99] : memref<4x1024xi32, #tpu.memory_space<vmem>> -> memref<1x1024xi32, #tpu.memory_space<vmem>>
      %dma_wait3A_101 = tpu.memref_squeeze %dma_wait3A_100 : memref<1x1024xi32, #tpu.memory_space<vmem>> -> memref<1024xi32, #tpu.memory_space<vmem>>
      %dma_wait3A_102 = tpu.memref_slice %arg3[%multiple_of3A_89] : memref<49152xi32, #tpu.memory_space<any>> -> memref<1024xi32, #tpu.memory_space<any>>
      tpu.wait_dma2 semaphore(%dma_wait3A_98 : memref<!tpu.dma_semaphore, #tpu.memory_space<semaphore_mem>>) src(%dma_wait3A_102 : memref<1024xi32, #tpu.memory_space<any>>) dst(%dma_wait3A_101 : memref<1024xi32, #tpu.memory_space<vmem>>)
      %get3A_103 = arith.index_cast %select_n3A_78 : i32 to index
      %get3A_104 = arith.constant 0 : index
      %get3A_105 = arith.constant 0 : index
      %get3A_106 = vector.load %arg8[%get3A_103, %get3A_104, %get3A_105] : memref<4x1024x384xbf16, #tpu.memory_space<vmem>>, vector<1x1024x384xbf16>
      %get3A_107 = vector.shape_cast %get3A_106 : vector<1x1024x384xbf16> to vector<1024x384xbf16>
      %get3A_108 = arith.index_cast %select_n3A_78 : i32 to index
      %get3A_109 = arith.constant 0 : index
      %get3A_110 = vector.load %arg9[%get3A_108, %get3A_109] : memref<4x1024xi32, #tpu.memory_space<vmem>>, vector<1x1024xi32>
      %get3A_111 = vector.shape_cast %get3A_110 : vector<1x1024xi32> to vector<1024xi32>
      %broadcast_in_dim3A_112 = vector.shape_cast %get3A_111 : vector<1024xi32> to vector<1024x1xi32>
      %iota3A = tpu.iota {dimensions = array<i32: 1>} : vector<1024x256xi32>
      %add3A_113 = vector.broadcast %mul3A_29 : i32 to vector<1024x256xi32>
      %add3A_114 = arith.addi %iota3A, %add3A_113 : vector<1024x256xi32>
      %eq3A_115 = vector.broadcast %broadcast_in_dim3A_112 : vector<1024x1xi32> to vector<1024x256xi32>
      %eq3A_116 = arith.cmpi eq, %eq3A_115, %add3A_114 : vector<1024x256xi32>
      %iota3A_117 = tpu.iota {dimensions = array<i32: 0>} : vector<1024x256xi32>
      %add3A_118 = vector.broadcast %multiple_of3A : i32 to vector<1024x256xi32>
      %add3A_119 = arith.addi %iota3A_117, %add3A_118 : vector<1024x256xi32>
      %ge3A = vector.broadcast %add3A_71 : i32 to vector<1024x256xi32>
      %ge3A_120 = arith.cmpi sge, %add3A_119, %ge3A : vector<1024x256xi32>
      %and3A_121 = arith.andi %eq3A_116, %ge3A_120 : vector<1024x256xi1>
      %convert_element_type3A_122 = arith.extui %and3A_121 : vector<1024x256xi1> to vector<1024x256xi32>
      %convert_element_type3A_123 = arith.sitofp %convert_element_type3A_122 : vector<1024x256xi32> to vector<1024x256xf32>
      %convert_element_type3A_124 = arith.truncf %convert_element_type3A_123 : vector<1024x256xf32> to vector<1024x256xbf16>
      %dot_general3A_125 = arith.constant dense<0.000000e+00> : vector<256x384xf32>
      %dot_general3A_126 = tpu.matmul %convert_element_type3A_124, %get3A_107, %dot_general3A_125 {dimension_numbers = #tpu.dot_dimension_numbers<[0], [0], [1], [1], [0, 1, 1, 1], [], []>, transpose_lhs_hint = false} : vector<1024x256xbf16>, vector<1024x384xbf16>, vector<256x384xf32> -> vector<256x384xf32>
      %add3A_127 = arith.addf %while3A_68, %dot_general3A_126 : vector<256x384xf32>
      scf.yield %add3A_127 : vector<256x384xf32>
    }
    %while3A_43 = arith.constant 1 : i32
    %while3A_44 = scf.for %while3A_67 = %while3A_40 to %while3A_36 step %while3A_43 iter_args(%while3A_68 = %while3A_42) -> (vector<256x384xf32>)  : i32 {
      %mul3A_69 = arith.constant 1024 : i32
      %mul3A_70 = arith.muli %while3A_67, %mul3A_69 : i32
      %add3A_71 = arith.addi %mul3A_18, %mul3A_70 : i32
      %min3A = arith.constant 48128 : i32
      %min3A_72 = arith.minsi %add3A_71, %min3A : i32
      %multiple_of3A = tpu.assume_multiple %min3A_72, 128 : i32
      %eq3A = arith.constant 0 : i32
      %eq3A_73 = arith.cmpi eq, %while3A_67, %eq3A : i32
      %rem3A_74 = arith.constant 2 : i32
      %rem3A_75 = arith.remsi %while3A_67, %rem3A_74 : i32
      %add3A_76 = arith.constant 2 : i32
      %add3A_77 = arith.addi %add3A_76, %rem3A_75 : i32
      %select_n3A_78 = arith.select %eq3A_73, %rem3A_31, %add3A_77 : i32
      %add3A_79 = arith.constant 1 : i32
      %add3A_80 = arith.addi %while3A_67, %add3A_79 : i32
      %lt3A = arith.cmpi slt, %add3A_80, %div3A_27 : i32
      %convert_element_type3A_81 = arith.extui %lt3A : i1 to i32
      %cond3A_82 = arith.constant 0 : i32
      %cond3A_83 = arith.cmpi ne, %convert_element_type3A_81, %cond3A_82 : i32
      scf.if %cond3A_83 {
        %add3A_128 = arith.constant 1 : i32
        %add3A_129 = arith.addi %while3A_67, %add3A_128 : i32
        %add3A_130 = arith.constant 1 : i32
        %add3A_131 = arith.addi %while3A_67, %add3A_130 : i32
        %rem3A_132 = arith.constant 2 : i32
        %rem3A_133 = arith.remsi %add3A_131, %rem3A_132 : i32
        %add3A_134 = arith.constant 2 : i32
        %add3A_135 = arith.addi %add3A_134, %rem3A_133 : i32
        %mul3A_136 = arith.constant 1024 : i32
        %mul3A_137 = arith.muli %add3A_129, %mul3A_136 : i32
        %add3A_138 = arith.addi %mul3A_18, %mul3A_137 : i32
        %min3A_139 = arith.constant 48128 : i32
        %min3A_140 = arith.minsi %add3A_138, %min3A_139 : i32
        %multiple_of3A_141 = tpu.assume_multiple %min3A_140, 128 : i32
        %dma_start3A = tpu.memref_slice %arg10[%add3A_135] : memref<4x!tpu.dma_semaphore, #tpu.memory_space<semaphore_mem>> -> memref<1x!tpu.dma_semaphore, #tpu.memory_space<semaphore_mem>>
        %dma_start3A_142 = tpu.memref_squeeze %dma_start3A : memref<1x!tpu.dma_semaphore, #tpu.memory_space<semaphore_mem>> -> memref<!tpu.dma_semaphore, #tpu.memory_space<semaphore_mem>>
        %dma_start3A_143 = arith.constant 0 : i32
        %dma_start3A_144 = arith.constant 0 : i32
        %dma_start3A_145 = tpu.memref_slice %arg8[%add3A_135, %dma_start3A_143, %dma_start3A_144] : memref<4x1024x384xbf16, #tpu.memory_space<vmem>> -> memref<1x1024x384xbf16, #tpu.memory_space<vmem>>
        %dma_start3A_146 = tpu.memref_squeeze %dma_start3A_145 : memref<1x1024x384xbf16, #tpu.memory_space<vmem>> -> memref<1024x384xbf16, #tpu.memory_space<vmem>>
        %dma_start3A_147 = arith.constant 0 : i32
        %dma_start3A_148 = tpu.memref_slice %arg2[%multiple_of3A_141, %dma_start3A_147] : memref<49152x384xbf16, #tpu.memory_space<any>> -> memref<1024x384xbf16, #tpu.memory_space<any>>
        tpu.enqueue_dma source(%dma_start3A_148 : memref<1024x384xbf16, #tpu.memory_space<any>>) target(%dma_start3A_146 : memref<1024x384xbf16, #tpu.memory_space<vmem>>) target_semaphore(%dma_start3A_142 : memref<!tpu.dma_semaphore, #tpu.memory_space<semaphore_mem>>)
        %dma_start3A_149 = tpu.memref_slice %arg11[%add3A_135] : memref<4x!tpu.dma_semaphore, #tpu.memory_space<semaphore_mem>> -> memref<1x!tpu.dma_semaphore, #tpu.memory_space<semaphore_mem>>
        %dma_start3A_150 = tpu.memref_squeeze %dma_start3A_149 : memref<1x!tpu.dma_semaphore, #tpu.memory_space<semaphore_mem>> -> memref<!tpu.dma_semaphore, #tpu.memory_space<semaphore_mem>>
        %dma_start3A_151 = arith.constant 0 : i32
        %dma_start3A_152 = tpu.memref_slice %arg9[%add3A_135, %dma_start3A_151] : memref<4x1024xi32, #tpu.memory_space<vmem>> -> memref<1x1024xi32, #tpu.memory_space<vmem>>
        %dma_start3A_153 = tpu.memref_squeeze %dma_start3A_152 : memref<1x1024xi32, #tpu.memory_space<vmem>> -> memref<1024xi32, #tpu.memory_space<vmem>>
        %dma_start3A_154 = tpu.memref_slice %arg3[%multiple_of3A_141] : memref<49152xi32, #tpu.memory_space<any>> -> memref<1024xi32, #tpu.memory_space<any>>
        tpu.enqueue_dma source(%dma_start3A_154 : memref<1024xi32, #tpu.memory_space<any>>) target(%dma_start3A_153 : memref<1024xi32, #tpu.memory_space<vmem>>) target_semaphore(%dma_start3A_150 : memref<!tpu.dma_semaphore, #tpu.memory_space<semaphore_mem>>)
      } else {
      }
      %mul3A_84 = arith.constant 1024 : i32
      %mul3A_85 = arith.muli %while3A_67, %mul3A_84 : i32
      %add3A_86 = arith.addi %mul3A_18, %mul3A_85 : i32
      %min3A_87 = arith.constant 48128 : i32
      %min3A_88 = arith.minsi %add3A_86, %min3A_87 : i32
      %multiple_of3A_89 = tpu.assume_multiple %min3A_88, 128 : i32
      %dma_wait3A = tpu.memref_slice %arg10[%select_n3A_78] : memref<4x!tpu.dma_semaphore, #tpu.memory_space<semaphore_mem>> -> memref<1x!tpu.dma_semaphore, #tpu.memory_space<semaphore_mem>>
      %dma_wait3A_90 = tpu.memref_squeeze %dma_wait3A : memref<1x!tpu.dma_semaphore, #tpu.memory_space<semaphore_mem>> -> memref<!tpu.dma_semaphore, #tpu.memory_space<semaphore_mem>>
      %dma_wait3A_91 = arith.constant 0 : i32
      %dma_wait3A_92 = arith.constant 0 : i32
      %dma_wait3A_93 = tpu.memref_slice %arg8[%select_n3A_78, %dma_wait3A_91, %dma_wait3A_92] : memref<4x1024x384xbf16, #tpu.memory_space<vmem>> -> memref<1x1024x384xbf16, #tpu.memory_space<vmem>>
      %dma_wait3A_94 = tpu.memref_squeeze %dma_wait3A_93 : memref<1x1024x384xbf16, #tpu.memory_space<vmem>> -> memref<1024x384xbf16, #tpu.memory_space<vmem>>
      %dma_wait3A_95 = arith.constant 0 : i32
      %dma_wait3A_96 = tpu.memref_slice %arg2[%multiple_of3A_89, %dma_wait3A_95] : memref<49152x384xbf16, #tpu.memory_space<any>> -> memref<1024x384xbf16, #tpu.memory_space<any>>
      tpu.wait_dma2 semaphore(%dma_wait3A_90 : memref<!tpu.dma_semaphore, #tpu.memory_space<semaphore_mem>>) src(%dma_wait3A_96 : memref<1024x384xbf16, #tpu.memory_space<any>>) dst(%dma_wait3A_94 : memref<1024x384xbf16, #tpu.memory_space<vmem>>)
      %dma_wait3A_97 = tpu.memref_slice %arg11[%select_n3A_78] : memref<4x!tpu.dma_semaphore, #tpu.memory_space<semaphore_mem>> -> memref<1x!tpu.dma_semaphore, #tpu.memory_space<semaphore_mem>>
      %dma_wait3A_98 = tpu.memref_squeeze %dma_wait3A_97 : memref<1x!tpu.dma_semaphore, #tpu.memory_space<semaphore_mem>> -> memref<!tpu.dma_semaphore, #tpu.memory_space<semaphore_mem>>
      %dma_wait3A_99 = arith.constant 0 : i32
      %dma_wait3A_100 = tpu.memref_slice %arg9[%select_n3A_78, %dma_wait3A_99] : memref<4x1024xi32, #tpu.memory_space<vmem>> -> memref<1x1024xi32, #tpu.memory_space<vmem>>
      %dma_wait3A_101 = tpu.memref_squeeze %dma_wait3A_100 : memref<1x1024xi32, #tpu.memory_space<vmem>> -> memref<1024xi32, #tpu.memory_space<vmem>>
      %dma_wait3A_102 = tpu.memref_slice %arg3[%multiple_of3A_89] : memref<49152xi32, #tpu.memory_space<any>> -> memref<1024xi32, #tpu.memory_space<any>>
      tpu.wait_dma2 semaphore(%dma_wait3A_98 : memref<!tpu.dma_semaphore, #tpu.memory_space<semaphore_mem>>) src(%dma_wait3A_102 : memref<1024xi32, #tpu.memory_space<any>>) dst(%dma_wait3A_101 : memref<1024xi32, #tpu.memory_space<vmem>>)
      %get3A_103 = arith.index_cast %select_n3A_78 : i32 to index
      %get3A_104 = arith.constant 0 : index
      %get3A_105 = arith.constant 0 : index
      %get3A_106 = vector.load %arg8[%get3A_103, %get3A_104, %get3A_105] : memref<4x1024x384xbf16, #tpu.memory_space<vmem>>, vector<1x1024x384xbf16>
      %get3A_107 = vector.shape_cast %get3A_106 : vector<1x1024x384xbf16> to vector<1024x384xbf16>
      %get3A_108 = arith.index_cast %select_n3A_78 : i32 to index
      %get3A_109 = arith.constant 0 : index
      %get3A_110 = vector.load %arg9[%get3A_108, %get3A_109] : memref<4x1024xi32, #tpu.memory_space<vmem>>, vector<1x1024xi32>
      %get3A_111 = vector.shape_cast %get3A_110 : vector<1x1024xi32> to vector<1024xi32>
      %broadcast_in_dim3A_112 = vector.shape_cast %get3A_111 : vector<1024xi32> to vector<1024x1xi32>
      %iota3A = tpu.iota {dimensions = array<i32: 1>} : vector<1024x256xi32>
      %add3A_113 = vector.broadcast %mul3A_29 : i32 to vector<1024x256xi32>
      %add3A_114 = arith.addi %iota3A, %add3A_113 : vector<1024x256xi32>
      %eq3A_115 = vector.broadcast %broadcast_in_dim3A_112 : vector<1024x1xi32> to vector<1024x256xi32>
      %eq3A_116 = arith.cmpi eq, %eq3A_115, %add3A_114 : vector<1024x256xi32>
      %iota3A_117 = tpu.iota {dimensions = array<i32: 0>} : vector<1024x256xi32>
      %add3A_118 = vector.broadcast %multiple_of3A : i32 to vector<1024x256xi32>
      %add3A_119 = arith.addi %iota3A_117, %add3A_118 : vector<1024x256xi32>
      %ge3A = vector.broadcast %add3A_71 : i32 to vector<1024x256xi32>
      %ge3A_120 = arith.cmpi sge, %add3A_119, %ge3A : vector<1024x256xi32>
      %and3A_121 = arith.andi %eq3A_116, %ge3A_120 : vector<1024x256xi1>
      %convert_element_type3A_122 = arith.extui %and3A_121 : vector<1024x256xi1> to vector<1024x256xi32>
      %convert_element_type3A_123 = arith.sitofp %convert_element_type3A_122 : vector<1024x256xi32> to vector<1024x256xf32>
      %convert_element_type3A_124 = arith.truncf %convert_element_type3A_123 : vector<1024x256xf32> to vector<1024x256xbf16>
      %dot_general3A_125 = arith.constant dense<0.000000e+00> : vector<256x384xf32>
      %dot_general3A_126 = tpu.matmul %convert_element_type3A_124, %get3A_107, %dot_general3A_125 {dimension_numbers = #tpu.dot_dimension_numbers<[0], [0], [1], [1], [0, 1, 1, 1], [], []>, transpose_lhs_hint = false} : vector<1024x256xbf16>, vector<1024x384xbf16>, vector<256x384xf32> -> vector<256x384xf32>
      %add3A_127 = arith.addf %while3A_68, %dot_general3A_126 : vector<256x384xf32>
      scf.yield %add3A_127 : vector<256x384xf32>
    }
    %slice3A = vector.extract_strided_slice %while3A_44 {offsets = [0, 256], sizes = [256, 128], strides = [1, 1]} : vector<256x384xf32> to vector<256x128xf32>
    %slice3A_45 = vector.extract_strided_slice %while3A_44 {offsets = [0, 0], sizes = [256, 256], strides = [1, 1]} : vector<256x384xf32> to vector<256x256xf32>
    %concatenate3A = tpu.concatenate %slice3A, %slice3A in 1 : vector<256x128xf32>, vector<256x128xf32> -> vector<256x256xf32>
    %add3A_46 = arith.constant 9.99999971E-10 : f32
    %add3A_47 = vector.broadcast %add3A_46 : f32 to vector<256x256xf32>
    %add3A_48 = arith.addf %concatenate3A, %add3A_47 : vector<256x256xf32>
    %div3A_49 = arith.divf %slice3A_45, %add3A_48 : vector<256x256xf32>
    %convert_element_type3A_50 = arith.truncf %div3A_49 : vector<256x256xf32> to vector<256x256xbf16>
    %get3A_51 = arith.constant 0 : index
    %get3A_52 = arith.constant 0 : index
    %get3A_53 = vector.load %arg5[%get3A_51, %get3A_52] : memref<256x256xf32, #tpu.memory_space<vmem>>, vector<256x256xf32>
    %convert_element_type3A_54 = arith.truncf %get3A_53 : vector<256x256xf32> to vector<256x256xbf16>
    %dot_general3A = arith.constant dense<0.000000e+00> : vector<256x256xf32>
    %dot_general3A_55 = tpu.matmul %convert_element_type3A_50, %convert_element_type3A_54, %dot_general3A {dimension_numbers = #tpu.dot_dimension_numbers<[1], [0], [0], [1], [0, 0, 1, 1], [], []>, transpose_lhs_hint = false} : vector<256x256xbf16>, vector<256x256xbf16>, vector<256x256xf32> -> vector<256x256xf32>
    %get3A_56 = arith.constant 0 : index
    %get3A_57 = arith.constant 0 : index
    %get3A_58 = vector.load %arg4[%get3A_56, %get3A_57] : memref<256x256xf32, #tpu.memory_space<vmem>>, vector<256x256xf32>
    %add3A_59 = arith.addf %dot_general3A_55, %get3A_58 : vector<256x256xf32>
    %get3A_60 = arith.constant 0 : index
    %get3A_61 = arith.constant 0 : index
    %get3A_62 = vector.load %arg6[%get3A_60, %get3A_61] : memref<1x256xf32, #tpu.memory_space<vmem>>, vector<1x256xf32>
    %add3A_63 = vector.broadcast %get3A_62 : vector<1x256xf32> to vector<256x256xf32>
    %add3A_64 = arith.addf %add3A_59, %add3A_63 : vector<256x256xf32>
    %swap3A = arith.constant 0 : index
    %swap3A_65 = arith.constant 0 : index
    %swap3A_66 = vector.load %arg7[%swap3A, %swap3A_65] : memref<256x256xf32, #tpu.memory_space<vmem>>, vector<256x256xf32>
    tpu.vector_store %arg7[%swap3A, %swap3A_65], %add3A_64 {strides = array<i32>} : memref<256x256xf32, #tpu.memory_space<vmem>>, vector<256x256xf32>,
    return
  }
  func.func @transform_0(%arg0: i32) -> (i32, i32) {
    %c0_i32 = arith.constant 0 : i32
    %c0_i32_0 = arith.constant 0 : i32
    %c0_i32_1 = arith.constant 0 : i32
    return %c0_i32, %c0_i32_0 : i32, i32
  }
  func.func @transform_3(%arg0: i32) -> (i32, i32) {
    %c0_i32 = arith.constant 0 : i32
    %c0_i32_0 = arith.constant 0 : i32
    return %arg0, %c0_i32 : i32, i32
  }
  func.func @transform_4(%arg0: i32) -> (i32, i32) {
    %c0_i32 = arith.constant 0 : i32
    %c0_i32_0 = arith.constant 0 : i32
    %c0_i32_1 = arith.constant 0 : i32
    return %c0_i32, %c0_i32_0 : i32, i32
  }
  func.func @transform_5(%arg0: i32) -> (i32, i32) {
    %c0_i32 = arith.constant 0 : i32
    %c0_i32_0 = arith.constant 0 : i32
    %c0_i32_1 = arith.constant 0 : i32
    return %c0_i32, %c0_i32_0 : i32, i32
  }
  func.func @transform_6(%arg0: i32) -> (i32, i32) {
    %c0_i32 = arith.constant 0 : i32
    %c0_i32_0 = arith.constant 0 : i32
    return %arg0, %c0_i32 : i32, i32
  }
}

</mosaic_0001>

<sc_bundles>
// kernel: kernel.6.cloned.1.call-start
scs
__scs_entry_jumppad:
0x0: {  	(pc) =	sbr.rel $0x88, $3  }
0x1: {  	(tag) =	ssettag $0x0;
	lr =	simm.s32 $0x1  }
0x2: {  	[smem:$0x3F90] =	sst lr;
	_ =	strace $0xD0000000  }
0x3: {  	_ = 	snop  }
0x4: {  	_ = 	snop  }
0x5: {  	_ = 	snop  }
0x6: {  	_ = 	snop  }
0x7: {  	_ = 	snop  }
__scs_overlays_trampoline_lowered:
0x8: {  	[smem:$0x3F9F] =	sst s0  }
0x9: {  	[smem:$0x3FA0] =	sst s1  }
0xa: {  	[smem:$0x3FA1] =	sst s2  }
0xb: {  	[smem:$0x3FA2] =	sst s3  }
0xc: {  	[smem:$0x3FA3] =	sst s4  }
0xd: {  	[smem:$0x3FA4] =	sst s5  }
0xe: {  	[smem:$0x3FA5] =	sst s6  }
0xf: {  	[smem:$0x3FA6] =	sst s7  }
0x10: {  	[smem:$0x3FA7] =	sst s8  }
0x11: {  	[smem:$0x3FA8] =	sst s9;
	s0 =	simm.s32 @!p0 $0x0  }
0x12: {  	s1 =	sld [smem:$0x3F8E];
	s0 =	simm.s32 @p0 $0x1  }
0x13: {  	[smem:$0x3FA9] =	sst s0;
	s0 =	simm.s32 @!p1 $0x0  }
0x14: {  	s2 =	sld [smem:$0x3F8D];
	s0 =	simm.s32 @p1 $0x1  }
0x15: {  	[smem:$0x3FAA] =	sst s0;
	s0 =	simm.s32 @!p2 $0x0  }
0x16: {  	s3 =	sld [smem:$0x3FDB];
	s0 =	simm.s32 @p2 $0x1  }
0x17: {  	s4 =	simm.s32 $0x1BF5;
	[smem:$0x3FAC] =	sst s0  }
0x18: {  	s0 =	sld [smem:$0x3F8F];
	_ =	swait.ge [sflag:s4], $0x0  }
0x19: {  	s7 =	sld [smem:$0x3F90]  }
0x1a: {  	s8 =	sadd.s32 $0xFFFFE003, lr  }
0x1b: {  	s9 =	sadd.s32 $0xFFFFFEF7, lr;
	s5 =	simm.s32 $0xFFFFFFFF;
	p2 =	slt.u32 s8, $0xFFFFF086  }
0x1c: {  	p1 =	slt.u32 s9, $0xF7A;
	s5 =	simm.s32 @!p2 $0x0  }
0x1d: {  	s5 =	simm.s32 @p1 $0x1;
	p0 =	seq.s32 s7, s2  }
0x1e: {  	s7 =	smul.u32 @!p0 $0xF7A, s2;
	p2 =	seq.s32 @!p0 s5, $0x0  }
0x1f: {  	s9 =	smul.u32 $0xF7A, s1;
	s8 =	simm.s32 @!p0 $0x1BF5;
	p2 =	por !p2, p0  }
0x20: {  	[sflag:s8] =	ssyncset.s32 @!p0 $0xFFFFF086;
	s6 =	sadd.s32 @!p0 s3, s7;
	s7 =	simm.s32 @!p0 $0x108  }
0x21: {  	s3 =	sadd.s32 s3, s9;
	s6 =	sadd.s32 @!p0 $0x88, s6;
	s7 =	simm.s32 @p2 $0x1082  }
0x22: {  	[simem:s7], [sflag:s8] =	dma.local @!p0 [hbm:s6], $0xF7A  }
0x23: {  	s9 =	sor.u32 $0xD0000000, s2;
	s6 =	simm.s32 $0x108;
	_ =	swait.ge @!p0 [sflag:s8], $0x0  }
0x24: {  	s3 =	sadd.s32 $0x88, s3;
	s6 =	simm.s32 @!p1 $0x1082;
	[sflag:s4] =	ssyncset.s32 $0xFFFFF086  }
0x25: {  	[simem:s6], [sflag:s4] =	dma.local [hbm:s3], $0xF7A  }
0x26: {  	[smem:$0x3F90] =	sst s1;
	(tag) =	ssettag s2;
	_ =	strace s9  }
0x27: {  	s1 =	sld [smem:$0x3FA0]  }
0x28: {  	s2 =	sld [smem:$0x3FA1]  }
0x29: {  	s4 =	sld [smem:$0x3FA3]  }
0x2a: {  	p0 =	seq.s32 s5, $0x0;
	s5 =	sld [smem:$0x3FA4]  }
0x2b: {  	s6 =	sld [smem:$0x3FA5]  }
0x2c: {  	s7 =	sld [smem:$0x3FA6]  }
0x2d: {  	s3 =	simm.s32 $0x108;
	s8 =	sld [smem:$0x3FA7]  }
0x2e: {  	s3 =	simm.s32 @!p0 $0x1082;
	s9 =	sld [smem:$0x3FA8]  }
0x2f: {  	lr =	sadd.s32 s0, s3;
	s0 =	sld [smem:$0x3F9F]  }
0x30: {  	s3 =	sld [smem:$0x3FA2]  }
0x31: {  	[smem:$0x3FAB] =	sst s10  }
0x32: {  	s10 =	sld [smem:$0x3FA9];
	_ =	sdelay $0x3  }
0x33: {  	p0 =	seq.s32 s10, $0x1;
	s10 =	sld [smem:$0x3FAB];
	_ =	sdelay $0x3  }
0x34: {  	[smem:$0x3FAB] =	sst s10  }
0x35: {  	s10 =	sld [smem:$0x3FAA];
	_ =	sdelay $0x3  }
0x36: {  	p1 =	seq.s32 s10, $0x1;
	s10 =	sld [smem:$0x3FAB];
	_ =	sdelay $0x3  }
0x37: {  	[smem:$0x3FAB] =	sst s10  }
0x38: {  	s10 =	sld [smem:$0x3FAC]  }
0x39: {  	_ = 	snop;
	(pc) =	sbr.ind lr, $3  }
0x3a: {  	_ = 	snop  }
0x3b: {  	_ = 	snop  }
0x3c: {  	p2 =	seq.s32 s10, $0x1;
	s10 =	sld [smem:$0x3FAB]  }
0x3d: {  	_ =	shalt  }
0x3e: {  	_ =	shalt  }
0x3f: {  	_ =	shalt  }
0x40: {  	_ =	shalt  }
0x41: {  	_ =	shalt  }
0x42: {  	_ =	shalt  }
0x43: {  	_ =	shalt  }
0x44: {  	_ =	shalt  }
0x45: {  	_ =	shalt  }
0x46: {  	_ =	shalt  }
0x47: {  	_ =	shalt  }
0x48: {  	_ =	shalt  }
0x49: {  	_ =	shalt  }
0x4a: {  	_ =	shalt  }
0x4b: {  	_ =	shalt  }
0x4c: {  	_ =	shalt  }
0x4d: {  	_ =	shalt  }
0x4e: {  	_ =	shalt  }
0x4f: {  	_ =	shalt  }
0x50: {  	_ =	shalt  }
0x51: {  	_ =	shalt  }
0x52: {  	_ =	shalt  }
0x53: {  	_ =	shalt  }
0x54: {  	_ =	shalt  }
0x55: {  	_ =	shalt  }
0x56: {  	_ =	shalt  }
0x57: {  	_ =	shalt  }
0x58: {  	_ =	shalt  }
0x59: {  	_ =	shalt  }
0x5a: {  	_ =	shalt  }
0x5b: {  	_ =	shalt  }
0x5c: {  	_ =	shalt  }
0x5d: {  	_ =	shalt  }
0x5e: {  	_ =	shalt  }
0x5f: {  	_ =	shalt  }
0x60: {  	_ =	shalt  }
0x61: {  	_ =	shalt  }
0x62: {  	_ =	shalt  }
0x63: {  	_ =	shalt  }
0x64: {  	_ =	shalt  }
0x65: {  	_ =	shalt  }
0x66: {  	_ =	shalt  }
0x67: {  	_ =	shalt  }
0x68: {  	_ =	shalt  }
0x69: {  	_ =	shalt  }
0x6a: {  	_ =	shalt  }
0x6b: {  	_ =	shalt  }
0x6c: {  	_ =	shalt  }
0x6d: {  	_ =	shalt  }
0x6e: {  	_ =	shalt  }
0x6f: {  	_ =	shalt  }
0x70: {  	_ =	shalt  }
0x71: {  	_ =	shalt  }
0x72: {  	_ =	shalt  }
0x73: {  	_ =	shalt  }
0x74: {  	_ =	shalt  }
0x75: {  	_ =	shalt  }
0x76: {  	_ =	shalt  }
0x77: {  	_ =	shalt  }
0x78: {  	_ =	shalt  }
0x79: {  	_ =	shalt  }
0x7a: {  	_ =	shalt  }
0x7b: {  	_ =	shalt  }
0x7c: {  	_ =	shalt  }
0x7d: {  	_ =	shalt  }
0x7e: {  	_ =	shalt  }
0x7f: {  	_ =	shalt  }
0x80: {  	_ =	shalt  }
0x81: {  	_ =	shalt  }
0x82: {  	_ =	shalt  }
0x83: {  	_ =	shalt  }
0x84: {  	_ =	shalt  }
0x85: {  	_ =	shalt  }
0x86: {  	_ =	shalt  }
0x87: {  	_ =	shalt  }
.Lfunc_end0:
.L_simem_size_0:
called_computation_lowered:
.L_overlay_start_0:
0x88: {  	s2 =	sld [smem:$0x3FD9]  }
0x89: {  	s3 =	sld [smem:$0x3FFE];
	_ =	sdelay $0x1  }
0x8a: {  	s1 =	srdreg.scid  }
0x8b: {  	s0 =	sand.u32 $0x1, s1  }
0x8c: {  	s17 =	sshll.u32 s0, $0xA;
	s2 =	sadd.s32 s3, s2  }
0x8d: {  	s2 =	sadd.s32 s2, s17  }
0x8e: {  	[smem:$0x3FB7] =	sst s2  }
0x8f: {  	_ = 	snop  }
0x90: {  	s2 =	sld [smem:$0x3FC9]  }
0x91: {  	s18 =	sld [smem:$0x3FC8]  }
0x92: {  	s4 =	sld [smem:$0x3FC7]  }
0x93: {  	s5 =	sld [smem:$0x3FD0];
	(tm) =	ssettm $0x1  }
0x94: {  	s6 =	sld [smem:$0x3FFB];
	_ =	sdelay $0x3  }
0x95: {  	_ =	strace s6  }
0x96: {  	s6 =	sld [smem:$0x3FFC];
	_ =	sdelay $0x3  }
0x97: {  	_ =	strace s6  }
0x98: {  	s6 =	sld [smem:$0x3FFD];
	_ =	sdelay $0x3  }
0x99: {  	_ =	strace s6  }
0x9a: {  	_ =	strace $0x8FFFFFFF  }
0x9b: {  	s19 =	sld [smem:$0x3FDB];
	_ =	sdelay $0x1  }
0x9c: {  	s7 =	simm.s32 $_scs_section_size  }
0x9d: {  	s8 =	simm.s32 $_size__tile_overlayer_lowered;
	s9 =	simm.s32 $_tile_overlayer_lowered  }
0x9e: {  	s22 =	simm.s32 $0x1BFF;
	s21 =	sshll.u32 s9, $0x1;
	s6 =	sadd.s32 s7, s19  }
0x9f: {  	s10 =	simm.s32 $0x0;
	s20 =	sshll.u32 s8, $0x1;
	s8 =	sadd.s32 s21, s6  }
0xa0: {  	[timem:s10], [sflag:s22] =	dma.local [hbm:s8], s20  }
0xa1: {  	_ =	swait.ge [sflag:s22], s20  }
0xa2: {  	s7 =	ssub.s32 $0x0, s20;
	[sflag:s22] =	ssyncset.done $0x0  }
0xa3: {  	[sflag:s22] =	ssyncadd.s32 s7;
	_ =	sdelay $0x1  }
0xa4: {  	s23 =	simm.s32 $0x1B8B  }
0xa5: {  	_ =	swait.ge [sflag:s23], $0x1  }
0xa6: {  	[sflag:s23] =	ssyncset.done $0x0  }
0xa7: {  	s25 =	simm.s32 $0x1B8E;
	s24 =	sld [smem:$0x3FFE];
	[sflag:s23] =	ssyncadd.s32 $0xFFFFFFFF  }
0xa8: {  	s26 =	simm.s32 $execute0_lowered;
	[smem:$0x3FD2] =	sst s25  }
0xa9: {  	s8 =	sshll.u32 s26, $0x1;
	_ =	strace $0x80000046;
	[dreg:$0x1] =	wrdreg $0xFFFFFFFF  }
0xaa: {  	s28 =	simm.s32 $_size_execute0_lowered;
	s6 =	sadd.s32 s6, s8;
	[dreg:$0x0] =	wrdreg $0x0  }
0xab: {  	s8 =	sshll.u32 s28, $0x1;
	[dreg:$0x2] =	wrdreg s6  }
0xac: {  	[dreg:$0x3] =	wrdreg s8  }
0xad: {  	[dreg:$0x4] =	wrdreg $0xC0  }
0xae: {  	_ =	task [dreg:s10], $0x5FFFF  }
0xaf: {  	[dreg:$0x1] =	wrdreg $0xFFFFFFFF  }
0xb0: {  	[dreg:$0x0] =	wrdreg $0x60  }
0xb1: {  	[dreg:$0x2] =	wrdreg s2  }
0xb2: {  	[dreg:$0x3] =	wrdreg s18  }
0xb3: {  	[dreg:$0x4] =	wrdreg s4  }
0xb4: {  	[dreg:$0x5] =	wrdreg s24  }
0xb5: {  	[dreg:$0x6] =	wrdreg s5  }
0xb6: {  	[dreg:$0x7] =	wrdreg $0x9  }
0xb7: {  	_ =	task.clear_ibuf [dreg:s10], $0x8FFFF;
	_ =	strace $0x90000046  }
0xb8: {  	s29 =	simm.s32 $0x9;
	_ =	strace $0x80000048  }
0xb9: {  	_ =	swait.ge [sflag:s29], $0x1  }
0xba: {  	[sflag:s29] =	ssyncadd.s32 $0xFFFFFFFF  }
0xbb: {  	_ =	strace $0x90000048  }
0xbc: {  	_ =	sfence  }
0xbd: {  	s30 =	sld [smem:$0x0];
	_ =	sdelay $0x2  }
0xbe: {  	s31 =	sshll.u32 s1, $0xD;
	s1 =	sshrl.u32 s1, $0x2  }
0xbf: {  	s3 =	sand.u32 $0x4000, s31;
	s1 =	sadd.s32 s1, s30  }
0xc0: {  	s0 =	sor.u32 s3, s0;
	s1 =	sshll.u32 s1, $0x11  }
0xc1: {  	s0 =	sor.u32 s1, s0  }
0xc2: {  	s0 =	sadd.s32 $0x8F2B, s0  }
0xc3: {  	[sflag:s0] =	ssyncadd.remote.s32 $0x1  }
0xc4: {  	_ =	sfence.sel $0xFFFF  }
0xc5: {  	[dreg:$0x0] =	wrdreg $0xFFFFFFFF;
	(pc) =	sbr.abs _section_cstart, $3  }
0xc6: {  	[dreg:$0x1] =	wrdreg $0xFFFFFFFF  }
0xc7: {  	_ =	task.clear_ibuf [dreg:s10], $0x2FFFF;
	_ =	strace $0x9FFFFFFF  }
0xc8: {  	(tm) =	ssettm $0x7FFFFFFF  }
0xc9: {  	_ =	shalt  }
tec
execute0_lowered:
.L_overlay_start_1:
0x0: {  	(tag) =	ssettag $0x1  }
0x1: {  	s0 =	rddreg [dreg:$0x3];
	s1 =	simm.s32 $0x0;
	s24 =	srdreg.scid  }
0x2: {  	s3 =	stileid.u32;
	s12 =	simm.s32 $0x4;
	s15 =	simm.s32 $0x180  }
0x3: {  	s23 =	simm.s32 $0x10980;
	s28 =	simm.s32 $0x12980;
	s29 =	simm.s32 $0x13180  }
0x4: {  	s30 =	simm.s32 $0x13980;
	s31 =	simm.s32 $0x14180;
	s6 =	simm.s32 $0x15180  }
0x5: {  	s11 =	simm.s32 $0x15980;
	s4 =	simm.s32 $0x17980;
	s5 =	simm.s32 $0x1  }
0x6: {  	s13 =	simm.s32 $0x2;
	s14 =	simm.s32 $0x3;
	s17 =	simm.s32 $0x0  }
0x7: {  	[smem:$0x7FF] =	sst s1;
	s1 =	sand.u32 $0x1, s24;
	s7 =	sadd.s32 $0x2C00, s0  }
0x8: {  	s8 =	sadd.s32 $0x4C00, s0;
	s9 =	sadd.s32 $0x3C00, s0;
	s26 =	sshll.u32 s3, $0xA  }
0x9: {  	s24 =	simm.s32 $0x11180;
	s3 =	simm.s32 $0x17180;
	s2 =	ssub.s32 $0x2, s1  }
0xa: {  	_ =	strace $0x80000047;
	s1 =	sshll.u32 s1, $0x9;
	s25 =	sshrl.u32 s2, $0x1  }
0xb: {  	v2 =	vlaneseq.u32;
	s10 =	sor.u32 s1, s26;
	s26 =	simm.s32 $0x12180;
	s0 =	ssub.s32 s2, s25  }
0xc: {  	vm0 =	vmmov $0xffff;
	v1 =	vshrl.u32 v2, $0x3;
	s1 =	simm.s32 $0x16180;
	s25 =	simm.s32 $0x11980;
	s0 =	smax.u32 s0, $0x1  }
0xd: {  	v0 =	vand.u32 $0x7, v2;
	v2 =	vor.u32 $0x8, v2;
	v1 =	vmul.u32 $0x8, v1;
	s2 =	simm.s32 $0x16980;
	[dreg:$0x6] =	wrdreg s0;
	s0 =	simm.s32 $0x14980  }
.LBB2_1:
0xe: {  	[dreg:$0x7] =	wrdreg s17;
	s16 =	simm.s32 $0x0  }
.LBB2_2:
0xf: {  	s17 =	sshll.u32 s16, $0x7  }
0x10: {  	s17 =	sadd.s32 s10, s17  }
0x11: {  	s18 =	rddreg [dreg:$0x0];
	s19 =	sshrl.u32 s17, $0x3  }
0x12: {  	s20 =	sadd.s32 s18, s19;
	s18 =	simm.s32 $0x0  }
0x13: {  	[tilespmem:s18], [sflag:$0x4] =	stream.linear.gather [hbm4b:s20+s18], $0x80, $0x38;
	[tilespmem:$0x18180] =	vst v63  }
0x14: {  	_ =	swait.ge [sflag:s12], $0x80  }
0x15: {  	[sflag:s12] =	ssyncset.done $0x0  }
0x16: {  	[sflag:s12] =	ssyncadd.s32 $0xFFFFFF80  }
0x17: {  	s21 =	rddreg [dreg:$0x1]  }
0x18: {  	s20 =	sadd.s32 s21, s19;
	s21 =	simm.s32 $0x80  }
0x19: {  	[tilespmem:s21], [sflag:$0x4] =	stream.linear.gather [hbm4b:s20+s18], $0x80, $0x38;
	[tilespmem:$0x18180] =	vst v63  }
0x1a: {  	_ =	swait.ge [sflag:s12], $0x80  }
0x1b: {  	[sflag:s12] =	ssyncset.done $0x0  }
0x1c: {  	[sflag:s12] =	ssyncadd.s32 $0xFFFFFF80  }
0x1d: {  	s22 =	rddreg [dreg:$0x2]  }
0x1e: {  	s21 =	simm.s32 $0x100;
	s19 =	sadd.s32 s22, s19  }
0x1f: {  	[tilespmem:s21], [sflag:$0x4] =	stream.linear.gather [hbm4b:s19+s18], $0x80, $0x38;
	[tilespmem:$0x18180] =	vst v63  }
0x20: {  	_ =	swait.ge [sflag:s12], $0x80  }
0x21: {  	[sflag:s12] =	ssyncset.done $0x0  }
0x22: {  	[sflag:s12] =	ssyncadd.s32 $0xFFFFFF80  }
0x23: {  	v3 =	vld [tilespmem:$0x0];
	_ =	sdelay $0x4  }
0x24: {  	v4 =	vshll.u32 v3, $0x1  }
0x25: {  	v3 =	vand.u32 $0x7, v3;
	v4 =	vand.u32 $0xFFFFFFF0, v4  }
0x26: {  	v3 =	vor.u32 v3, v4  }
0x27: {  	v4 =	vperm.xlane v3, v0;
	_ =	sdelay $0x1  }
0x28: {  	v3 =	vperm.xlane v3, v2;
	v4 =	vadd.s32 v1, v4;
	_ =	sdelay $0x1  }
0x29: {  	v3 =	vadd.s32 v1, v3;
	_ =	sdelay $0x2  }
0x2a: {  	[tilespmem:s15], [sflag:$0x1] =	stream.indirect_vreg.gather [hbm4b:s7+s18], $0x80, v4, vm0, $0xb8;
	[tilespmem:$0x18180] =	vst v63  }
0x2b: {  	s22 =	simm.s32 $0x980  }
0x2c: {  	[tilespmem:s22], [sflag:$0x1] =	stream.indirect_vreg.gather [hbm4b:s7+s18], $0x80, v3, vm0, $0xb8;
	[tilespmem:$0x18180] =	vst v63  }
0x2d: {  	v3 =	vld [tilespmem:$0x10];
	_ =	sdelay $0x4  }
0x2e: {  	v4 =	vshll.u32 v3, $0x1  }
0x2f: {  	v3 =	vand.u32 $0x7, v3;
	v4 =	vand.u32 $0xFFFFFFF0, v4  }
0x30: {  	v3 =	vor.u32 v3, v4  }
0x31: {  	v4 =	vperm.xlane v3, v0;
	_ =	sdelay $0x1  }
0x32: {  	v3 =	vperm.xlane v3, v2;
	v4 =	vadd.s32 v1, v4;
	_ =	sdelay $0x1  }
0x33: {  	v3 =	vadd.s32 v1, v3;
	_ =	sdelay $0x1  }
0x34: {  	s20 =	simm.s32 $0x1180  }
0x35: {  	[tilespmem:s20], [sflag:$0x1] =	stream.indirect_vreg.gather [hbm4b:s7+s18], $0x80, v4, vm0, $0xb8;
	[tilespmem:$0x18180] =	vst v63  }
0x36: {  	s21 =	simm.s32 $0x1980  }
0x37: {  	[tilespmem:s21], [sflag:$0x1] =	stream.indirect_vreg.gather [hbm4b:s7+s18], $0x80, v3, vm0, $0xb8;
	[tilespmem:$0x18180] =	vst v63  }
0x38: {  	v3 =	vld [tilespmem:$0x20];
	_ =	sdelay $0x4  }
0x39: {  	v4 =	vshll.u32 v3, $0x1  }
0x3a: {  	v3 =	vand.u32 $0x7, v3;
	v4 =	vand.u32 $0xFFFFFFF0, v4  }
0x3b: {  	v3 =	vor.u32 v3, v4  }
0x3c: {  	v4 =	vperm.xlane v3, v0;
	_ =	sdelay $0x1  }
0x3d: {  	v3 =	vperm.xlane v3, v2;
	v4 =	vadd.s32 v1, v4;
	_ =	sdelay $0x1  }
0x3e: {  	v3 =	vadd.s32 v1, v3;
	_ =	sdelay $0x1  }
0x3f: {  	s22 =	simm.s32 $0x2180  }
0x40: {  	[tilespmem:s22], [sflag:$0x1] =	stream.indirect_vreg.gather [hbm4b:s7+s18], $0x80, v4, vm0, $0xb8;
	[tilespmem:$0x18180] =	vst v63  }
0x41: {  	s20 =	simm.s32 $0x2980  }
0x42: {  	[tilespmem:s20], [sflag:$0x1] =	stream.indirect_vreg.gather [hbm4b:s7+s18], $0x80, v3, vm0, $0xb8;
	[tilespmem:$0x18180] =	vst v63  }
0x43: {  	v3 =	vld [tilespmem:$0x30];
	_ =	sdelay $0x4  }
0x44: {  	v4 =	vshll.u32 v3, $0x1  }
0x45: {  	v3 =	vand.u32 $0x7, v3;
	v4 =	vand.u32 $0xFFFFFFF0, v4  }
0x46: {  	v3 =	vor.u32 v3, v4  }
0x47: {  	v4 =	vperm.xlane v3, v0;
	_ =	sdelay $0x1  }
0x48: {  	v3 =	vperm.xlane v3, v2;
	v4 =	vadd.s32 v1, v4;
	_ =	sdelay $0x1  }
0x49: {  	v3 =	vadd.s32 v1, v3;
	_ =	sdelay $0x1  }
0x4a: {  	s21 =	simm.s32 $0x3180  }
0x4b: {  	[tilespmem:s21], [sflag:$0x1] =	stream.indirect_vreg.gather [hbm4b:s7+s18], $0x80, v4, vm0, $0xb8;
	[tilespmem:$0x18180] =	vst v63  }
0x4c: {  	s22 =	simm.s32 $0x3980  }
0x4d: {  	[tilespmem:s22], [sflag:$0x1] =	stream.indirect_vreg.gather [hbm4b:s7+s18], $0x80, v3, vm0, $0xb8;
	[tilespmem:$0x18180] =	vst v63  }
0x4e: {  	v3 =	vld [tilespmem:$0x40];
	_ =	sdelay $0x4  }
0x4f: {  	v4 =	vshll.u32 v3, $0x1  }
0x50: {  	v3 =	vand.u32 $0x7, v3;
	v4 =	vand.u32 $0xFFFFFFF0, v4  }
0x51: {  	v3 =	vor.u32 v3, v4  }
0x52: {  	v4 =	vperm.xlane v3, v0;
	_ =	sdelay $0x1  }
0x53: {  	v3 =	vperm.xlane v3, v2;
	v4 =	vadd.s32 v1, v4;
	_ =	sdelay $0x1  }
0x54: {  	v3 =	vadd.s32 v1, v3;
	_ =	sdelay $0x1  }
0x55: {  	s20 =	simm.s32 $0x4180  }
0x56: {  	[tilespmem:s20], [sflag:$0x1] =	stream.indirect_vreg.gather [hbm4b:s7+s18], $0x80, v4, vm0, $0xb8;
	[tilespmem:$0x18180] =	vst v63  }
0x57: {  	s21 =	simm.s32 $0x4980  }
0x58: {  	[tilespmem:s21], [sflag:$0x1] =	stream.indirect_vreg.gather [hbm4b:s7+s18], $0x80, v3, vm0, $0xb8;
	[tilespmem:$0x18180] =	vst v63  }
0x59: {  	v3 =	vld [tilespmem:$0x50];
	_ =	sdelay $0x4  }
0x5a: {  	v4 =	vshll.u32 v3, $0x1  }
0x5b: {  	v3 =	vand.u32 $0x7, v3;
	v4 =	vand.u32 $0xFFFFFFF0, v4  }
0x5c: {  	v3 =	vor.u32 v3, v4  }
0x5d: {  	v4 =	vperm.xlane v3, v0;
	_ =	sdelay $0x1  }
0x5e: {  	v3 =	vperm.xlane v3, v2;
	v4 =	vadd.s32 v1, v4;
	_ =	sdelay $0x1  }
0x5f: {  	v3 =	vadd.s32 v1, v3;
	_ =	sdelay $0x1  }
0x60: {  	s22 =	simm.s32 $0x5180  }
0x61: {  	[tilespmem:s22], [sflag:$0x1] =	stream.indirect_vreg.gather [hbm4b:s7+s18], $0x80, v4, vm0, $0xb8;
	[tilespmem:$0x18180] =	vst v63  }
0x62: {  	s20 =	simm.s32 $0x5980  }
0x63: {  	[tilespmem:s20], [sflag:$0x1] =	stream.indirect_vreg.gather [hbm4b:s7+s18], $0x80, v3, vm0, $0xb8;
	[tilespmem:$0x18180] =	vst v63  }
0x64: {  	v3 =	vld [tilespmem:$0x60];
	_ =	sdelay $0x4  }
0x65: {  	v4 =	vshll.u32 v3, $0x1  }
0x66: {  	v3 =	vand.u32 $0x7, v3;
	v4 =	vand.u32 $0xFFFFFFF0, v4  }
0x67: {  	v3 =	vor.u32 v3, v4  }
0x68: {  	v4 =	vperm.xlane v3, v0;
	_ =	sdelay $0x1  }
0x69: {  	v3 =	vperm.xlane v3, v2;
	v4 =	vadd.s32 v1, v4;
	_ =	sdelay $0x1  }
0x6a: {  	v3 =	vadd.s32 v1, v3;
	_ =	sdelay $0x1  }
0x6b: {  	s21 =	simm.s32 $0x6180  }
0x6c: {  	[tilespmem:s21], [sflag:$0x1] =	stream.indirect_vreg.gather [hbm4b:s7+s18], $0x80, v4, vm0, $0xb8;
	[tilespmem:$0x18180] =	vst v63  }
0x6d: {  	s22 =	simm.s32 $0x6980  }
0x6e: {  	[tilespmem:s22], [sflag:$0x1] =	stream.indirect_vreg.gather [hbm4b:s7+s18], $0x80, v3, vm0, $0xb8;
	[tilespmem:$0x18180] =	vst v63  }
0x6f: {  	v3 =	vld [tilespmem:$0x70];
	_ =	sdelay $0x4  }
0x70: {  	v4 =	vshll.u32 v3, $0x1  }
0x71: {  	v3 =	vand.u32 $0x7, v3;
	v4 =	vand.u32 $0xFFFFFFF0, v4  }
0x72: {  	v3 =	vor.u32 v3, v4  }
0x73: {  	v4 =	vperm.xlane v3, v0;
	_ =	sdelay $0x1  }
0x74: {  	v3 =	vperm.xlane v3, v2;
	v4 =	vadd.s32 v1, v4;
	_ =	sdelay $0x1  }
0x75: {  	v3 =	vadd.s32 v1, v3;
	_ =	sdelay $0x1  }
0x76: {  	s20 =	simm.s32 $0x7180  }
0x77: {  	[tilespmem:s20], [sflag:$0x1] =	stream.indirect_vreg.gather [hbm4b:s7+s18], $0x80, v4, vm0, $0xb8;
	[tilespmem:$0x18180] =	vst v63  }
0x78: {  	s21 =	simm.s32 $0x7980  }
0x79: {  	[tilespmem:s21], [sflag:$0x1] =	stream.indirect_vreg.gather [hbm4b:s7+s18], $0x80, v3, vm0, $0xb8;
	[tilespmem:$0x18180] =	vst v63  }
0x7a: {  	v3 =	vld [tilespmem:$0x80];
	_ =	sdelay $0x4  }
0x7b: {  	v4 =	vshll.u32 v3, $0x1  }
0x7c: {  	v3 =	vand.u32 $0x7, v3;
	v4 =	vand.u32 $0xFFFFFFF0, v4  }
0x7d: {  	v3 =	vor.u32 v3, v4  }
0x7e: {  	v4 =	vperm.xlane v3, v0;
	_ =	sdelay $0x1  }
0x7f: {  	v3 =	vperm.xlane v3, v2;
	v4 =	vadd.s32 v1, v4;
	_ =	sdelay $0x1  }
0x80: {  	v3 =	vadd.s32 v1, v3;
	_ =	sdelay $0x1  }
0x81: {  	s22 =	simm.s32 $0x8180  }
0x82: {  	[tilespmem:s22], [sflag:$0x2] =	stream.indirect_vreg.gather [hbm4b:s8+s18], $0x80, v4, vm0, $0xb8;
	[tilespmem:$0x18180] =	vst v63  }
0x83: {  	s20 =	simm.s32 $0x8980  }
0x84: {  	[tilespmem:s20], [sflag:$0x2] =	stream.indirect_vreg.gather [hbm4b:s8+s18], $0x80, v3, vm0, $0xb8;
	[tilespmem:$0x18180] =	vst v63  }
0x85: {  	v3 =	vld [tilespmem:$0x90];
	_ =	sdelay $0x4  }
0x86: {  	v4 =	vshll.u32 v3, $0x1  }
0x87: {  	v3 =	vand.u32 $0x7, v3;
	v4 =	vand.u32 $0xFFFFFFF0, v4  }
0x88: {  	v3 =	vor.u32 v3, v4  }
0x89: {  	v4 =	vperm.xlane v3, v0;
	_ =	sdelay $0x1  }
0x8a: {  	v3 =	vperm.xlane v3, v2;
	v4 =	vadd.s32 v1, v4;
	_ =	sdelay $0x1  }
0x8b: {  	v3 =	vadd.s32 v1, v3;
	_ =	sdelay $0x1  }
0x8c: {  	s21 =	simm.s32 $0x9180  }
0x8d: {  	[tilespmem:s21], [sflag:$0x2] =	stream.indirect_vreg.gather [hbm4b:s8+s18], $0x80, v4, vm0, $0xb8;
	[tilespmem:$0x18180] =	vst v63  }
0x8e: {  	s22 =	simm.s32 $0x9980  }
0x8f: {  	[tilespmem:s22], [sflag:$0x2] =	stream.indirect_vreg.gather [hbm4b:s8+s18], $0x80, v3, vm0, $0xb8;
	[tilespmem:$0x18180] =	vst v63  }
0x90: {  	v3 =	vld [tilespmem:$0xA0];
	_ =	sdelay $0x4  }
0x91: {  	v4 =	vshll.u32 v3, $0x1  }
0x92: {  	v3 =	vand.u32 $0x7, v3;
	v4 =	vand.u32 $0xFFFFFFF0, v4  }
0x93: {  	v3 =	vor.u32 v3, v4  }
0x94: {  	v4 =	vperm.xlane v3, v0;
	_ =	sdelay $0x1  }
0x95: {  	v3 =	vperm.xlane v3, v2;
	v4 =	vadd.s32 v1, v4;
	_ =	sdelay $0x1  }
0x96: {  	v3 =	vadd.s32 v1, v3;
	_ =	sdelay $0x1  }
0x97: {  	s20 =	simm.s32 $0xA180  }
0x98: {  	[tilespmem:s20], [sflag:$0x2] =	stream.indirect_vreg.gather [hbm4b:s8+s18], $0x80, v4, vm0, $0xb8;
	[tilespmem:$0x18180] =	vst v63  }
0x99: {  	s21 =	simm.s32 $0xA980  }
0x9a: {  	[tilespmem:s21], [sflag:$0x2] =	stream.indirect_vreg.gather [hbm4b:s8+s18], $0x80, v3, vm0, $0xb8;
	[tilespmem:$0x18180] =	vst v63  }
0x9b: {  	v3 =	vld [tilespmem:$0xB0];
	_ =	sdelay $0x4  }
0x9c: {  	v4 =	vshll.u32 v3, $0x1  }
0x9d: {  	v3 =	vand.u32 $0x7, v3;
	v4 =	vand.u32 $0xFFFFFFF0, v4  }
0x9e: {  	v3 =	vor.u32 v3, v4  }
0x9f: {  	v4 =	vperm.xlane v3, v0;
	_ =	sdelay $0x1  }
0xa0: {  	v3 =	vperm.xlane v3, v2;
	v4 =	vadd.s32 v1, v4;
	_ =	sdelay $0x1  }
0xa1: {  	v3 =	vadd.s32 v1, v3;
	_ =	sdelay $0x1  }
0xa2: {  	s22 =	simm.s32 $0xB180  }
0xa3: {  	[tilespmem:s22], [sflag:$0x2] =	stream.indirect_vreg.gather [hbm4b:s8+s18], $0x80, v4, vm0, $0xb8;
	[tilespmem:$0x18180] =	vst v63  }
0xa4: {  	s20 =	simm.s32 $0xB980  }
0xa5: {  	[tilespmem:s20], [sflag:$0x2] =	stream.indirect_vreg.gather [hbm4b:s8+s18], $0x80, v3, vm0, $0xb8;
	[tilespmem:$0x18180] =	vst v63  }
0xa6: {  	v3 =	vld [tilespmem:$0xC0];
	_ =	sdelay $0x4  }
0xa7: {  	v4 =	vshll.u32 v3, $0x1  }
0xa8: {  	v3 =	vand.u32 $0x7, v3;
	v4 =	vand.u32 $0xFFFFFFF0, v4  }
0xa9: {  	v3 =	vor.u32 v3, v4  }
0xaa: {  	v4 =	vperm.xlane v3, v0;
	_ =	sdelay $0x1  }
0xab: {  	v3 =	vperm.xlane v3, v2;
	v4 =	vadd.s32 v1, v4;
	_ =	sdelay $0x1  }
0xac: {  	v3 =	vadd.s32 v1, v3;
	_ =	sdelay $0x1  }
0xad: {  	s21 =	simm.s32 $0xC180  }
0xae: {  	[tilespmem:s21], [sflag:$0x2] =	stream.indirect_vreg.gather [hbm4b:s8+s18], $0x80, v4, vm0, $0xb8;
	[tilespmem:$0x18180] =	vst v63  }
0xaf: {  	s22 =	simm.s32 $0xC980  }
0xb0: {  	[tilespmem:s22], [sflag:$0x2] =	stream.indirect_vreg.gather [hbm4b:s8+s18], $0x80, v3, vm0, $0xb8;
	[tilespmem:$0x18180] =	vst v63  }
0xb1: {  	v3 =	vld [tilespmem:$0xD0];
	_ =	sdelay $0x4  }
0xb2: {  	v4 =	vshll.u32 v3, $0x1  }
0xb3: {  	v3 =	vand.u32 $0x7, v3;
	v4 =	vand.u32 $0xFFFFFFF0, v4  }
0xb4: {  	v3 =	vor.u32 v3, v4  }
0xb5: {  	v4 =	vperm.xlane v3, v0;
	_ =	sdelay $0x1  }
0xb6: {  	v3 =	vperm.xlane v3, v2;
	v4 =	vadd.s32 v1, v4;
	_ =	sdelay $0x1  }
0xb7: {  	v3 =	vadd.s32 v1, v3;
	_ =	sdelay $0x1  }
0xb8: {  	s20 =	simm.s32 $0xD180  }
0xb9: {  	[tilespmem:s20], [sflag:$0x2] =	stream.indirect_vreg.gather [hbm4b:s8+s18], $0x80, v4, vm0, $0xb8;
	[tilespmem:$0x18180] =	vst v63  }
0xba: {  	s21 =	simm.s32 $0xD980  }
0xbb: {  	[tilespmem:s21], [sflag:$0x2] =	stream.indirect_vreg.gather [hbm4b:s8+s18], $0x80, v3, vm0, $0xb8;
	[tilespmem:$0x18180] =	vst v63  }
0xbc: {  	v3 =	vld [tilespmem:$0xE0];
	_ =	sdelay $0x4  }
0xbd: {  	v4 =	vshll.u32 v3, $0x1  }
0xbe: {  	v3 =	vand.u32 $0x7, v3;
	v4 =	vand.u32 $0xFFFFFFF0, v4  }
0xbf: {  	v3 =	vor.u32 v3, v4  }
0xc0: {  	v4 =	vperm.xlane v3, v0;
	_ =	sdelay $0x1  }
0xc1: {  	v3 =	vperm.xlane v3, v2;
	v4 =	vadd.s32 v1, v4;
	_ =	sdelay $0x1  }
0xc2: {  	v3 =	vadd.s32 v1, v3;
	_ =	sdelay $0x1  }
0xc3: {  	s22 =	simm.s32 $0xE180  }
0xc4: {  	[tilespmem:s22], [sflag:$0x2] =	stream.indirect_vreg.gather [hbm4b:s8+s18], $0x80, v4, vm0, $0xb8;
	[tilespmem:$0x18180] =	vst v63  }
0xc5: {  	s20 =	simm.s32 $0xE980  }
0xc6: {  	[tilespmem:s20], [sflag:$0x2] =	stream.indirect_vreg.gather [hbm4b:s8+s18], $0x80, v3, vm0, $0xb8;
	[tilespmem:$0x18180] =	vst v63  }
0xc7: {  	v3 =	vld [tilespmem:$0xF0];
	_ =	sdelay $0x4  }
0xc8: {  	v4 =	vshll.u32 v3, $0x1  }
0xc9: {  	v3 =	vand.u32 $0x7, v3;
	v4 =	vand.u32 $0xFFFFFFF0, v4  }
0xca: {  	v3 =	vor.u32 v3, v4  }
0xcb: {  	v4 =	vperm.xlane v3, v0;
	_ =	sdelay $0x1  }
0xcc: {  	v3 =	vperm.xlane v3, v2;
	v4 =	vadd.s32 v1, v4;
	_ =	sdelay $0x1  }
0xcd: {  	v3 =	vadd.s32 v1, v3;
	_ =	sdelay $0x1  }
0xce: {  	s21 =	simm.s32 $0xF180  }
0xcf: {  	[tilespmem:s21], [sflag:$0x2] =	stream.indirect_vreg.gather [hbm4b:s8+s18], $0x80, v4, vm0, $0xb8;
	[tilespmem:$0x18180] =	vst v63  }
0xd0: {  	s22 =	simm.s32 $0xF980  }
0xd1: {  	[tilespmem:s22], [sflag:$0x2] =	stream.indirect_vreg.gather [hbm4b:s8+s18], $0x80, v3, vm0, $0xb8;
	[tilespmem:$0x18180] =	vst v63  }
0xd2: {  	v3 =	vld [tilespmem:$0x100];
	_ =	sdelay $0x4  }
0xd3: {  	v4 =	vshll.u32 v3, $0x1  }
0xd4: {  	v3 =	vand.u32 $0x7, v3;
	v4 =	vand.u32 $0xFFFFFFF0, v4  }
0xd5: {  	v3 =	vor.u32 v3, v4  }
0xd6: {  	v4 =	vperm.xlane v3, v0;
	_ =	sdelay $0x1  }
0xd7: {  	v3 =	vperm.xlane v3, v2;
	v4 =	vadd.s32 v1, v4;
	_ =	sdelay $0x1  }
0xd8: {  	v3 =	vadd.s32 v1, v3;
	_ =	sdelay $0x1  }
0xd9: {  	s20 =	simm.s32 $0x10180  }
0xda: {  	[tilespmem:s20], [sflag:$0x3] =	stream.indirect_vreg.gather [hbm4b:s9+s18], $0x80, v4, vm0, $0xb8;
	[tilespmem:$0x18180] =	vst v63  }
0xdb: {  	_ = 	snop  }
0xdc: {  	[tilespmem:s23], [sflag:$0x3] =	stream.indirect_vreg.gather [hbm4b:s9+s18], $0x80, v3, vm0, $0xb8;
	[tilespmem:$0x18180] =	vst v63  }
0xdd: {  	v3 =	vld [tilespmem:$0x110];
	_ =	sdelay $0x4  }
0xde: {  	v4 =	vshll.u32 v3, $0x1  }
0xdf: {  	v3 =	vand.u32 $0x7, v3;
	v4 =	vand.u32 $0xFFFFFFF0, v4  }
0xe0: {  	v3 =	vor.u32 v3, v4  }
0xe1: {  	v4 =	vperm.xlane v3, v0;
	_ =	sdelay $0x1  }
0xe2: {  	v3 =	vperm.xlane v3, v2;
	v4 =	vadd.s32 v1, v4;
	_ =	sdelay $0x1  }
0xe3: {  	v3 =	vadd.s32 v1, v3;
	_ =	sdelay $0x2  }
0xe4: {  	[tilespmem:s24], [sflag:$0x3] =	stream.indirect_vreg.gather [hbm4b:s9+s18], $0x80, v4, vm0, $0xb8;
	[tilespmem:$0x18180] =	vst v63  }
0xe5: {  	_ = 	snop  }
0xe6: {  	[tilespmem:s25], [sflag:$0x3] =	stream.indirect_vreg.gather [hbm4b:s9+s18], $0x80, v3, vm0, $0xb8;
	[tilespmem:$0x18180] =	vst v63  }
0xe7: {  	v3 =	vld [tilespmem:$0x120];
	_ =	sdelay $0x4  }
0xe8: {  	v4 =	vshll.u32 v3, $0x1  }
0xe9: {  	v3 =	vand.u32 $0x7, v3;
	v4 =	vand.u32 $0xFFFFFFF0, v4  }
0xea: {  	v3 =	vor.u32 v3, v4  }
0xeb: {  	v4 =	vperm.xlane v3, v0;
	_ =	sdelay $0x1  }
0xec: {  	v3 =	vperm.xlane v3, v2;
	v4 =	vadd.s32 v1, v4;
	_ =	sdelay $0x1  }
0xed: {  	v3 =	vadd.s32 v1, v3;
	_ =	sdelay $0x2  }
0xee: {  	[tilespmem:s26], [sflag:$0x3] =	stream.indirect_vreg.gather [hbm4b:s9+s18], $0x80, v4, vm0, $0xb8;
	[tilespmem:$0x18180] =	vst v63  }
0xef: {  	_ = 	snop  }
0xf0: {  	[tilespmem:s28], [sflag:$0x3] =	stream.indirect_vreg.gather [hbm4b:s9+s18], $0x80, v3, vm0, $0xb8;
	[tilespmem:$0x18180] =	vst v63  }
0xf1: {  	v3 =	vld [tilespmem:$0x130];
	_ =	sdelay $0x4  }
0xf2: {  	v4 =	vshll.u32 v3, $0x1  }
0xf3: {  	v3 =	vand.u32 $0x7, v3;
	v4 =	vand.u32 $0xFFFFFFF0, v4  }
0xf4: {  	v3 =	vor.u32 v3, v4  }
0xf5: {  	v4 =	vperm.xlane v3, v0;
	_ =	sdelay $0x1  }
0xf6: {  	v3 =	vperm.xlane v3, v2;
	v4 =	vadd.s32 v1, v4;
	_ =	sdelay $0x1  }
0xf7: {  	v3 =	vadd.s32 v1, v3;
	_ =	sdelay $0x2  }
0xf8: {  	[tilespmem:s29], [sflag:$0x3] =	stream.indirect_vreg.gather [hbm4b:s9+s18], $0x80, v4, vm0, $0xb8;
	[tilespmem:$0x18180] =	vst v63  }
0xf9: {  	_ = 	snop  }
0xfa: {  	[tilespmem:s30], [sflag:$0x3] =	stream.indirect_vreg.gather [hbm4b:s9+s18], $0x80, v3, vm0, $0xb8;
	[tilespmem:$0x18180] =	vst v63  }
0xfb: {  	v3 =	vld [tilespmem:$0x140];
	_ =	sdelay $0x4  }
0xfc: {  	v4 =	vshll.u32 v3, $0x1  }
0xfd: {  	v3 =	vand.u32 $0x7, v3;
	v4 =	vand.u32 $0xFFFFFFF0, v4  }
0xfe: {  	v3 =	vor.u32 v3, v4  }
0xff: {  	v4 =	vperm.xlane v3, v0;
	_ =	sdelay $0x1  }
0x100: {  	v3 =	vperm.xlane v3, v2;
	v4 =	vadd.s32 v1, v4;
	_ =	sdelay $0x1  }
0x101: {  	v3 =	vadd.s32 v1, v3;
	_ =	sdelay $0x2  }
0x102: {  	[tilespmem:s31], [sflag:$0x3] =	stream.indirect_vreg.gather [hbm4b:s9+s18], $0x80, v4, vm0, $0xb8;
	[tilespmem:$0x18180] =	vst v63  }
0x103: {  	_ = 	snop  }
0x104: {  	[tilespmem:s0], [sflag:$0x3] =	stream.indirect_vreg.gather [hbm4b:s9+s18], $0x80, v3, vm0, $0xb8;
	[tilespmem:$0x18180] =	vst v63  }
0x105: {  	v3 =	vld [tilespmem:$0x150];
	_ =	sdelay $0x4  }
0x106: {  	v4 =	vshll.u32 v3, $0x1  }
0x107: {  	v3 =	vand.u32 $0x7, v3;
	v4 =	vand.u32 $0xFFFFFFF0, v4  }
0x108: {  	v3 =	vor.u32 v3, v4  }
0x109: {  	v4 =	vperm.xlane v3, v0;
	_ =	sdelay $0x1  }
0x10a: {  	v3 =	vperm.xlane v3, v2;
	v4 =	vadd.s32 v1, v4;
	_ =	sdelay $0x1  }
0x10b: {  	v3 =	vadd.s32 v1, v3;
	_ =	sdelay $0x2  }
0x10c: {  	[tilespmem:s6], [sflag:$0x3] =	stream.indirect_vreg.gather [hbm4b:s9+s18], $0x80, v4, vm0, $0xb8;
	[tilespmem:$0x18180] =	vst v63  }
0x10d: {  	_ = 	snop  }
0x10e: {  	[tilespmem:s11], [sflag:$0x3] =	stream.indirect_vreg.gather [hbm4b:s9+s18], $0x80, v3, vm0, $0xb8;
	[tilespmem:$0x18180] =	vst v63  }
0x10f: {  	v3 =	vld [tilespmem:$0x160];
	_ =	sdelay $0x4  }
0x110: {  	v4 =	vshll.u32 v3, $0x1  }
0x111: {  	v3 =	vand.u32 $0x7, v3;
	v4 =	vand.u32 $0xFFFFFFF0, v4  }
0x112: {  	v3 =	vor.u32 v3, v4  }
0x113: {  	v4 =	vperm.xlane v3, v0;
	_ =	sdelay $0x1  }
0x114: {  	v3 =	vperm.xlane v3, v2;
	v4 =	vadd.s32 v1, v4;
	_ =	sdelay $0x1  }
0x115: {  	v3 =	vadd.s32 v1, v3;
	_ =	sdelay $0x2  }
0x116: {  	[tilespmem:s1], [sflag:$0x3] =	stream.indirect_vreg.gather [hbm4b:s9+s18], $0x80, v4, vm0, $0xb8;
	[tilespmem:$0x18180] =	vst v63  }
0x117: {  	_ = 	snop  }
0x118: {  	[tilespmem:s2], [sflag:$0x3] =	stream.indirect_vreg.gather [hbm4b:s9+s18], $0x80, v3, vm0, $0xb8;
	[tilespmem:$0x18180] =	vst v63  }
0x119: {  	v3 =	vld [tilespmem:$0x170];
	_ =	sdelay $0x4  }
0x11a: {  	v4 =	vshll.u32 v3, $0x1  }
0x11b: {  	v3 =	vand.u32 $0x7, v3;
	v4 =	vand.u32 $0xFFFFFFF0, v4  }
0x11c: {  	v3 =	vor.u32 v3, v4  }
0x11d: {  	v4 =	vperm.xlane v3, v0;
	_ =	sdelay $0x1  }
0x11e: {  	v3 =	vperm.xlane v3, v2;
	v4 =	vadd.s32 v1, v4;
	_ =	sdelay $0x1  }
0x11f: {  	v3 =	vadd.s32 v1, v3;
	_ =	sdelay $0x2  }
0x120: {  	[tilespmem:s3], [sflag:$0x3] =	stream.indirect_vreg.gather [hbm4b:s9+s18], $0x80, v4, vm0, $0xb8;
	[tilespmem:$0x18180] =	vst v63  }
0x121: {  	_ = 	snop  }
0x122: {  	[tilespmem:s4], [sflag:$0x3] =	stream.indirect_vreg.gather [hbm4b:s9+s18], $0x80, v3, vm0, $0xb8;
	[tilespmem:$0x18180] =	vst v63  }
0x123: {  	_ =	swait.ge [sflag:s5], $0x8000  }
0x124: {  	[sflag:s5] =	ssyncset.done $0x0  }
0x125: {  	[sflag:s5] =	ssyncadd.s32 $0xFFFF8000  }
0x126: {  	_ =	swait.ge [sflag:s13], $0x8000  }
0x127: {  	[sflag:s13] =	ssyncset.done $0x0  }
0x128: {  	[sflag:s13] =	ssyncadd.s32 $0xFFFF8000  }
0x129: {  	_ =	swait.ge [sflag:s14], $0x8000  }
0x12a: {  	s21 =	sand.u32 $0x7800, s18;
	s22 =	sand.u32 $0x380, s18;
	[sflag:s14] =	ssyncset.done $0x0  }
0x12b: {  	s19 =	sor.u32 s22, s21;
	[sflag:s14] =	ssyncadd.s32 $0xFFFF8000  }
0x12c: {  	v17 =	vld [tilespmem:s19+$0x10180]  }
0x12d: {  	v18 =	vld [tilespmem:s19+$0x10190]  }
0x12e: {  	v19 =	vld [tilespmem:s19+$0x101A0]  }
0x12f: {  	v21 =	vld [tilespmem:s19+$0x101B0]  }
0x130: {  	v22 =	vld [tilespmem:s19+$0x101C0]  }
0x131: {  	v23 =	vld [tilespmem:s19+$0x101D0]  }
0x132: {  	v24 =	vld [tilespmem:s19+$0x101E0]  }
0x133: {  	v9 =	vld [tilespmem:s19+$0x101F0]  }
0x134: {  	v8 =	vld [tilespmem:s19+$0x10580]  }
0x135: {  	v7 =	vld [tilespmem:s19+$0x10590]  }
0x136: {  	v6 =	vld [tilespmem:s19+$0x105A0]  }
0x137: {  	v5 =	vld [tilespmem:s19+$0x105B0]  }
0x138: {  	v4 =	vld [tilespmem:s19+$0x105C0]  }
0x139: {  	v3 =	vld [tilespmem:s19+$0x105D0]  }
0x13a: {  	v20 =	vld [tilespmem:s19+$0x8180]  }
0x13b: {  	v25 =	vld [tilespmem:s19+$0x8190]  }
0x13c: {  	v26 =	vld [tilespmem:s19+$0x81A0]  }
0x13d: {  	v27 =	vld [tilespmem:s19+$0x81B0]  }
0x13e: {  	v28 =	vld [tilespmem:s19+$0x81C0]  }
0x13f: {  	v29 =	vld [tilespmem:s19+$0x81D0]  }
0x140: {  	v30 =	vld [tilespmem:s19+$0x81E0]  }
0x141: {  	v31 =	vld [tilespmem:s19+$0x81F0]  }
0x142: {  	v32 =	vld [tilespmem:s19+$0x8580]  }
0x143: {  	v16 =	vld [tilespmem:s19+$0x8590]  }
0x144: {  	v15 =	vld [tilespmem:s19+$0x85A0]  }
0x145: {  	v14 =	vld [tilespmem:s19+$0x85B0]  }
0x146: {  	v13 =	vld [tilespmem:s19+$0x85C0]  }
0x147: {  	v12 =	vld [tilespmem:s19+$0x85D0]  }
0x148: {  	v11 =	vld [tilespmem:s19+$0x85E0]  }
0x149: {  	v10 =	vld [tilespmem:s19+$0x85F0]  }
0x14a: {  	v33 =	vld [tilespmem:s19+$0x180]  }
0x14b: {  	v34 =	vld [tilespmem:s19+$0x190]  }
0x14c: {  	v35 =	vld [tilespmem:s19+$0x1A0]  }
0x14d: {  	v36 =	vld [tilespmem:s19+$0x1B0]  }
0x14e: {  	v37 =	vld [tilespmem:s19+$0x1C0]  }
0x14f: {  	v60 =	vld [tilespmem:s19+$0x1D0];
	v20 =	vadd.f32 v20, v33  }
0x150: {  	v61 =	vld [tilespmem:s19+$0x1E0];
	v25 =	vadd.f32 v25, v34  }
0x151: {  	v17 =	vadd.f32 v17, v20;
	v20 =	vadd.f32 v26, v35;
	v26 =	vld [tilespmem:s19+$0x1F0]  }
0x152: {  	v18 =	vadd.f32 v18, v25;
	v25 =	vadd.f32 v27, v36;
	v27 =	vld [tilespmem:s19+$0x580]  }
0x153: {  	[tilespmem:s19+$0x180] =	vst v17;
	v17 =	vadd.f32 v19, v20;
	v19 =	vadd.f32 v28, v37;
	v20 =	vld [tilespmem:s19+$0x590]  }
0x154: {  	v62 =	vadd.f32 v29, v60;
	[tilespmem:s19+$0x190] =	vst v18;
	v25 =	vadd.f32 v21, v25;
	v21 =	vld [tilespmem:s19+$0x5A0]  }
0x155: {  	v63 =	vadd.f32 v30, v61;
	v18 =	vld [tilespmem:s19+$0x5B0];
	[tilespmem:s19+$0x1A0] =	vst v17;
	v17 =	vadd.f32 v22, v19  }
0x156: {  	[tilespmem:s19+$0x1B0] =	vst v25;
	v22 =	vadd.f32 v23, v62;
	v19 =	vld [tilespmem:s19+$0x5C0];
	v23 =	vadd.f32 v31, v26  }
0x157: {  	s20 =	simm.s32 $0x100;
	v25 =	vadd.f32 v24, v63;
	v24 =	vadd.f32 v32, v27;
	[tilespmem:s19+$0x1C0] =	vst v17;
	v17 =	vld [tilespmem:s19+$0x5D0]  }
.LBB2_3:
0x158: {  	p0 =	sne.s32 s20, $0x7F00;
	[tilespmem:s19+$0x1D0] =	vst v22;
	v9 =	vadd.f32 v9, v23;
	v16 =	vadd.f32 v16, v20;
	v20 =	vld [tilespmem:s19+$0x5E0]  }
0x159: {  	s18 =	sadd.s32 $0x80, s18;
	[tilespmem:s19+$0x1E0] =	vst v25;
	v8 =	vadd.f32 v8, v24;
	v15 =	vadd.f32 v15, v21;
	v21 =	vld [tilespmem:s19+$0x5F0]  }
0x15a: {  	s21 =	sand.u32 $0x7800, s20;
	s22 =	sand.u32 $0x380, s18;
	[tilespmem:s19+$0x1F0] =	vst v9;
	v7 =	vadd.f32 v7, v16;
	v9 =	vadd.f32 v14, v18;
	v14 =	vld [tilespmem:s19+$0x105E0]  }
0x15b: {  	s21 =	sor.u32 s22, s21;
	[tilespmem:s19+$0x580] =	vst v8;
	v6 =	vadd.f32 v6, v15;
	v8 =	vadd.f32 v13, v19;
	v13 =	vld [tilespmem:s19+$0x105F0]  }
0x15c: {  	v18 =	vld [tilespmem:s21+$0x10180];
	[tilespmem:s19+$0x590] =	vst v7;
	v5 =	vadd.f32 v5, v9;
	v7 =	vadd.f32 v12, v17  }
0x15d: {  	v17 =	vld [tilespmem:s21+$0x10190];
	[tilespmem:s19+$0x5A0] =	vst v6;
	v4 =	vadd.f32 v4, v8;
	v6 =	vadd.f32 v11, v20  }
0x15e: {  	v19 =	vld [tilespmem:s21+$0x101A0];
	[tilespmem:s19+$0x5B0] =	vst v5;
	v3 =	vadd.f32 v3, v7;
	v5 =	vadd.f32 v10, v21  }
0x15f: {  	v21 =	vld [tilespmem:s21+$0x101B0];
	[tilespmem:s19+$0x5C0] =	vst v4;
	v4 =	vadd.f32 v14, v6  }
0x160: {  	v22 =	vld [tilespmem:s21+$0x101C0];
	[tilespmem:s19+$0x5D0] =	vst v3;
	v3 =	vadd.f32 v13, v5  }
0x161: {  	v23 =	vld [tilespmem:s21+$0x101D0];
	[tilespmem:s19+$0x5E0] =	vst v4  }
0x162: {  	v24 =	vld [tilespmem:s21+$0x101E0];
	[tilespmem:s19+$0x5F0] =	vst v3;
	s19 =	smov.u32 s21  }
0x163: {  	v9 =	vld [tilespmem:s19+$0x101F0]  }
0x164: {  	v8 =	vld [tilespmem:s19+$0x10580]  }
0x165: {  	v7 =	vld [tilespmem:s19+$0x10590]  }
0x166: {  	v6 =	vld [tilespmem:s19+$0x105A0]  }
0x167: {  	v5 =	vld [tilespmem:s19+$0x105B0]  }
0x168: {  	v4 =	vld [tilespmem:s19+$0x105C0]  }
0x169: {  	v3 =	vld [tilespmem:s19+$0x105D0]  }
0x16a: {  	v20 =	vld [tilespmem:s19+$0x8180]  }
0x16b: {  	v25 =	vld [tilespmem:s19+$0x8190]  }
0x16c: {  	v26 =	vld [tilespmem:s19+$0x81A0]  }
0x16d: {  	v27 =	vld [tilespmem:s19+$0x81B0]  }
0x16e: {  	v28 =	vld [tilespmem:s19+$0x81C0]  }
0x16f: {  	v29 =	vld [tilespmem:s19+$0x81D0]  }
0x170: {  	v30 =	vld [tilespmem:s19+$0x81E0]  }
0x171: {  	v31 =	vld [tilespmem:s19+$0x81F0]  }
0x172: {  	v32 =	vld [tilespmem:s19+$0x8580]  }
0x173: {  	v16 =	vld [tilespmem:s19+$0x8590]  }
0x174: {  	v15 =	vld [tilespmem:s19+$0x85A0]  }
0x175: {  	v14 =	vld [tilespmem:s19+$0x85B0]  }
0x176: {  	v13 =	vld [tilespmem:s19+$0x85C0]  }
0x177: {  	v12 =	vld [tilespmem:s19+$0x85D0]  }
0x178: {  	v11 =	vld [tilespmem:s19+$0x85E0]  }
0x179: {  	v10 =	vld [tilespmem:s19+$0x85F0]  }
0x17a: {  	v33 =	vld [tilespmem:s19+$0x180]  }
0x17b: {  	v34 =	vld [tilespmem:s19+$0x190]  }
0x17c: {  	v35 =	vld [tilespmem:s19+$0x1A0]  }
0x17d: {  	v36 =	vld [tilespmem:s19+$0x1B0]  }
0x17e: {  	v37 =	vld [tilespmem:s19+$0x1C0]  }
0x17f: {  	v20 =	vadd.f32 v20, v33;
	v33 =	vld [tilespmem:s19+$0x1D0]  }
0x180: {  	v25 =	vadd.f32 v25, v34;
	v34 =	vld [tilespmem:s19+$0x1E0]  }
0x181: {  	v18 =	vadd.f32 v18, v20;
	v20 =	vadd.f32 v26, v35;
	v26 =	vld [tilespmem:s19+$0x1F0]  }
0x182: {  	v17 =	vadd.f32 v17, v25;
	v25 =	vadd.f32 v27, v36;
	v27 =	vld [tilespmem:s19+$0x580]  }
.Ltmp0:
0x183: {  	[tilespmem:s19+$0x180] =	vst v18;
	v18 =	vadd.f32 v19, v20;
	v19 =	vadd.f32 v28, v37;
	v20 =	vld [tilespmem:s19+$0x590];
	(pc) =	sbr.rel @p0 .LBB2_3-.Ltmp0, $4  }
0x184: {  	[tilespmem:s19+$0x190] =	vst v17;
	v17 =	vadd.f32 v21, v25;
	v25 =	vadd.f32 v29, v33;
	v21 =	vld [tilespmem:s19+$0x5A0]  }
0x185: {  	[tilespmem:s19+$0x1A0] =	vst v18;
	v28 =	vadd.f32 v22, v19;
	v29 =	vadd.f32 v30, v34;
	v18 =	vld [tilespmem:s19+$0x5B0]  }
0x186: {  	[tilespmem:s19+$0x1B0] =	vst v17;
	v22 =	vadd.f32 v23, v25;
	v23 =	vadd.f32 v31, v26;
	v19 =	vld [tilespmem:s19+$0x5C0]  }
0x187: {  	s20 =	sadd.s32 $0x100, s20;
	[tilespmem:s19+$0x1C0] =	vst v28;
	v25 =	vadd.f32 v24, v29;
	v24 =	vadd.f32 v32, v27;
	v17 =	vld [tilespmem:s19+$0x5D0]  }
0x188: {  	[tilespmem:s19+$0x1D0] =	vst v22;
	v9 =	vadd.f32 v9, v23;
	v54 =	vld [tilespmem:s19+$0x5E0];
	v16 =	vadd.f32 v16, v20  }
0x189: {  	v55 =	vld [tilespmem:s19+$0x5F0];
	[tilespmem:s19+$0x1E0] =	vst v25;
	v8 =	vadd.f32 v8, v24;
	v56 =	vadd.f32 v15, v21  }
0x18a: {  	v57 =	vld [tilespmem:s19+$0x105E0];
	[tilespmem:s19+$0x1F0] =	vst v9;
	v7 =	vadd.f32 v7, v16;
	v14 =	vadd.f32 v14, v18  }
0x18b: {  	v59 =	vld [tilespmem:s19+$0x105F0];
	[tilespmem:s19+$0x580] =	vst v8;
	v6 =	vadd.f32 v6, v56;
	v58 =	vadd.f32 v13, v19  }
0x18c: {  	[tilespmem:s19+$0x590] =	vst v7;
	v5 =	vadd.f32 v5, v14;
	v60 =	vadd.f32 v12, v17  }
0x18d: {  	[tilespmem:s19+$0x5A0] =	vst v6;
	v4 =	vadd.f32 v4, v58;
	v61 =	vadd.f32 v11, v54  }
0x18e: {  	v62 =	vadd.f32 v10, v55;
	[tilespmem:s19+$0x5B0] =	vst v5;
	v3 =	vadd.f32 v3, v60  }
0x18f: {  	[tilespmem:s19+$0x5C0] =	vst v4;
	v63 =	vadd.f32 v57, v61  }
0x190: {  	s16 =	sadd.s32 $0x1, s16;
	[tilespmem:s19+$0x5D0] =	vst v3;
	v3 =	vadd.f32 v59, v62  }
0x191: {  	s17 =	sshll.u32 s17, $0x5;
	s18 =	rddreg [dreg:$0x4];
	p0 =	sne.s32 s16, $0x4;
	[tilespmem:s19+$0x5E0] =	vst v63  }
.Ltmp1:
0x192: {  	s22 =	simm.s32 $0x0;
	s17 =	sadd.s32 s18, s17;
	[tilespmem:s19+$0x5F0] =	vst v3;
	(pc) =	sbr.rel @p0 .LBB2_2-.Ltmp1, $4  }
0x193: {  	[hbm4b:s17+s22] =	stream.linear.scatter [tilespmem:s15], [sflag:$0x4], $0x8000, $0x38;
	[tilespmem:$0x18180] =	vst v63  }
0x194: {  	_ =	swait.ge [sflag:s12], $0x8000  }
0x195: {  	[sflag:s12] =	ssyncset.done $0x0  }
0x196: {  	[sflag:s12] =	ssyncadd.s32 $0xFFFF8000  }
0x197: {  	s17 =	rddreg [dreg:$0x7]  }
0x198: {  	s16 =	rddreg [dreg:$0x6];
	s17 =	sadd.s32 $0x1, s17  }
0x199: {  	p0 =	sne.s32 s17, s16  }
.Ltmp2:
0x19a: {  	_ = 	snop;
	(pc) =	sbr.rel @p0 .LBB2_1-.Ltmp2, $1  }
0x19b: {  	_ =	sdelay $0x3  }
0x19c: {  	_ =	sfence.sel $0x180000  }
0x19d: {  	[bflag:$0x0] =	sbarrier.arrive $0xFFFF  }
0x19e: {  	_ =	strace $0x90000047  }
0x19f: {  	s0 =	stileid.u32;
	[bflag:$0x2] =	sbarrier.arrive $0xFFFF  }
0x1a0: {  	p0 =	sne.s32 s0, $0x0;
	s0 =	rddreg [dreg:$0x5]  }
0x1a1: {  	s0 =	sadd.s32 @!p0 $0x100000, s0  }
0x1a2: {  	[sflag:s0] =	ssyncadd.tile.s32 @!p0 $0x1;
	_ =	shalt  }
.Lfunc_end2:
_tile_overlayer_lowered:
.L_overlay_start_2:
0x1a3: {  	(tag) =	ssettag $0x2  }
0x1a4: {  	s0 =	rddreg [dreg:$0x0];
	s2 =	stileid.u32  }
0x1a5: {  	s1 =	rddreg [dreg:$0x1];
	p0 =	sne.s32 s2, $0x0  }
0x1a6: {  	s3 =	rddreg [dreg:$0x2];
	[bflag:$0x3] =	sbarrier.arrive $0xFFFF;
	s2 =	simm.s32 @!p0 $0x1C04  }
0x1a7: {  	[timem:s3], [sflag:s2] =	dma.local @!p0 [hbm:s0], s1  }
0x1a8: {  	s0 =	simm.s32 @!p0 $0x4  }
0x1a9: {  	_ =	swait.ge @!p0 [sflag:s0], s1  }
0x1aa: {  	s1 =	ssub.s32 @!p0 $0x0, s1;
	[sflag:s0] =	ssyncset.done @!p0 $0x0  }
0x1ab: {  	[sflag:s0] =	ssyncadd.s32 @!p0 s1  }
0x1ac: {  	[bflag:$0x3] =	sbarrier.arrive $0xFFFF  }
0x1ad: {  	_ =	shalt  }

</sc_bundles>
